<compile_context>
chip_gen: v7x
topology: tpu7x:2x2x1
jax: 0.10.2.dev20260603
libtpu: 0.0.44.dev20260713+nightly
codegen_flags: <defaults>
</compile_context>

<pallas_src>
import functools

import jax
import jax.numpy as jnp
from jax import lax
from jax.experimental import pallas as pl
from jax.experimental.pallas import tpu as pltpu
from jax.experimental.pallas import tpu_sc as plsc

D = 128
_NC, _NS, _NL = 2, 16, 16
_NW = _NC * _NS
_CH = 88


def _mm_body(x_ref, w1_ref, w2_ref, b_ref, t1_ref, t2_ref):
    xb = x_ref[...]
    t1 = jnp.dot(xb, w1_ref[...], preferred_element_type=jnp.float32)
    t1_ref[...] = t1 + b_ref[0:1, :]
    t2_ref[...] = jnp.dot(xb, w2_ref[...], preferred_element_type=jnp.float32)


def _node_tables(x, W, b):
    n, d = x.shape
    blk = 1000
    w1 = W[:d]
    w2 = W[d:]
    bp = jnp.tile(b.reshape(1, D), (8, 1))
    t1, t2 = pl.pallas_call(
        _mm_body,
        grid=(n // blk,),
        in_specs=[
            pl.BlockSpec((blk, d), lambda i: (i, 0)),
            pl.BlockSpec((d, D), lambda i: (0, 0)),
            pl.BlockSpec((d, D), lambda i: (0, 0)),
            pl.BlockSpec((8, D), lambda i: (0, 0)),
        ],
        out_specs=[
            pl.BlockSpec((blk, D), lambda i: (i, 0)),
            pl.BlockSpec((blk, D), lambda i: (i, 0)),
        ],
        out_shape=[
            jax.ShapeDtypeStruct((n, D), jnp.float32),
            jax.ShapeDtypeStruct((n, D), jnp.float32),
        ],
    )(x, w1, w2, bp)
    return t1, t2


def _edge_apply(t1, t2, ei_flat):
    E = ei_flat.shape[0] // 2
    epw = E // _NW
    nchunk = epw // _CH
    tail = epw - nchunk * _CH
    assert nchunk % 3 == 2 and nchunk >= 5 and tail % 8 == 0
    ntri = (nchunk - 2) // 3
    mesh = plsc.VectorSubcoreMesh(
        core_axis_name="c", subcore_axis_name="s",
        num_cores=_NC, num_subcores=_NS,
    )

    gbuf = pltpu.VMEM((_CH, D), jnp.float32)
    obuf = pltpu.VMEM((_CH, D), jnp.float32)

    @functools.partial(
        pl.kernel,
        out_type=jax.ShapeDtypeStruct((E, D), jnp.float32),
        mesh=mesh,
        scratch_types=[
            pltpu.VMEM((epw,), jnp.int32),
            pltpu.VMEM((epw,), jnp.int32),
            gbuf, gbuf, obuf, gbuf, gbuf, obuf, gbuf, gbuf, obuf,
        ] + [pltpu.SemaphoreType.DMA] * 9,
    )
    def k(t1_hbm, t2_hbm, ei_hbm, out_hbm,
          srcv, dstv, ba0, bb0, bo0, ba1, bb1, bo1, ba2, bb2, bo2,
          sga0, sgb0, so0, sga1, sgb1, so1, sga2, sgb2, so2):
        wid = lax.axis_index("s") * _NC + lax.axis_index("c")
        ebase = wid * epw
        pltpu.sync_copy(ei_hbm.at[pl.ds(ebase, epw)], srcv)
        pltpu.sync_copy(ei_hbm.at[pl.ds(E + ebase, epw)], dstv)

        bufs = ((ba0, bb0, bo0, sga0, sgb0, so0),
                (ba1, bb1, bo1, sga1, sgb1, so1),
                (ba2, bb2, bo2, sga2, sgb2, so2))

        def gathers(c, s):
            ba, bb, _, sga, sgb, _ = bufs[s]
            off = c * _CH
            cpa = pltpu.make_async_copy(
                t1_hbm.at[srcv.at[pl.ds(off, _CH)]], ba, sga)
            cpb = pltpu.make_async_copy(
                t2_hbm.at[dstv.at[pl.ds(off, _CH)]], bb, sgb)
            return cpa, cpb

        def store_cp(c, s):
            _, _, bo, _, _, so = bufs[s]
            return pltpu.make_async_copy(
                bo, out_hbm.at[pl.ds(ebase + c * _CH, _CH)], so)

        def fire(c, s):
            cpa, cpb = gathers(c, s)
            cpa.start()
            cpb.start()

        def wait_gathers(c, s):
            cpa, cpb = gathers(c, s)
            cpa.wait()
            cpb.wait()

        def compute(s):
            ba, bb, bo, *_ = bufs[s]

            @plsc.parallel_loop(0, _CH, step=1, unroll=4)
            def _row(r):
                for j in range(D // _NL):
                    sl = pl.ds(j * _NL, _NL)
                    bo[r, sl] = jnp.maximum(ba[r, sl] + bb[r, sl], 0.0)

        fire(0, 0)
        fire(1, 1)
        fire(2, 2)

        def tri(q, carry):
            for s in range(3):
                c = 3 * q + s
                wait_gathers(c, s)

                @pl.when(q > 0)
                def _():
                    store_cp(c - 3, s).wait()

                compute(s)
                store_cp(c, s).start()
                if s < 2:
                    fire(c + 3, s)
                else:
                    @pl.when(q < ntri - 1)
                    def _():
                        fire(c + 3, s)
            return carry

        lax.fori_loop(0, ntri, tri, 0)

        if tail:
            toff = nchunk * _CH
            tail_ga = pltpu.make_async_copy(
                t1_hbm.at[srcv.at[pl.ds(toff, tail)]],
                ba2.at[pl.ds(0, tail)], sga2)
            tail_gb = pltpu.make_async_copy(
                t2_hbm.at[dstv.at[pl.ds(toff, tail)]],
                bb2.at[pl.ds(0, tail)], sgb2)
            tail_st = pltpu.make_async_copy(
                bo2.at[pl.ds(0, tail)],
                out_hbm.at[pl.ds(ebase + toff, tail)], so2)
            tail_ga.start()
            tail_gb.start()

        for s, c in ((0, nchunk - 2), (1, nchunk - 1)):
            wait_gathers(c, s)
            store_cp(c - 3, s).wait()
            compute(s)
            store_cp(c, s).start()

        if tail:
            tail_ga.wait()
            tail_gb.wait()
            store_cp(nchunk - 3, 2).wait()

            @plsc.parallel_loop(0, tail, step=1, unroll=4)
            def _trow(r):
                for j in range(D // _NL):
                    sl = pl.ds(j * _NL, _NL)
                    bo2[r, sl] = jnp.maximum(ba2[r, sl] + bb2[r, sl], 0.0)

            tail_st.start()
        else:
            store_cp(nchunk - 3, 2).wait()
        store_cp(nchunk - 2, 0).wait()
        store_cp(nchunk - 1, 1).wait()
        if tail:
            tail_st.wait()

    return k(t1, t2, ei_flat)


def kernel(x, edge_index, W, b):
    t1, t2 = _node_tables(x, W, b)
    return _edge_apply(t1, t2, edge_index.reshape(-1))

# --- scband reference (transcript-rebuilt; emitter-appended) ---
"""Pipeline reference for scband-h-h-edge-apply-moudle-47682726921127 (READ-ONLY COPY).

The authoritative reference and input builder live on the scoring server;
editing this copy changes nothing except your own understanding.
"""

import jax, jax.numpy as jnp
import numpy as np

N_NODES = 10000
N_EDGES = 320000
D_FEAT = 128
D_IN = 2 * D_FEAT  # 256, per CONFIG.G_E_L_S = [256, 128]
D_OUT = 128


def setup_inputs(seed: int = 0) -> dict:
    key = jax.random.key(seed)
    k1, k2, k3 = jax.random.split(key, 3)
    x = jax.random.normal(k1, (N_NODES, D_FEAT), dtype=jnp.float32)
    edge_index = jax.random.randint(k2, (2, N_EDGES), 0, N_NODES, dtype=jnp.int32)
    # MLP params for edge_fc: single layer 256 -> 128 with bias (G_E_B=True), relu (G_E_A)
    W = jax.random.normal(k3, (D_IN, D_OUT), dtype=jnp.float32) * 0.05
    b = jnp.zeros((D_OUT,), dtype=jnp.float32)
    return {"x": x, "edge_index": edge_index, "W": W, "b": b}


def reference(x, edge_index, W, b):
    # DGL edge-apply: edge.src['n_f'] and edge.dst['n_f'] are gathers of node
    # features over the edge endpoint indices.
    src_feat = jnp.take(x, edge_index[0], axis=0)   # [E, d_feat]
    dst_feat = jnp.take(x, edge_index[1], axis=0)   # [E, d_feat]
    feat = jnp.concatenate([src_feat, dst_feat], axis=1)  # [E, 2*d_feat]
    # edge_fc MLP: linear + relu (no BN, no dropout at inference)
    e_feat = jax.nn.relu(feat @ W + b)  # [E, d_out]
    return e_feat

if __name__ == "__main__":
    import jax
    _d = setup_inputs()
    print(jax.jit(kernel)(*tuple(_d.values())))

</pallas_src>

<mosaic_0001>
#map = affine_map<(d0, d1) -> (0, 0)>
#map1 = affine_map<(d0, d1) -> (0)>
module attributes {stable_mosaic.version = 14 : i64} {
  func.func @k(%arg0: i32, %arg1: i32, %arg2: memref<10000x128xf32, #tpu.memory_space<hbm>>, %arg3: memref<10000x128xf32, #tpu.memory_space<hbm>>, %arg4: memref<640000xi32, #tpu.memory_space<hbm>>, %arg5: memref<320000x128xf32, #tpu.memory_space<hbm>>, %arg6: memref<10000xi32, #tpu.memory_space<vmem>>, %arg7: memref<10000xi32, #tpu.memory_space<vmem>>, %arg8: memref<88x128xf32, #tpu.memory_space<vmem>>, %arg9: memref<88x128xf32, #tpu.memory_space<vmem>>, %arg10: memref<88x128xf32, #tpu.memory_space<vmem>>, %arg11: memref<88x128xf32, #tpu.memory_space<vmem>>, %arg12: memref<88x128xf32, #tpu.memory_space<vmem>>, %arg13: memref<88x128xf32, #tpu.memory_space<vmem>>, %arg14: memref<88x128xf32, #tpu.memory_space<vmem>>, %arg15: memref<88x128xf32, #tpu.memory_space<vmem>>, %arg16: memref<88x128xf32, #tpu.memory_space<vmem>>, %arg17: memref<!tpu.dma_semaphore, #tpu.memory_space<semaphore_mem>>, %arg18: memref<!tpu.dma_semaphore, #tpu.memory_space<semaphore_mem>>, %arg19: memref<!tpu.dma_semaphore, #tpu.memory_space<semaphore_mem>>, %arg20: memref<!tpu.dma_semaphore, #tpu.memory_space<semaphore_mem>>, %arg21: memref<!tpu.dma_semaphore, #tpu.memory_space<semaphore_mem>>, %arg22: memref<!tpu.dma_semaphore, #tpu.memory_space<semaphore_mem>>, %arg23: memref<!tpu.dma_semaphore, #tpu.memory_space<semaphore_mem>>, %arg24: memref<!tpu.dma_semaphore, #tpu.memory_space<semaphore_mem>>, %arg25: memref<!tpu.dma_semaphore, #tpu.memory_space<semaphore_mem>>) attributes {dimension_semantics = [#tpu.dimension_semantics<core_parallel>, #tpu.dimension_semantics<subcore_parallel>], iteration_bounds = array<i64: 2, 16>, scalar_prefetch = 0 : i64, scratch_operands = 20 : i64, tpu.core_type = #tpu.core_type<sc_vector_subcore>, window_params = [{transform_indices = #map}, {transform_indices = #map}, {transform_indices = #map1}, {transform_indices = #map}]} {
    %mul3A = arith.constant 2 : i32
    %mul3A_0 = arith.muli %arg1, %mul3A : i32
    %add3A = arith.addi %mul3A_0, %arg0 : i32
    %mul3A_1 = arith.constant 10000 : i32
    %mul3A_2 = arith.muli %add3A, %mul3A_1 : i32
    "tpu.region"() ({
      %run_scoped3A = tpu.sem_alloc : memref<!tpu.dma_semaphore, #tpu.memory_space<semaphore_mem>>
      %dma_start3A_162 = tpu.memref_slice %arg4[%mul3A_2] : memref<640000xi32, #tpu.memory_space<hbm>> -> memref<10000xi32, #tpu.memory_space<hbm>>
      %dma_start3A_163 = tpu.memref_slice %arg4[%mul3A_2] : memref<640000xi32, #tpu.memory_space<hbm>> -> memref<10000xi32, #tpu.memory_space<hbm>>
      tpu.enqueue_dma source(%dma_start3A_163 : memref<10000xi32, #tpu.memory_space<hbm>>) target(%arg6 : memref<10000xi32, #tpu.memory_space<vmem>>) target_semaphore(%run_scoped3A : memref<!tpu.dma_semaphore, #tpu.memory_space<semaphore_mem>>)
      %dma_wait3A_164 = tpu.memref_slice %arg4[%mul3A_2] : memref<640000xi32, #tpu.memory_space<hbm>> -> memref<10000xi32, #tpu.memory_space<hbm>>
      %dma_wait3A_165 = tpu.memref_slice %arg4[%mul3A_2] : memref<640000xi32, #tpu.memory_space<hbm>> -> memref<10000xi32, #tpu.memory_space<hbm>>
      tpu.wait_dma2 semaphore(%run_scoped3A : memref<!tpu.dma_semaphore, #tpu.memory_space<semaphore_mem>>) src(%dma_wait3A_165 : memref<10000xi32, #tpu.memory_space<hbm>>) dst(%arg6 : memref<10000xi32, #tpu.memory_space<vmem>>)
      tpu.yield
    }) : () -> ()
    %add3A_3 = arith.constant 320000 : i32
    %add3A_4 = arith.addi %add3A_3, %mul3A_2 : i32
    "tpu.region"() ({
      %run_scoped3A = tpu.sem_alloc : memref<!tpu.dma_semaphore, #tpu.memory_space<semaphore_mem>>
      %dma_start3A_162 = tpu.memref_slice %arg4[%add3A_4] : memref<640000xi32, #tpu.memory_space<hbm>> -> memref<10000xi32, #tpu.memory_space<hbm>>
      %dma_start3A_163 = tpu.memref_slice %arg4[%add3A_4] : memref<640000xi32, #tpu.memory_space<hbm>> -> memref<10000xi32, #tpu.memory_space<hbm>>
      tpu.enqueue_dma source(%dma_start3A_163 : memref<10000xi32, #tpu.memory_space<hbm>>) target(%arg7 : memref<10000xi32, #tpu.memory_space<vmem>>) target_semaphore(%run_scoped3A : memref<!tpu.dma_semaphore, #tpu.memory_space<semaphore_mem>>)
      %dma_wait3A_164 = tpu.memref_slice %arg4[%add3A_4] : memref<640000xi32, #tpu.memory_space<hbm>> -> memref<10000xi32, #tpu.memory_space<hbm>>
      %dma_wait3A_165 = tpu.memref_slice %arg4[%add3A_4] : memref<640000xi32, #tpu.memory_space<hbm>> -> memref<10000xi32, #tpu.memory_space<hbm>>
      tpu.wait_dma2 semaphore(%run_scoped3A : memref<!tpu.dma_semaphore, #tpu.memory_space<semaphore_mem>>) src(%dma_wait3A_165 : memref<10000xi32, #tpu.memory_space<hbm>>) dst(%arg7 : memref<10000xi32, #tpu.memory_space<vmem>>)
      tpu.yield
    }) : () -> ()
    %dma_start3A = arith.constant 0 : i32
    %dma_start3A_5 = tpu.memref_slice %arg6[%dma_start3A] : memref<10000xi32, #tpu.memory_space<vmem>> -> memref<88xi32, #tpu.memory_space<vmem>>
    %dma_start3A_6 = arith.constant 0 : i32
    %dma_start3A_7 = arith.constant 0 : i32
    %dma_start3A_8 = tpu.memref_slice %arg2[%dma_start3A_6, %dma_start3A_7] : memref<10000x128xf32, #tpu.memory_space<hbm>> -> memref<10000x128xf32, #tpu.memory_space<hbm>>
    tpu.enqueue_indirect_dma source(%dma_start3A_8 : memref<10000x128xf32, #tpu.memory_space<hbm>>) target(%arg8 : memref<88x128xf32, #tpu.memory_space<vmem>>) offsets(%dma_start3A_5 : memref<88xi32, #tpu.memory_space<vmem>>) semaphore(%arg17 : memref<!tpu.dma_semaphore, #tpu.memory_space<semaphore_mem>>)
    %dma_start3A_9 = arith.constant 0 : i32
    %dma_start3A_10 = tpu.memref_slice %arg7[%dma_start3A_9] : memref<10000xi32, #tpu.memory_space<vmem>> -> memref<88xi32, #tpu.memory_space<vmem>>
    %dma_start3A_11 = arith.constant 0 : i32
    %dma_start3A_12 = arith.constant 0 : i32
    %dma_start3A_13 = tpu.memref_slice %arg3[%dma_start3A_11, %dma_start3A_12] : memref<10000x128xf32, #tpu.memory_space<hbm>> -> memref<10000x128xf32, #tpu.memory_space<hbm>>
    tpu.enqueue_indirect_dma source(%dma_start3A_13 : memref<10000x128xf32, #tpu.memory_space<hbm>>) target(%arg9 : memref<88x128xf32, #tpu.memory_space<vmem>>) offsets(%dma_start3A_10 : memref<88xi32, #tpu.memory_space<vmem>>) semaphore(%arg18 : memref<!tpu.dma_semaphore, #tpu.memory_space<semaphore_mem>>)
    %dma_start3A_14 = arith.constant 88 : i32
    %dma_start3A_15 = tpu.memref_slice %arg6[%dma_start3A_14] : memref<10000xi32, #tpu.memory_space<vmem>> -> memref<88xi32, #tpu.memory_space<vmem>>
    %dma_start3A_16 = arith.constant 0 : i32
    %dma_start3A_17 = arith.constant 0 : i32
    %dma_start3A_18 = tpu.memref_slice %arg2[%dma_start3A_16, %dma_start3A_17] : memref<10000x128xf32, #tpu.memory_space<hbm>> -> memref<10000x128xf32, #tpu.memory_space<hbm>>
    tpu.enqueue_indirect_dma source(%dma_start3A_18 : memref<10000x128xf32, #tpu.memory_space<hbm>>) target(%arg11 : memref<88x128xf32, #tpu.memory_space<vmem>>) offsets(%dma_start3A_15 : memref<88xi32, #tpu.memory_space<vmem>>) semaphore(%arg20 : memref<!tpu.dma_semaphore, #tpu.memory_space<semaphore_mem>>)
    %dma_start3A_19 = arith.constant 88 : i32
    %dma_start3A_20 = tpu.memref_slice %arg7[%dma_start3A_19] : memref<10000xi32, #tpu.memory_space<vmem>> -> memref<88xi32, #tpu.memory_space<vmem>>
    %dma_start3A_21 = arith.constant 0 : i32
    %dma_start3A_22 = arith.constant 0 : i32
    %dma_start3A_23 = tpu.memref_slice %arg3[%dma_start3A_21, %dma_start3A_22] : memref<10000x128xf32, #tpu.memory_space<hbm>> -> memref<10000x128xf32, #tpu.memory_space<hbm>>
    tpu.enqueue_indirect_dma source(%dma_start3A_23 : memref<10000x128xf32, #tpu.memory_space<hbm>>) target(%arg12 : memref<88x128xf32, #tpu.memory_space<vmem>>) offsets(%dma_start3A_20 : memref<88xi32, #tpu.memory_space<vmem>>) semaphore(%arg21 : memref<!tpu.dma_semaphore, #tpu.memory_space<semaphore_mem>>)
    %dma_start3A_24 = arith.constant 176 : i32
    %dma_start3A_25 = tpu.memref_slice %arg6[%dma_start3A_24] : memref<10000xi32, #tpu.memory_space<vmem>> -> memref<88xi32, #tpu.memory_space<vmem>>
    %dma_start3A_26 = arith.constant 0 : i32
    %dma_start3A_27 = arith.constant 0 : i32
    %dma_start3A_28 = tpu.memref_slice %arg2[%dma_start3A_26, %dma_start3A_27] : memref<10000x128xf32, #tpu.memory_space<hbm>> -> memref<10000x128xf32, #tpu.memory_space<hbm>>
    tpu.enqueue_indirect_dma source(%dma_start3A_28 : memref<10000x128xf32, #tpu.memory_space<hbm>>) target(%arg14 : memref<88x128xf32, #tpu.memory_space<vmem>>) offsets(%dma_start3A_25 : memref<88xi32, #tpu.memory_space<vmem>>) semaphore(%arg23 : memref<!tpu.dma_semaphore, #tpu.memory_space<semaphore_mem>>)
    %dma_start3A_29 = arith.constant 176 : i32
    %dma_start3A_30 = tpu.memref_slice %arg7[%dma_start3A_29] : memref<10000xi32, #tpu.memory_space<vmem>> -> memref<88xi32, #tpu.memory_space<vmem>>
    %dma_start3A_31 = arith.constant 0 : i32
    %dma_start3A_32 = arith.constant 0 : i32
    %dma_start3A_33 = tpu.memref_slice %arg3[%dma_start3A_31, %dma_start3A_32] : memref<10000x128xf32, #tpu.memory_space<hbm>> -> memref<10000x128xf32, #tpu.memory_space<hbm>>
    tpu.enqueue_indirect_dma source(%dma_start3A_33 : memref<10000x128xf32, #tpu.memory_space<hbm>>) target(%arg15 : memref<88x128xf32, #tpu.memory_space<vmem>>) offsets(%dma_start3A_30 : memref<88xi32, #tpu.memory_space<vmem>>) semaphore(%arg24 : memref<!tpu.dma_semaphore, #tpu.memory_space<semaphore_mem>>)
    %scan3A = arith.constant 0 : i32
    %scan3A_34 = arith.constant 0 : i32
    %scan3A_35 = arith.constant 37 : i32
    %scan3A_36 = arith.addi %scan3A_34, %scan3A_35 : i32
    %scan3A_37 = arith.constant 1 : i32
    scf.for %scan3A_162 = %scan3A_34 to %scan3A_36 step %scan3A_37  : i32 {
      %mul3A_163 = arith.constant 3 : i32
      %mul3A_164 = arith.muli %mul3A_163, %scan3A_162 : i32
      %add3A_165 = arith.constant 0 : i32
      %add3A_166 = arith.addi %mul3A_164, %add3A_165 : i32
      %mul3A_167 = arith.constant 88 : i32
      %mul3A_168 = arith.muli %add3A_166, %mul3A_167 : i32
      %dma_wait3A_169 = tpu.memref_slice %arg6[%mul3A_168] : memref<10000xi32, #tpu.memory_space<vmem>> -> memref<88xi32, #tpu.memory_space<vmem>>
      %dma_wait3A_170 = arith.constant 0 : i32
      %dma_wait3A_171 = arith.constant 0 : i32
      %dma_wait3A_172 = tpu.memref_slice %arg2[%dma_wait3A_170, %dma_wait3A_171] : memref<10000x128xf32, #tpu.memory_space<hbm>> -> memref<10000x128xf32, #tpu.memory_space<hbm>>
      tpu.wait_indirect_dma semaphore(%arg17 : memref<!tpu.dma_semaphore, #tpu.memory_space<semaphore_mem>>) src(%dma_wait3A_172 : memref<10000x128xf32, #tpu.memory_space<hbm>>) dst(%arg8 : memref<88x128xf32, #tpu.memory_space<vmem>>)
      %dma_wait3A_173 = tpu.memref_slice %arg7[%mul3A_168] : memref<10000xi32, #tpu.memory_space<vmem>> -> memref<88xi32, #tpu.memory_space<vmem>>
      %dma_wait3A_174 = arith.constant 0 : i32
      %dma_wait3A_175 = arith.constant 0 : i32
      %dma_wait3A_176 = tpu.memref_slice %arg3[%dma_wait3A_174, %dma_wait3A_175] : memref<10000x128xf32, #tpu.memory_space<hbm>> -> memref<10000x128xf32, #tpu.memory_space<hbm>>
      tpu.wait_indirect_dma semaphore(%arg18 : memref<!tpu.dma_semaphore, #tpu.memory_space<semaphore_mem>>) src(%dma_wait3A_176 : memref<10000x128xf32, #tpu.memory_space<hbm>>) dst(%arg9 : memref<88x128xf32, #tpu.memory_space<vmem>>)
      %gt3A = arith.constant 0 : i32
      %gt3A_177 = arith.cmpi sgt, %scan3A_162, %gt3A : i32
      %convert_element_type3A = arith.extui %gt3A_177 : i1 to i32
      %cond3A = arith.constant 0 : i32
      %cond3A_178 = arith.cmpi ne, %convert_element_type3A, %cond3A : i32
      scf.if %cond3A_178 {
        %sub3A = arith.constant 3 : i32
        %sub3A_275 = arith.subi %add3A_166, %sub3A : i32
        %mul3A_276 = arith.constant 88 : i32
        %mul3A_277 = arith.muli %sub3A_275, %mul3A_276 : i32
        %add3A_278 = arith.addi %mul3A_2, %mul3A_277 : i32
        %dma_wait3A_279 = arith.constant 0 : i32
        %dma_wait3A_280 = tpu.memref_slice %arg5[%add3A_278, %dma_wait3A_279] : memref<320000x128xf32, #tpu.memory_space<hbm>> -> memref<88x128xf32, #tpu.memory_space<hbm>>
        %dma_wait3A_281 = arith.constant 0 : i32
        %dma_wait3A_282 = tpu.memref_slice %arg5[%add3A_278, %dma_wait3A_281] : memref<320000x128xf32, #tpu.memory_space<hbm>> -> memref<88x128xf32, #tpu.memory_space<hbm>>
        tpu.wait_dma2 semaphore(%arg19 : memref<!tpu.dma_semaphore, #tpu.memory_space<semaphore_mem>>) src(%arg10 : memref<88x128xf32, #tpu.memory_space<vmem>>) dst(%dma_wait3A_282 : memref<88x128xf32, #tpu.memory_space<hbm>>)
      } else {
      }
      %parallel_loop3A_179 = arith.constant 0 : i32
      %parallel_loop3A_180 = arith.constant 88 : i32
      %parallel_loop3A_181 = arith.constant 1 : i32
      scf.for %parallel_loop3A_275 = %parallel_loop3A_179 to %parallel_loop3A_180 step %parallel_loop3A_181  : i32 {
        %parallel_loop3A_276 = arith.index_cast %parallel_loop3A_275 : i32 to index
        %parallel_loop3A_277 = arith.constant 0 : index
        %parallel_loop3A_278 = tpu.vector_load %arg8[%parallel_loop3A_276, %parallel_loop3A_277] {strides = array<i32>} : memref<88x128xf32, #tpu.memory_space<vmem>>, vector<1x16xf32>,
        %parallel_loop3A_279 = vector.shape_cast %parallel_loop3A_278 : vector<1x16xf32> to vector<16xf32>
        %parallel_loop3A_280 = arith.index_cast %parallel_loop3A_275 : i32 to index
        %parallel_loop3A_281 = arith.constant 0 : index
        %parallel_loop3A_282 = tpu.vector_load %arg9[%parallel_loop3A_280, %parallel_loop3A_281] {strides = array<i32>} : memref<88x128xf32, #tpu.memory_space<vmem>>, vector<1x16xf32>,
        %parallel_loop3A_283 = vector.shape_cast %parallel_loop3A_282 : vector<1x16xf32> to vector<16xf32>
        %parallel_loop3A_284 = arith.addf %parallel_loop3A_279, %parallel_loop3A_283 : vector<16xf32>
        %parallel_loop3A_285 = arith.constant 0.000000e+00 : f32
        %parallel_loop3A_286 = vector.broadcast %parallel_loop3A_285 : f32 to vector<16xf32>
        %parallel_loop3A_287 = arith.maximumf %parallel_loop3A_284, %parallel_loop3A_286 : vector<16xf32>
        %parallel_loop3A_288 = arith.index_cast %parallel_loop3A_275 : i32 to index
        %parallel_loop3A_289 = arith.constant 0 : index
        %parallel_loop3A_290 = tpu.vector_load %arg10[%parallel_loop3A_288, %parallel_loop3A_289] {strides = array<i32>} : memref<88x128xf32, #tpu.memory_space<vmem>>, vector<1x16xf32>,
        %parallel_loop3A_291 = vector.shape_cast %parallel_loop3A_290 : vector<1x16xf32> to vector<16xf32>
        %parallel_loop3A_292 = vector.shape_cast %parallel_loop3A_287 : vector<16xf32> to vector<1x16xf32>
        tpu.vector_store %arg10[%parallel_loop3A_288, %parallel_loop3A_289], %parallel_loop3A_292 {strides = array<i32>} : memref<88x128xf32, #tpu.memory_space<vmem>>, vector<1x16xf32>,
        %parallel_loop3A_293 = arith.index_cast %parallel_loop3A_275 : i32 to index
        %parallel_loop3A_294 = arith.constant 16 : index
        %parallel_loop3A_295 = tpu.vector_load %arg8[%parallel_loop3A_293, %parallel_loop3A_294] {strides = array<i32>} : memref<88x128xf32, #tpu.memory_space<vmem>>, vector<1x16xf32>,
        %parallel_loop3A_296 = vector.shape_cast %parallel_loop3A_295 : vector<1x16xf32> to vector<16xf32>
        %parallel_loop3A_297 = arith.index_cast %parallel_loop3A_275 : i32 to index
        %parallel_loop3A_298 = arith.constant 16 : index
        %parallel_loop3A_299 = tpu.vector_load %arg9[%parallel_loop3A_297, %parallel_loop3A_298] {strides = array<i32>} : memref<88x128xf32, #tpu.memory_space<vmem>>, vector<1x16xf32>,
        %parallel_loop3A_300 = vector.shape_cast %parallel_loop3A_299 : vector<1x16xf32> to vector<16xf32>
        %parallel_loop3A_301 = arith.addf %parallel_loop3A_296, %parallel_loop3A_300 : vector<16xf32>
        %parallel_loop3A_302 = arith.constant 0.000000e+00 : f32
        %parallel_loop3A_303 = vector.broadcast %parallel_loop3A_302 : f32 to vector<16xf32>
        %parallel_loop3A_304 = arith.maximumf %parallel_loop3A_301, %parallel_loop3A_303 : vector<16xf32>
        %parallel_loop3A_305 = arith.index_cast %parallel_loop3A_275 : i32 to index
        %parallel_loop3A_306 = arith.constant 16 : index
        %parallel_loop3A_307 = tpu.vector_load %arg10[%parallel_loop3A_305, %parallel_loop3A_306] {strides = array<i32>} : memref<88x128xf32, #tpu.memory_space<vmem>>, vector<1x16xf32>,
        %parallel_loop3A_308 = vector.shape_cast %parallel_loop3A_307 : vector<1x16xf32> to vector<16xf32>
        %parallel_loop3A_309 = vector.shape_cast %parallel_loop3A_304 : vector<16xf32> to vector<1x16xf32>
        tpu.vector_store %arg10[%parallel_loop3A_305, %parallel_loop3A_306], %parallel_loop3A_309 {strides = array<i32>} : memref<88x128xf32, #tpu.memory_space<vmem>>, vector<1x16xf32>,
        %parallel_loop3A_310 = arith.index_cast %parallel_loop3A_275 : i32 to index
        %parallel_loop3A_311 = arith.constant 32 : index
        %parallel_loop3A_312 = tpu.vector_load %arg8[%parallel_loop3A_310, %parallel_loop3A_311] {strides = array<i32>} : memref<88x128xf32, #tpu.memory_space<vmem>>, vector<1x16xf32>,
        %parallel_loop3A_313 = vector.shape_cast %parallel_loop3A_312 : vector<1x16xf32> to vector<16xf32>
        %parallel_loop3A_314 = arith.index_cast %parallel_loop3A_275 : i32 to index
        %parallel_loop3A_315 = arith.constant 32 : index
        %parallel_loop3A_316 = tpu.vector_load %arg9[%parallel_loop3A_314, %parallel_loop3A_315] {strides = array<i32>} : memref<88x128xf32, #tpu.memory_space<vmem>>, vector<1x16xf32>,
        %parallel_loop3A_317 = vector.shape_cast %parallel_loop3A_316 : vector<1x16xf32> to vector<16xf32>
        %parallel_loop3A_318 = arith.addf %parallel_loop3A_313, %parallel_loop3A_317 : vector<16xf32>
        %parallel_loop3A_319 = arith.constant 0.000000e+00 : f32
        %parallel_loop3A_320 = vector.broadcast %parallel_loop3A_319 : f32 to vector<16xf32>
        %parallel_loop3A_321 = arith.maximumf %parallel_loop3A_318, %parallel_loop3A_320 : vector<16xf32>
        %parallel_loop3A_322 = arith.index_cast %parallel_loop3A_275 : i32 to index
        %parallel_loop3A_323 = arith.constant 32 : index
        %parallel_loop3A_324 = tpu.vector_load %arg10[%parallel_loop3A_322, %parallel_loop3A_323] {strides = array<i32>} : memref<88x128xf32, #tpu.memory_space<vmem>>, vector<1x16xf32>,
        %parallel_loop3A_325 = vector.shape_cast %parallel_loop3A_324 : vector<1x16xf32> to vector<16xf32>
        %parallel_loop3A_326 = vector.shape_cast %parallel_loop3A_321 : vector<16xf32> to vector<1x16xf32>
        tpu.vector_store %arg10[%parallel_loop3A_322, %parallel_loop3A_323], %parallel_loop3A_326 {strides = array<i32>} : memref<88x128xf32, #tpu.memory_space<vmem>>, vector<1x16xf32>,
        %parallel_loop3A_327 = arith.index_cast %parallel_loop3A_275 : i32 to index
        %parallel_loop3A_328 = arith.constant 48 : index
        %parallel_loop3A_329 = tpu.vector_load %arg8[%parallel_loop3A_327, %parallel_loop3A_328] {strides = array<i32>} : memref<88x128xf32, #tpu.memory_space<vmem>>, vector<1x16xf32>,
        %parallel_loop3A_330 = vector.shape_cast %parallel_loop3A_329 : vector<1x16xf32> to vector<16xf32>
        %parallel_loop3A_331 = arith.index_cast %parallel_loop3A_275 : i32 to index
        %parallel_loop3A_332 = arith.constant 48 : index
        %parallel_loop3A_333 = tpu.vector_load %arg9[%parallel_loop3A_331, %parallel_loop3A_332] {strides = array<i32>} : memref<88x128xf32, #tpu.memory_space<vmem>>, vector<1x16xf32>,
        %parallel_loop3A_334 = vector.shape_cast %parallel_loop3A_333 : vector<1x16xf32> to vector<16xf32>
        %parallel_loop3A_335 = arith.addf %parallel_loop3A_330, %parallel_loop3A_334 : vector<16xf32>
        %parallel_loop3A_336 = arith.constant 0.000000e+00 : f32
        %parallel_loop3A_337 = vector.broadcast %parallel_loop3A_336 : f32 to vector<16xf32>
        %parallel_loop3A_338 = arith.maximumf %parallel_loop3A_335, %parallel_loop3A_337 : vector<16xf32>
        %parallel_loop3A_339 = arith.index_cast %parallel_loop3A_275 : i32 to index
        %parallel_loop3A_340 = arith.constant 48 : index
        %parallel_loop3A_341 = tpu.vector_load %arg10[%parallel_loop3A_339, %parallel_loop3A_340] {strides = array<i32>} : memref<88x128xf32, #tpu.memory_space<vmem>>, vector<1x16xf32>,
        %parallel_loop3A_342 = vector.shape_cast %parallel_loop3A_341 : vector<1x16xf32> to vector<16xf32>
        %parallel_loop3A_343 = vector.shape_cast %parallel_loop3A_338 : vector<16xf32> to vector<1x16xf32>
        tpu.vector_store %arg10[%parallel_loop3A_339, %parallel_loop3A_340], %parallel_loop3A_343 {strides = array<i32>} : memref<88x128xf32, #tpu.memory_space<vmem>>, vector<1x16xf32>,
        %parallel_loop3A_344 = arith.index_cast %parallel_loop3A_275 : i32 to index
        %parallel_loop3A_345 = arith.constant 64 : index
        %parallel_loop3A_346 = tpu.vector_load %arg8[%parallel_loop3A_344, %parallel_loop3A_345] {strides = array<i32>} : memref<88x128xf32, #tpu.memory_space<vmem>>, vector<1x16xf32>,
        %parallel_loop3A_347 = vector.shape_cast %parallel_loop3A_346 : vector<1x16xf32> to vector<16xf32>
        %parallel_loop3A_348 = arith.index_cast %parallel_loop3A_275 : i32 to index
        %parallel_loop3A_349 = arith.constant 64 : index
        %parallel_loop3A_350 = tpu.vector_load %arg9[%parallel_loop3A_348, %parallel_loop3A_349] {strides = array<i32>} : memref<88x128xf32, #tpu.memory_space<vmem>>, vector<1x16xf32>,
        %parallel_loop3A_351 = vector.shape_cast %parallel_loop3A_350 : vector<1x16xf32> to vector<16xf32>
        %parallel_loop3A_352 = arith.addf %parallel_loop3A_347, %parallel_loop3A_351 : vector<16xf32>
        %parallel_loop3A_353 = arith.constant 0.000000e+00 : f32
        %parallel_loop3A_354 = vector.broadcast %parallel_loop3A_353 : f32 to vector<16xf32>
        %parallel_loop3A_355 = arith.maximumf %parallel_loop3A_352, %parallel_loop3A_354 : vector<16xf32>
        %parallel_loop3A_356 = arith.index_cast %parallel_loop3A_275 : i32 to index
        %parallel_loop3A_357 = arith.constant 64 : index
        %parallel_loop3A_358 = tpu.vector_load %arg10[%parallel_loop3A_356, %parallel_loop3A_357] {strides = array<i32>} : memref<88x128xf32, #tpu.memory_space<vmem>>, vector<1x16xf32>,
        %parallel_loop3A_359 = vector.shape_cast %parallel_loop3A_358 : vector<1x16xf32> to vector<16xf32>
        %parallel_loop3A_360 = vector.shape_cast %parallel_loop3A_355 : vector<16xf32> to vector<1x16xf32>
        tpu.vector_store %arg10[%parallel_loop3A_356, %parallel_loop3A_357], %parallel_loop3A_360 {strides = array<i32>} : memref<88x128xf32, #tpu.memory_space<vmem>>, vector<1x16xf32>,
        %parallel_loop3A_361 = arith.index_cast %parallel_loop3A_275 : i32 to index
        %parallel_loop3A_362 = arith.constant 80 : index
        %parallel_loop3A_363 = tpu.vector_load %arg8[%parallel_loop3A_361, %parallel_loop3A_362] {strides = array<i32>} : memref<88x128xf32, #tpu.memory_space<vmem>>, vector<1x16xf32>,
        %parallel_loop3A_364 = vector.shape_cast %parallel_loop3A_363 : vector<1x16xf32> to vector<16xf32>
        %parallel_loop3A_365 = arith.index_cast %parallel_loop3A_275 : i32 to index
        %parallel_loop3A_366 = arith.constant 80 : index
        %parallel_loop3A_367 = tpu.vector_load %arg9[%parallel_loop3A_365, %parallel_loop3A_366] {strides = array<i32>} : memref<88x128xf32, #tpu.memory_space<vmem>>, vector<1x16xf32>,
        %parallel_loop3A_368 = vector.shape_cast %parallel_loop3A_367 : vector<1x16xf32> to vector<16xf32>
        %parallel_loop3A_369 = arith.addf %parallel_loop3A_364, %parallel_loop3A_368 : vector<16xf32>
        %parallel_loop3A_370 = arith.constant 0.000000e+00 : f32
        %parallel_loop3A_371 = vector.broadcast %parallel_loop3A_370 : f32 to vector<16xf32>
        %parallel_loop3A_372 = arith.maximumf %parallel_loop3A_369, %parallel_loop3A_371 : vector<16xf32>
        %parallel_loop3A_373 = arith.index_cast %parallel_loop3A_275 : i32 to index
        %parallel_loop3A_374 = arith.constant 80 : index
        %parallel_loop3A_375 = tpu.vector_load %arg10[%parallel_loop3A_373, %parallel_loop3A_374] {strides = array<i32>} : memref<88x128xf32, #tpu.memory_space<vmem>>, vector<1x16xf32>,
        %parallel_loop3A_376 = vector.shape_cast %parallel_loop3A_375 : vector<1x16xf32> to vector<16xf32>
        %parallel_loop3A_377 = vector.shape_cast %parallel_loop3A_372 : vector<16xf32> to vector<1x16xf32>
        tpu.vector_store %arg10[%parallel_loop3A_373, %parallel_loop3A_374], %parallel_loop3A_377 {strides = array<i32>} : memref<88x128xf32, #tpu.memory_space<vmem>>, vector<1x16xf32>,
        %parallel_loop3A_378 = arith.index_cast %parallel_loop3A_275 : i32 to index
        %parallel_loop3A_379 = arith.constant 96 : index
        %parallel_loop3A_380 = tpu.vector_load %arg8[%parallel_loop3A_378, %parallel_loop3A_379] {strides = array<i32>} : memref<88x128xf32, #tpu.memory_space<vmem>>, vector<1x16xf32>,
        %parallel_loop3A_381 = vector.shape_cast %parallel_loop3A_380 : vector<1x16xf32> to vector<16xf32>
        %parallel_loop3A_382 = arith.index_cast %parallel_loop3A_275 : i32 to index
        %parallel_loop3A_383 = arith.constant 96 : index
        %parallel_loop3A_384 = tpu.vector_load %arg9[%parallel_loop3A_382, %parallel_loop3A_383] {strides = array<i32>} : memref<88x128xf32, #tpu.memory_space<vmem>>, vector<1x16xf32>,
        %parallel_loop3A_385 = vector.shape_cast %parallel_loop3A_384 : vector<1x16xf32> to vector<16xf32>
        %parallel_loop3A_386 = arith.addf %parallel_loop3A_381, %parallel_loop3A_385 : vector<16xf32>
        %parallel_loop3A_387 = arith.constant 0.000000e+00 : f32
        %parallel_loop3A_388 = vector.broadcast %parallel_loop3A_387 : f32 to vector<16xf32>
        %parallel_loop3A_389 = arith.maximumf %parallel_loop3A_386, %parallel_loop3A_388 : vector<16xf32>
        %parallel_loop3A_390 = arith.index_cast %parallel_loop3A_275 : i32 to index
        %parallel_loop3A_391 = arith.constant 96 : index
        %parallel_loop3A_392 = tpu.vector_load %arg10[%parallel_loop3A_390, %parallel_loop3A_391] {strides = array<i32>} : memref<88x128xf32, #tpu.memory_space<vmem>>, vector<1x16xf32>,
        %parallel_loop3A_393 = vector.shape_cast %parallel_loop3A_392 : vector<1x16xf32> to vector<16xf32>
        %parallel_loop3A_394 = vector.shape_cast %parallel_loop3A_389 : vector<16xf32> to vector<1x16xf32>
        tpu.vector_store %arg10[%parallel_loop3A_390, %parallel_loop3A_391], %parallel_loop3A_394 {strides = array<i32>} : memref<88x128xf32, #tpu.memory_space<vmem>>, vector<1x16xf32>,
        %parallel_loop3A_395 = arith.index_cast %parallel_loop3A_275 : i32 to index
        %parallel_loop3A_396 = arith.constant 112 : index
        %parallel_loop3A_397 = tpu.vector_load %arg8[%parallel_loop3A_395, %parallel_loop3A_396] {strides = array<i32>} : memref<88x128xf32, #tpu.memory_space<vmem>>, vector<1x16xf32>,
        %parallel_loop3A_398 = vector.shape_cast %parallel_loop3A_397 : vector<1x16xf32> to vector<16xf32>
        %parallel_loop3A_399 = arith.index_cast %parallel_loop3A_275 : i32 to index
        %parallel_loop3A_400 = arith.constant 112 : index
        %parallel_loop3A_401 = tpu.vector_load %arg9[%parallel_loop3A_399, %parallel_loop3A_400] {strides = array<i32>} : memref<88x128xf32, #tpu.memory_space<vmem>>, vector<1x16xf32>,
        %parallel_loop3A_402 = vector.shape_cast %parallel_loop3A_401 : vector<1x16xf32> to vector<16xf32>
        %parallel_loop3A_403 = arith.addf %parallel_loop3A_398, %parallel_loop3A_402 : vector<16xf32>
        %parallel_loop3A_404 = arith.constant 0.000000e+00 : f32
        %parallel_loop3A_405 = vector.broadcast %parallel_loop3A_404 : f32 to vector<16xf32>
        %parallel_loop3A_406 = arith.maximumf %parallel_loop3A_403, %parallel_loop3A_405 : vector<16xf32>
        %parallel_loop3A_407 = arith.index_cast %parallel_loop3A_275 : i32 to index
        %parallel_loop3A_408 = arith.constant 112 : index
        %parallel_loop3A_409 = tpu.vector_load %arg10[%parallel_loop3A_407, %parallel_loop3A_408] {strides = array<i32>} : memref<88x128xf32, #tpu.memory_space<vmem>>, vector<1x16xf32>,
        %parallel_loop3A_410 = vector.shape_cast %parallel_loop3A_409 : vector<1x16xf32> to vector<16xf32>
        %parallel_loop3A_411 = vector.shape_cast %parallel_loop3A_406 : vector<16xf32> to vector<1x16xf32>
        tpu.vector_store %arg10[%parallel_loop3A_407, %parallel_loop3A_408], %parallel_loop3A_411 {strides = array<i32>} : memref<88x128xf32, #tpu.memory_space<vmem>>, vector<1x16xf32>,
      } {sc.loop_unroll_factor = 4 : i64, sc.parallel_access}
      %mul3A_182 = arith.constant 88 : i32
      %mul3A_183 = arith.muli %add3A_166, %mul3A_182 : i32
      %add3A_184 = arith.addi %mul3A_2, %mul3A_183 : i32
      %dma_start3A_185 = arith.constant 0 : i32
      %dma_start3A_186 = tpu.memref_slice %arg5[%add3A_184, %dma_start3A_185] : memref<320000x128xf32, #tpu.memory_space<hbm>> -> memref<88x128xf32, #tpu.memory_space<hbm>>
      %dma_start3A_187 = arith.constant 0 : i32
      %dma_start3A_188 = tpu.memref_slice %arg5[%add3A_184, %dma_start3A_187] : memref<320000x128xf32, #tpu.memory_space<hbm>> -> memref<88x128xf32, #tpu.memory_space<hbm>>
      tpu.enqueue_dma source(%arg10 : memref<88x128xf32, #tpu.memory_space<vmem>>) target(%dma_start3A_188 : memref<88x128xf32, #tpu.memory_space<hbm>>) target_semaphore(%arg19 : memref<!tpu.dma_semaphore, #tpu.memory_space<semaphore_mem>>)
      %add3A_189 = arith.constant 3 : i32
      %add3A_190 = arith.addi %add3A_166, %add3A_189 : i32
      %mul3A_191 = arith.constant 88 : i32
      %mul3A_192 = arith.muli %add3A_190, %mul3A_191 : i32
      %dma_start3A_193 = tpu.memref_slice %arg6[%mul3A_192] : memref<10000xi32, #tpu.memory_space<vmem>> -> memref<88xi32, #tpu.memory_space<vmem>>
      %dma_start3A_194 = arith.constant 0 : i32
      %dma_start3A_195 = arith.constant 0 : i32
      %dma_start3A_196 = tpu.memref_slice %arg2[%dma_start3A_194, %dma_start3A_195] : memref<10000x128xf32, #tpu.memory_space<hbm>> -> memref<10000x128xf32, #tpu.memory_space<hbm>>
      tpu.enqueue_indirect_dma source(%dma_start3A_196 : memref<10000x128xf32, #tpu.memory_space<hbm>>) target(%arg8 : memref<88x128xf32, #tpu.memory_space<vmem>>) offsets(%dma_start3A_193 : memref<88xi32, #tpu.memory_space<vmem>>) semaphore(%arg17 : memref<!tpu.dma_semaphore, #tpu.memory_space<semaphore_mem>>)
      %dma_start3A_197 = tpu.memref_slice %arg7[%mul3A_192] : memref<10000xi32, #tpu.memory_space<vmem>> -> memref<88xi32, #tpu.memory_space<vmem>>
      %dma_start3A_198 = arith.constant 0 : i32
      %dma_start3A_199 = arith.constant 0 : i32
      %dma_start3A_200 = tpu.memref_slice %arg3[%dma_start3A_198, %dma_start3A_199] : memref<10000x128xf32, #tpu.memory_space<hbm>> -> memref<10000x128xf32, #tpu.memory_space<hbm>>
      tpu.enqueue_indirect_dma source(%dma_start3A_200 : memref<10000x128xf32, #tpu.memory_space<hbm>>) target(%arg9 : memref<88x128xf32, #tpu.memory_space<vmem>>) offsets(%dma_start3A_197 : memref<88xi32, #tpu.memory_space<vmem>>) semaphore(%arg18 : memref<!tpu.dma_semaphore, #tpu.memory_space<semaphore_mem>>)
      %mul3A_201 = arith.constant 3 : i32
      %mul3A_202 = arith.muli %mul3A_201, %scan3A_162 : i32
      %add3A_203 = arith.constant 1 : i32
      %add3A_204 = arith.addi %mul3A_202, %add3A_203 : i32
      %mul3A_205 = arith.constant 88 : i32
      %mul3A_206 = arith.muli %add3A_204, %mul3A_205 : i32
      %dma_wait3A_207 = tpu.memref_slice %arg6[%mul3A_206] : memref<10000xi32, #tpu.memory_space<vmem>> -> memref<88xi32, #tpu.memory_space<vmem>>
      %dma_wait3A_208 = arith.constant 0 : i32
      %dma_wait3A_209 = arith.constant 0 : i32
      %dma_wait3A_210 = tpu.memref_slice %arg2[%dma_wait3A_208, %dma_wait3A_209] : memref<10000x128xf32, #tpu.memory_space<hbm>> -> memref<10000x128xf32, #tpu.memory_space<hbm>>
      tpu.wait_indirect_dma semaphore(%arg20 : memref<!tpu.dma_semaphore, #tpu.memory_space<semaphore_mem>>) src(%dma_wait3A_210 : memref<10000x128xf32, #tpu.memory_space<hbm>>) dst(%arg11 : memref<88x128xf32, #tpu.memory_space<vmem>>)
      %dma_wait3A_211 = tpu.memref_slice %arg7[%mul3A_206] : memref<10000xi32, #tpu.memory_space<vmem>> -> memref<88xi32, #tpu.memory_space<vmem>>
      %dma_wait3A_212 = arith.constant 0 : i32
      %dma_wait3A_213 = arith.constant 0 : i32
      %dma_wait3A_214 = tpu.memref_slice %arg3[%dma_wait3A_212, %dma_wait3A_213] : memref<10000x128xf32, #tpu.memory_space<hbm>> -> memref<10000x128xf32, #tpu.memory_space<hbm>>
      tpu.wait_indirect_dma semaphore(%arg21 : memref<!tpu.dma_semaphore, #tpu.memory_space<semaphore_mem>>) src(%dma_wait3A_214 : memref<10000x128xf32, #tpu.memory_space<hbm>>) dst(%arg12 : memref<88x128xf32, #tpu.memory_space<vmem>>)
      %gt3A_215 = arith.constant 0 : i32
      %gt3A_216 = arith.cmpi sgt, %scan3A_162, %gt3A_215 : i32
      %convert_element_type3A_217 = arith.extui %gt3A_216 : i1 to i32
      %cond3A_218 = arith.constant 0 : i32
      %cond3A_219 = arith.cmpi ne, %convert_element_type3A_217, %cond3A_218 : i32
      scf.if %cond3A_219 {
        %sub3A = arith.constant 3 : i32
        %sub3A_275 = arith.subi %add3A_204, %sub3A : i32
        %mul3A_276 = arith.constant 88 : i32
        %mul3A_277 = arith.muli %sub3A_275, %mul3A_276 : i32
        %add3A_278 = arith.addi %mul3A_2, %mul3A_277 : i32
        %dma_wait3A_279 = arith.constant 0 : i32
        %dma_wait3A_280 = tpu.memref_slice %arg5[%add3A_278, %dma_wait3A_279] : memref<320000x128xf32, #tpu.memory_space<hbm>> -> memref<88x128xf32, #tpu.memory_space<hbm>>
        %dma_wait3A_281 = arith.constant 0 : i32
        %dma_wait3A_282 = tpu.memref_slice %arg5[%add3A_278, %dma_wait3A_281] : memref<320000x128xf32, #tpu.memory_space<hbm>> -> memref<88x128xf32, #tpu.memory_space<hbm>>
        tpu.wait_dma2 semaphore(%arg22 : memref<!tpu.dma_semaphore, #tpu.memory_space<semaphore_mem>>) src(%arg13 : memref<88x128xf32, #tpu.memory_space<vmem>>) dst(%dma_wait3A_282 : memref<88x128xf32, #tpu.memory_space<hbm>>)
      } else {
      }
      %parallel_loop3A_220 = arith.constant 0 : i32
      %parallel_loop3A_221 = arith.constant 88 : i32
      %parallel_loop3A_222 = arith.constant 1 : i32
      scf.for %parallel_loop3A_275 = %parallel_loop3A_220 to %parallel_loop3A_221 step %parallel_loop3A_222  : i32 {
        %parallel_loop3A_276 = arith.index_cast %parallel_loop3A_275 : i32 to index
        %parallel_loop3A_277 = arith.constant 0 : index
        %parallel_loop3A_278 = tpu.vector_load %arg11[%parallel_loop3A_276, %parallel_loop3A_277] {strides = array<i32>} : memref<88x128xf32, #tpu.memory_space<vmem>>, vector<1x16xf32>,
        %parallel_loop3A_279 = vector.shape_cast %parallel_loop3A_278 : vector<1x16xf32> to vector<16xf32>
        %parallel_loop3A_280 = arith.index_cast %parallel_loop3A_275 : i32 to index
        %parallel_loop3A_281 = arith.constant 0 : index
        %parallel_loop3A_282 = tpu.vector_load %arg12[%parallel_loop3A_280, %parallel_loop3A_281] {strides = array<i32>} : memref<88x128xf32, #tpu.memory_space<vmem>>, vector<1x16xf32>,
        %parallel_loop3A_283 = vector.shape_cast %parallel_loop3A_282 : vector<1x16xf32> to vector<16xf32>
        %parallel_loop3A_284 = arith.addf %parallel_loop3A_279, %parallel_loop3A_283 : vector<16xf32>
        %parallel_loop3A_285 = arith.constant 0.000000e+00 : f32
        %parallel_loop3A_286 = vector.broadcast %parallel_loop3A_285 : f32 to vector<16xf32>
        %parallel_loop3A_287 = arith.maximumf %parallel_loop3A_284, %parallel_loop3A_286 : vector<16xf32>
        %parallel_loop3A_288 = arith.index_cast %parallel_loop3A_275 : i32 to index
        %parallel_loop3A_289 = arith.constant 0 : index
        %parallel_loop3A_290 = tpu.vector_load %arg13[%parallel_loop3A_288, %parallel_loop3A_289] {strides = array<i32>} : memref<88x128xf32, #tpu.memory_space<vmem>>, vector<1x16xf32>,
        %parallel_loop3A_291 = vector.shape_cast %parallel_loop3A_290 : vector<1x16xf32> to vector<16xf32>
        %parallel_loop3A_292 = vector.shape_cast %parallel_loop3A_287 : vector<16xf32> to vector<1x16xf32>
        tpu.vector_store %arg13[%parallel_loop3A_288, %parallel_loop3A_289], %parallel_loop3A_292 {strides = array<i32>} : memref<88x128xf32, #tpu.memory_space<vmem>>, vector<1x16xf32>,
        %parallel_loop3A_293 = arith.index_cast %parallel_loop3A_275 : i32 to index
        %parallel_loop3A_294 = arith.constant 16 : index
        %parallel_loop3A_295 = tpu.vector_load %arg11[%parallel_loop3A_293, %parallel_loop3A_294] {strides = array<i32>} : memref<88x128xf32, #tpu.memory_space<vmem>>, vector<1x16xf32>,
        %parallel_loop3A_296 = vector.shape_cast %parallel_loop3A_295 : vector<1x16xf32> to vector<16xf32>
        %parallel_loop3A_297 = arith.index_cast %parallel_loop3A_275 : i32 to index
        %parallel_loop3A_298 = arith.constant 16 : index
        %parallel_loop3A_299 = tpu.vector_load %arg12[%parallel_loop3A_297, %parallel_loop3A_298] {strides = array<i32>} : memref<88x128xf32, #tpu.memory_space<vmem>>, vector<1x16xf32>,
        %parallel_loop3A_300 = vector.shape_cast %parallel_loop3A_299 : vector<1x16xf32> to vector<16xf32>
        %parallel_loop3A_301 = arith.addf %parallel_loop3A_296, %parallel_loop3A_300 : vector<16xf32>
        %parallel_loop3A_302 = arith.constant 0.000000e+00 : f32
        %parallel_loop3A_303 = vector.broadcast %parallel_loop3A_302 : f32 to vector<16xf32>
        %parallel_loop3A_304 = arith.maximumf %parallel_loop3A_301, %parallel_loop3A_303 : vector<16xf32>
        %parallel_loop3A_305 = arith.index_cast %parallel_loop3A_275 : i32 to index
        %parallel_loop3A_306 = arith.constant 16 : index
        %parallel_loop3A_307 = tpu.vector_load %arg13[%parallel_loop3A_305, %parallel_loop3A_306] {strides = array<i32>} : memref<88x128xf32, #tpu.memory_space<vmem>>, vector<1x16xf32>,
        %parallel_loop3A_308 = vector.shape_cast %parallel_loop3A_307 : vector<1x16xf32> to vector<16xf32>
        %parallel_loop3A_309 = vector.shape_cast %parallel_loop3A_304 : vector<16xf32> to vector<1x16xf32>
        tpu.vector_store %arg13[%parallel_loop3A_305, %parallel_loop3A_306], %parallel_loop3A_309 {strides = array<i32>} : memref<88x128xf32, #tpu.memory_space<vmem>>, vector<1x16xf32>,
        %parallel_loop3A_310 = arith.index_cast %parallel_loop3A_275 : i32 to index
        %parallel_loop3A_311 = arith.constant 32 : index
        %parallel_loop3A_312 = tpu.vector_load %arg11[%parallel_loop3A_310, %parallel_loop3A_311] {strides = array<i32>} : memref<88x128xf32, #tpu.memory_space<vmem>>, vector<1x16xf32>,
        %parallel_loop3A_313 = vector.shape_cast %parallel_loop3A_312 : vector<1x16xf32> to vector<16xf32>
        %parallel_loop3A_314 = arith.index_cast %parallel_loop3A_275 : i32 to index
        %parallel_loop3A_315 = arith.constant 32 : index
        %parallel_loop3A_316 = tpu.vector_load %arg12[%parallel_loop3A_314, %parallel_loop3A_315] {strides = array<i32>} : memref<88x128xf32, #tpu.memory_space<vmem>>, vector<1x16xf32>,
        %parallel_loop3A_317 = vector.shape_cast %parallel_loop3A_316 : vector<1x16xf32> to vector<16xf32>
        %parallel_loop3A_318 = arith.addf %parallel_loop3A_313, %parallel_loop3A_317 : vector<16xf32>
        %parallel_loop3A_319 = arith.constant 0.000000e+00 : f32
        %parallel_loop3A_320 = vector.broadcast %parallel_loop3A_319 : f32 to vector<16xf32>
        %parallel_loop3A_321 = arith.maximumf %parallel_loop3A_318, %parallel_loop3A_320 : vector<16xf32>
        %parallel_loop3A_322 = arith.index_cast %parallel_loop3A_275 : i32 to index
        %parallel_loop3A_323 = arith.constant 32 : index
        %parallel_loop3A_324 = tpu.vector_load %arg13[%parallel_loop3A_322, %parallel_loop3A_323] {strides = array<i32>} : memref<88x128xf32, #tpu.memory_space<vmem>>, vector<1x16xf32>,
        %parallel_loop3A_325 = vector.shape_cast %parallel_loop3A_324 : vector<1x16xf32> to vector<16xf32>
        %parallel_loop3A_326 = vector.shape_cast %parallel_loop3A_321 : vector<16xf32> to vector<1x16xf32>
        tpu.vector_store %arg13[%parallel_loop3A_322, %parallel_loop3A_323], %parallel_loop3A_326 {strides = array<i32>} : memref<88x128xf32, #tpu.memory_space<vmem>>, vector<1x16xf32>,
        %parallel_loop3A_327 = arith.index_cast %parallel_loop3A_275 : i32 to index
        %parallel_loop3A_328 = arith.constant 48 : index
        %parallel_loop3A_329 = tpu.vector_load %arg11[%parallel_loop3A_327, %parallel_loop3A_328] {strides = array<i32>} : memref<88x128xf32, #tpu.memory_space<vmem>>, vector<1x16xf32>,
        %parallel_loop3A_330 = vector.shape_cast %parallel_loop3A_329 : vector<1x16xf32> to vector<16xf32>
        %parallel_loop3A_331 = arith.index_cast %parallel_loop3A_275 : i32 to index
        %parallel_loop3A_332 = arith.constant 48 : index
        %parallel_loop3A_333 = tpu.vector_load %arg12[%parallel_loop3A_331, %parallel_loop3A_332] {strides = array<i32>} : memref<88x128xf32, #tpu.memory_space<vmem>>, vector<1x16xf32>,
        %parallel_loop3A_334 = vector.shape_cast %parallel_loop3A_333 : vector<1x16xf32> to vector<16xf32>
        %parallel_loop3A_335 = arith.addf %parallel_loop3A_330, %parallel_loop3A_334 : vector<16xf32>
        %parallel_loop3A_336 = arith.constant 0.000000e+00 : f32
        %parallel_loop3A_337 = vector.broadcast %parallel_loop3A_336 : f32 to vector<16xf32>
        %parallel_loop3A_338 = arith.maximumf %parallel_loop3A_335, %parallel_loop3A_337 : vector<16xf32>
        %parallel_loop3A_339 = arith.index_cast %parallel_loop3A_275 : i32 to index
        %parallel_loop3A_340 = arith.constant 48 : index
        %parallel_loop3A_341 = tpu.vector_load %arg13[%parallel_loop3A_339, %parallel_loop3A_340] {strides = array<i32>} : memref<88x128xf32, #tpu.memory_space<vmem>>, vector<1x16xf32>,
        %parallel_loop3A_342 = vector.shape_cast %parallel_loop3A_341 : vector<1x16xf32> to vector<16xf32>
        %parallel_loop3A_343 = vector.shape_cast %parallel_loop3A_338 : vector<16xf32> to vector<1x16xf32>
        tpu.vector_store %arg13[%parallel_loop3A_339, %parallel_loop3A_340], %parallel_loop3A_343 {strides = array<i32>} : memref<88x128xf32, #tpu.memory_space<vmem>>, vector<1x16xf32>,
        %parallel_loop3A_344 = arith.index_cast %parallel_loop3A_275 : i32 to index
        %parallel_loop3A_345 = arith.constant 64 : index
        %parallel_loop3A_346 = tpu.vector_load %arg11[%parallel_loop3A_344, %parallel_loop3A_345] {strides = array<i32>} : memref<88x128xf32, #tpu.memory_space<vmem>>, vector<1x16xf32>,
        %parallel_loop3A_347 = vector.shape_cast %parallel_loop3A_346 : vector<1x16xf32> to vector<16xf32>
        %parallel_loop3A_348 = arith.index_cast %parallel_loop3A_275 : i32 to index
        %parallel_loop3A_349 = arith.constant 64 : index
        %parallel_loop3A_350 = tpu.vector_load %arg12[%parallel_loop3A_348, %parallel_loop3A_349] {strides = array<i32>} : memref<88x128xf32, #tpu.memory_space<vmem>>, vector<1x16xf32>,
        %parallel_loop3A_351 = vector.shape_cast %parallel_loop3A_350 : vector<1x16xf32> to vector<16xf32>
        %parallel_loop3A_352 = arith.addf %parallel_loop3A_347, %parallel_loop3A_351 : vector<16xf32>
        %parallel_loop3A_353 = arith.constant 0.000000e+00 : f32
        %parallel_loop3A_354 = vector.broadcast %parallel_loop3A_353 : f32 to vector<16xf32>
        %parallel_loop3A_355 = arith.maximumf %parallel_loop3A_352, %parallel_loop3A_354 : vector<16xf32>
        %parallel_loop3A_356 = arith.index_cast %parallel_loop3A_275 : i32 to index
        %parallel_loop3A_357 = arith.constant 64 : index
        %parallel_loop3A_358 = tpu.vector_load %arg13[%parallel_loop3A_356, %parallel_loop3A_357] {strides = array<i32>} : memref<88x128xf32, #tpu.memory_space<vmem>>, vector<1x16xf32>,
        %parallel_loop3A_359 = vector.shape_cast %parallel_loop3A_358 : vector<1x16xf32> to vector<16xf32>
        %parallel_loop3A_360 = vector.shape_cast %parallel_loop3A_355 : vector<16xf32> to vector<1x16xf32>
        tpu.vector_store %arg13[%parallel_loop3A_356, %parallel_loop3A_357], %parallel_loop3A_360 {strides = array<i32>} : memref<88x128xf32, #tpu.memory_space<vmem>>, vector<1x16xf32>,
        %parallel_loop3A_361 = arith.index_cast %parallel_loop3A_275 : i32 to index
        %parallel_loop3A_362 = arith.constant 80 : index
        %parallel_loop3A_363 = tpu.vector_load %arg11[%parallel_loop3A_361, %parallel_loop3A_362] {strides = array<i32>} : memref<88x128xf32, #tpu.memory_space<vmem>>, vector<1x16xf32>,
        %parallel_loop3A_364 = vector.shape_cast %parallel_loop3A_363 : vector<1x16xf32> to vector<16xf32>
        %parallel_loop3A_365 = arith.index_cast %parallel_loop3A_275 : i32 to index
        %parallel_loop3A_366 = arith.constant 80 : index
        %parallel_loop3A_367 = tpu.vector_load %arg12[%parallel_loop3A_365, %parallel_loop3A_366] {strides = array<i32>} : memref<88x128xf32, #tpu.memory_space<vmem>>, vector<1x16xf32>,
        %parallel_loop3A_368 = vector.shape_cast %parallel_loop3A_367 : vector<1x16xf32> to vector<16xf32>
        %parallel_loop3A_369 = arith.addf %parallel_loop3A_364, %parallel_loop3A_368 : vector<16xf32>
        %parallel_loop3A_370 = arith.constant 0.000000e+00 : f32
        %parallel_loop3A_371 = vector.broadcast %parallel_loop3A_370 : f32 to vector<16xf32>
        %parallel_loop3A_372 = arith.maximumf %parallel_loop3A_369, %parallel_loop3A_371 : vector<16xf32>
        %parallel_loop3A_373 = arith.index_cast %parallel_loop3A_275 : i32 to index
        %parallel_loop3A_374 = arith.constant 80 : index
        %parallel_loop3A_375 = tpu.vector_load %arg13[%parallel_loop3A_373, %parallel_loop3A_374] {strides = array<i32>} : memref<88x128xf32, #tpu.memory_space<vmem>>, vector<1x16xf32>,
        %parallel_loop3A_376 = vector.shape_cast %parallel_loop3A_375 : vector<1x16xf32> to vector<16xf32>
        %parallel_loop3A_377 = vector.shape_cast %parallel_loop3A_372 : vector<16xf32> to vector<1x16xf32>
        tpu.vector_store %arg13[%parallel_loop3A_373, %parallel_loop3A_374], %parallel_loop3A_377 {strides = array<i32>} : memref<88x128xf32, #tpu.memory_space<vmem>>, vector<1x16xf32>,
        %parallel_loop3A_378 = arith.index_cast %parallel_loop3A_275 : i32 to index
        %parallel_loop3A_379 = arith.constant 96 : index
        %parallel_loop3A_380 = tpu.vector_load %arg11[%parallel_loop3A_378, %parallel_loop3A_379] {strides = array<i32>} : memref<88x128xf32, #tpu.memory_space<vmem>>, vector<1x16xf32>,
        %parallel_loop3A_381 = vector.shape_cast %parallel_loop3A_380 : vector<1x16xf32> to vector<16xf32>
        %parallel_loop3A_382 = arith.index_cast %parallel_loop3A_275 : i32 to index
        %parallel_loop3A_383 = arith.constant 96 : index
        %parallel_loop3A_384 = tpu.vector_load %arg12[%parallel_loop3A_382, %parallel_loop3A_383] {strides = array<i32>} : memref<88x128xf32, #tpu.memory_space<vmem>>, vector<1x16xf32>,
        %parallel_loop3A_385 = vector.shape_cast %parallel_loop3A_384 : vector<1x16xf32> to vector<16xf32>
        %parallel_loop3A_386 = arith.addf %parallel_loop3A_381, %parallel_loop3A_385 : vector<16xf32>
        %parallel_loop3A_387 = arith.constant 0.000000e+00 : f32
        %parallel_loop3A_388 = vector.broadcast %parallel_loop3A_387 : f32 to vector<16xf32>
        %parallel_loop3A_389 = arith.maximumf %parallel_loop3A_386, %parallel_loop3A_388 : vector<16xf32>
        %parallel_loop3A_390 = arith.index_cast %parallel_loop3A_275 : i32 to index
        %parallel_loop3A_391 = arith.constant 96 : index
        %parallel_loop3A_392 = tpu.vector_load %arg13[%parallel_loop3A_390, %parallel_loop3A_391] {strides = array<i32>} : memref<88x128xf32, #tpu.memory_space<vmem>>, vector<1x16xf32>,
        %parallel_loop3A_393 = vector.shape_cast %parallel_loop3A_392 : vector<1x16xf32> to vector<16xf32>
        %parallel_loop3A_394 = vector.shape_cast %parallel_loop3A_389 : vector<16xf32> to vector<1x16xf32>
        tpu.vector_store %arg13[%parallel_loop3A_390, %parallel_loop3A_391], %parallel_loop3A_394 {strides = array<i32>} : memref<88x128xf32, #tpu.memory_space<vmem>>, vector<1x16xf32>,
        %parallel_loop3A_395 = arith.index_cast %parallel_loop3A_275 : i32 to index
        %parallel_loop3A_396 = arith.constant 112 : index
        %parallel_loop3A_397 = tpu.vector_load %arg11[%parallel_loop3A_395, %parallel_loop3A_396] {strides = array<i32>} : memref<88x128xf32, #tpu.memory_space<vmem>>, vector<1x16xf32>,
        %parallel_loop3A_398 = vector.shape_cast %parallel_loop3A_397 : vector<1x16xf32> to vector<16xf32>
        %parallel_loop3A_399 = arith.index_cast %parallel_loop3A_275 : i32 to index
        %parallel_loop3A_400 = arith.constant 112 : index
        %parallel_loop3A_401 = tpu.vector_load %arg12[%parallel_loop3A_399, %parallel_loop3A_400] {strides = array<i32>} : memref<88x128xf32, #tpu.memory_space<vmem>>, vector<1x16xf32>,
        %parallel_loop3A_402 = vector.shape_cast %parallel_loop3A_401 : vector<1x16xf32> to vector<16xf32>
        %parallel_loop3A_403 = arith.addf %parallel_loop3A_398, %parallel_loop3A_402 : vector<16xf32>
        %parallel_loop3A_404 = arith.constant 0.000000e+00 : f32
        %parallel_loop3A_405 = vector.broadcast %parallel_loop3A_404 : f32 to vector<16xf32>
        %parallel_loop3A_406 = arith.maximumf %parallel_loop3A_403, %parallel_loop3A_405 : vector<16xf32>
        %parallel_loop3A_407 = arith.index_cast %parallel_loop3A_275 : i32 to index
        %parallel_loop3A_408 = arith.constant 112 : index
        %parallel_loop3A_409 = tpu.vector_load %arg13[%parallel_loop3A_407, %parallel_loop3A_408] {strides = array<i32>} : memref<88x128xf32, #tpu.memory_space<vmem>>, vector<1x16xf32>,
        %parallel_loop3A_410 = vector.shape_cast %parallel_loop3A_409 : vector<1x16xf32> to vector<16xf32>
        %parallel_loop3A_411 = vector.shape_cast %parallel_loop3A_406 : vector<16xf32> to vector<1x16xf32>
        tpu.vector_store %arg13[%parallel_loop3A_407, %parallel_loop3A_408], %parallel_loop3A_411 {strides = array<i32>} : memref<88x128xf32, #tpu.memory_space<vmem>>, vector<1x16xf32>,
      } {sc.loop_unroll_factor = 4 : i64, sc.parallel_access}
      %mul3A_223 = arith.constant 88 : i32
      %mul3A_224 = arith.muli %add3A_204, %mul3A_223 : i32
      %add3A_225 = arith.addi %mul3A_2, %mul3A_224 : i32
      %dma_start3A_226 = arith.constant 0 : i32
      %dma_start3A_227 = tpu.memref_slice %arg5[%add3A_225, %dma_start3A_226] : memref<320000x128xf32, #tpu.memory_space<hbm>> -> memref<88x128xf32, #tpu.memory_space<hbm>>
      %dma_start3A_228 = arith.constant 0 : i32
      %dma_start3A_229 = tpu.memref_slice %arg5[%add3A_225, %dma_start3A_228] : memref<320000x128xf32, #tpu.memory_space<hbm>> -> memref<88x128xf32, #tpu.memory_space<hbm>>
      tpu.enqueue_dma source(%arg13 : memref<88x128xf32, #tpu.memory_space<vmem>>) target(%dma_start3A_229 : memref<88x128xf32, #tpu.memory_space<hbm>>) target_semaphore(%arg22 : memref<!tpu.dma_semaphore, #tpu.memory_space<semaphore_mem>>)
      %add3A_230 = arith.constant 3 : i32
      %add3A_231 = arith.addi %add3A_204, %add3A_230 : i32
      %mul3A_232 = arith.constant 88 : i32
      %mul3A_233 = arith.muli %add3A_231, %mul3A_232 : i32
      %dma_start3A_234 = tpu.memref_slice %arg6[%mul3A_233] : memref<10000xi32, #tpu.memory_space<vmem>> -> memref<88xi32, #tpu.memory_space<vmem>>
      %dma_start3A_235 = arith.constant 0 : i32
      %dma_start3A_236 = arith.constant 0 : i32
      %dma_start3A_237 = tpu.memref_slice %arg2[%dma_start3A_235, %dma_start3A_236] : memref<10000x128xf32, #tpu.memory_space<hbm>> -> memref<10000x128xf32, #tpu.memory_space<hbm>>
      tpu.enqueue_indirect_dma source(%dma_start3A_237 : memref<10000x128xf32, #tpu.memory_space<hbm>>) target(%arg11 : memref<88x128xf32, #tpu.memory_space<vmem>>) offsets(%dma_start3A_234 : memref<88xi32, #tpu.memory_space<vmem>>) semaphore(%arg20 : memref<!tpu.dma_semaphore, #tpu.memory_space<semaphore_mem>>)
      %dma_start3A_238 = tpu.memref_slice %arg7[%mul3A_233] : memref<10000xi32, #tpu.memory_space<vmem>> -> memref<88xi32, #tpu.memory_space<vmem>>
      %dma_start3A_239 = arith.constant 0 : i32
      %dma_start3A_240 = arith.constant 0 : i32
      %dma_start3A_241 = tpu.memref_slice %arg3[%dma_start3A_239, %dma_start3A_240] : memref<10000x128xf32, #tpu.memory_space<hbm>> -> memref<10000x128xf32, #tpu.memory_space<hbm>>
      tpu.enqueue_indirect_dma source(%dma_start3A_241 : memref<10000x128xf32, #tpu.memory_space<hbm>>) target(%arg12 : memref<88x128xf32, #tpu.memory_space<vmem>>) offsets(%dma_start3A_238 : memref<88xi32, #tpu.memory_space<vmem>>) semaphore(%arg21 : memref<!tpu.dma_semaphore, #tpu.memory_space<semaphore_mem>>)
      %mul3A_242 = arith.constant 3 : i32
      %mul3A_243 = arith.muli %mul3A_242, %scan3A_162 : i32
      %add3A_244 = arith.constant 2 : i32
      %add3A_245 = arith.addi %mul3A_243, %add3A_244 : i32
      %mul3A_246 = arith.constant 88 : i32
      %mul3A_247 = arith.muli %add3A_245, %mul3A_246 : i32
      %dma_wait3A_248 = tpu.memref_slice %arg6[%mul3A_247] : memref<10000xi32, #tpu.memory_space<vmem>> -> memref<88xi32, #tpu.memory_space<vmem>>
      %dma_wait3A_249 = arith.constant 0 : i32
      %dma_wait3A_250 = arith.constant 0 : i32
      %dma_wait3A_251 = tpu.memref_slice %arg2[%dma_wait3A_249, %dma_wait3A_250] : memref<10000x128xf32, #tpu.memory_space<hbm>> -> memref<10000x128xf32, #tpu.memory_space<hbm>>
      tpu.wait_indirect_dma semaphore(%arg23 : memref<!tpu.dma_semaphore, #tpu.memory_space<semaphore_mem>>) src(%dma_wait3A_251 : memref<10000x128xf32, #tpu.memory_space<hbm>>) dst(%arg14 : memref<88x128xf32, #tpu.memory_space<vmem>>)
      %dma_wait3A_252 = tpu.memref_slice %arg7[%mul3A_247] : memref<10000xi32, #tpu.memory_space<vmem>> -> memref<88xi32, #tpu.memory_space<vmem>>
      %dma_wait3A_253 = arith.constant 0 : i32
      %dma_wait3A_254 = arith.constant 0 : i32
      %dma_wait3A_255 = tpu.memref_slice %arg3[%dma_wait3A_253, %dma_wait3A_254] : memref<10000x128xf32, #tpu.memory_space<hbm>> -> memref<10000x128xf32, #tpu.memory_space<hbm>>
      tpu.wait_indirect_dma semaphore(%arg24 : memref<!tpu.dma_semaphore, #tpu.memory_space<semaphore_mem>>) src(%dma_wait3A_255 : memref<10000x128xf32, #tpu.memory_space<hbm>>) dst(%arg15 : memref<88x128xf32, #tpu.memory_space<vmem>>)
      %gt3A_256 = arith.constant 0 : i32
      %gt3A_257 = arith.cmpi sgt, %scan3A_162, %gt3A_256 : i32
      %convert_element_type3A_258 = arith.extui %gt3A_257 : i1 to i32
      %cond3A_259 = arith.constant 0 : i32
      %cond3A_260 = arith.cmpi ne, %convert_element_type3A_258, %cond3A_259 : i32
      scf.if %cond3A_260 {
        %sub3A = arith.constant 3 : i32
        %sub3A_275 = arith.subi %add3A_245, %sub3A : i32
        %mul3A_276 = arith.constant 88 : i32
        %mul3A_277 = arith.muli %sub3A_275, %mul3A_276 : i32
        %add3A_278 = arith.addi %mul3A_2, %mul3A_277 : i32
        %dma_wait3A_279 = arith.constant 0 : i32
        %dma_wait3A_280 = tpu.memref_slice %arg5[%add3A_278, %dma_wait3A_279] : memref<320000x128xf32, #tpu.memory_space<hbm>> -> memref<88x128xf32, #tpu.memory_space<hbm>>
        %dma_wait3A_281 = arith.constant 0 : i32
        %dma_wait3A_282 = tpu.memref_slice %arg5[%add3A_278, %dma_wait3A_281] : memref<320000x128xf32, #tpu.memory_space<hbm>> -> memref<88x128xf32, #tpu.memory_space<hbm>>
        tpu.wait_dma2 semaphore(%arg25 : memref<!tpu.dma_semaphore, #tpu.memory_space<semaphore_mem>>) src(%arg16 : memref<88x128xf32, #tpu.memory_space<vmem>>) dst(%dma_wait3A_282 : memref<88x128xf32, #tpu.memory_space<hbm>>)
      } else {
      }
      %parallel_loop3A_261 = arith.constant 0 : i32
      %parallel_loop3A_262 = arith.constant 88 : i32
      %parallel_loop3A_263 = arith.constant 1 : i32
      scf.for %parallel_loop3A_275 = %parallel_loop3A_261 to %parallel_loop3A_262 step %parallel_loop3A_263  : i32 {
        %parallel_loop3A_276 = arith.index_cast %parallel_loop3A_275 : i32 to index
        %parallel_loop3A_277 = arith.constant 0 : index
        %parallel_loop3A_278 = tpu.vector_load %arg14[%parallel_loop3A_276, %parallel_loop3A_277] {strides = array<i32>} : memref<88x128xf32, #tpu.memory_space<vmem>>, vector<1x16xf32>,
        %parallel_loop3A_279 = vector.shape_cast %parallel_loop3A_278 : vector<1x16xf32> to vector<16xf32>
        %parallel_loop3A_280 = arith.index_cast %parallel_loop3A_275 : i32 to index
        %parallel_loop3A_281 = arith.constant 0 : index
        %parallel_loop3A_282 = tpu.vector_load %arg15[%parallel_loop3A_280, %parallel_loop3A_281] {strides = array<i32>} : memref<88x128xf32, #tpu.memory_space<vmem>>, vector<1x16xf32>,
        %parallel_loop3A_283 = vector.shape_cast %parallel_loop3A_282 : vector<1x16xf32> to vector<16xf32>
        %parallel_loop3A_284 = arith.addf %parallel_loop3A_279, %parallel_loop3A_283 : vector<16xf32>
        %parallel_loop3A_285 = arith.constant 0.000000e+00 : f32
        %parallel_loop3A_286 = vector.broadcast %parallel_loop3A_285 : f32 to vector<16xf32>
        %parallel_loop3A_287 = arith.maximumf %parallel_loop3A_284, %parallel_loop3A_286 : vector<16xf32>
        %parallel_loop3A_288 = arith.index_cast %parallel_loop3A_275 : i32 to index
        %parallel_loop3A_289 = arith.constant 0 : index
        %parallel_loop3A_290 = tpu.vector_load %arg16[%parallel_loop3A_288, %parallel_loop3A_289] {strides = array<i32>} : memref<88x128xf32, #tpu.memory_space<vmem>>, vector<1x16xf32>,
        %parallel_loop3A_291 = vector.shape_cast %parallel_loop3A_290 : vector<1x16xf32> to vector<16xf32>
        %parallel_loop3A_292 = vector.shape_cast %parallel_loop3A_287 : vector<16xf32> to vector<1x16xf32>
        tpu.vector_store %arg16[%parallel_loop3A_288, %parallel_loop3A_289], %parallel_loop3A_292 {strides = array<i32>} : memref<88x128xf32, #tpu.memory_space<vmem>>, vector<1x16xf32>,
        %parallel_loop3A_293 = arith.index_cast %parallel_loop3A_275 : i32 to index
        %parallel_loop3A_294 = arith.constant 16 : index
        %parallel_loop3A_295 = tpu.vector_load %arg14[%parallel_loop3A_293, %parallel_loop3A_294] {strides = array<i32>} : memref<88x128xf32, #tpu.memory_space<vmem>>, vector<1x16xf32>,
        %parallel_loop3A_296 = vector.shape_cast %parallel_loop3A_295 : vector<1x16xf32> to vector<16xf32>
        %parallel_loop3A_297 = arith.index_cast %parallel_loop3A_275 : i32 to index
        %parallel_loop3A_298 = arith.constant 16 : index
        %parallel_loop3A_299 = tpu.vector_load %arg15[%parallel_loop3A_297, %parallel_loop3A_298] {strides = array<i32>} : memref<88x128xf32, #tpu.memory_space<vmem>>, vector<1x16xf32>,
        %parallel_loop3A_300 = vector.shape_cast %parallel_loop3A_299 : vector<1x16xf32> to vector<16xf32>
        %parallel_loop3A_301 = arith.addf %parallel_loop3A_296, %parallel_loop3A_300 : vector<16xf32>
        %parallel_loop3A_302 = arith.constant 0.000000e+00 : f32
        %parallel_loop3A_303 = vector.broadcast %parallel_loop3A_302 : f32 to vector<16xf32>
        %parallel_loop3A_304 = arith.maximumf %parallel_loop3A_301, %parallel_loop3A_303 : vector<16xf32>
        %parallel_loop3A_305 = arith.index_cast %parallel_loop3A_275 : i32 to index
        %parallel_loop3A_306 = arith.constant 16 : index
        %parallel_loop3A_307 = tpu.vector_load %arg16[%parallel_loop3A_305, %parallel_loop3A_306] {strides = array<i32>} : memref<88x128xf32, #tpu.memory_space<vmem>>, vector<1x16xf32>,
        %parallel_loop3A_308 = vector.shape_cast %parallel_loop3A_307 : vector<1x16xf32> to vector<16xf32>
        %parallel_loop3A_309 = vector.shape_cast %parallel_loop3A_304 : vector<16xf32> to vector<1x16xf32>
        tpu.vector_store %arg16[%parallel_loop3A_305, %parallel_loop3A_306], %parallel_loop3A_309 {strides = array<i32>} : memref<88x128xf32, #tpu.memory_space<vmem>>, vector<1x16xf32>,
        %parallel_loop3A_310 = arith.index_cast %parallel_loop3A_275 : i32 to index
        %parallel_loop3A_311 = arith.constant 32 : index
        %parallel_loop3A_312 = tpu.vector_load %arg14[%parallel_loop3A_310, %parallel_loop3A_311] {strides = array<i32>} : memref<88x128xf32, #tpu.memory_space<vmem>>, vector<1x16xf32>,
        %parallel_loop3A_313 = vector.shape_cast %parallel_loop3A_312 : vector<1x16xf32> to vector<16xf32>
        %parallel_loop3A_314 = arith.index_cast %parallel_loop3A_275 : i32 to index
        %parallel_loop3A_315 = arith.constant 32 : index
        %parallel_loop3A_316 = tpu.vector_load %arg15[%parallel_loop3A_314, %parallel_loop3A_315] {strides = array<i32>} : memref<88x128xf32, #tpu.memory_space<vmem>>, vector<1x16xf32>,
        %parallel_loop3A_317 = vector.shape_cast %parallel_loop3A_316 : vector<1x16xf32> to vector<16xf32>
        %parallel_loop3A_318 = arith.addf %parallel_loop3A_313, %parallel_loop3A_317 : vector<16xf32>
        %parallel_loop3A_319 = arith.constant 0.000000e+00 : f32
        %parallel_loop3A_320 = vector.broadcast %parallel_loop3A_319 : f32 to vector<16xf32>
        %parallel_loop3A_321 = arith.maximumf %parallel_loop3A_318, %parallel_loop3A_320 : vector<16xf32>
        %parallel_loop3A_322 = arith.index_cast %parallel_loop3A_275 : i32 to index
        %parallel_loop3A_323 = arith.constant 32 : index
        %parallel_loop3A_324 = tpu.vector_load %arg16[%parallel_loop3A_322, %parallel_loop3A_323] {strides = array<i32>} : memref<88x128xf32, #tpu.memory_space<vmem>>, vector<1x16xf32>,
        %parallel_loop3A_325 = vector.shape_cast %parallel_loop3A_324 : vector<1x16xf32> to vector<16xf32>
        %parallel_loop3A_326 = vector.shape_cast %parallel_loop3A_321 : vector<16xf32> to vector<1x16xf32>
        tpu.vector_store %arg16[%parallel_loop3A_322, %parallel_loop3A_323], %parallel_loop3A_326 {strides = array<i32>} : memref<88x128xf32, #tpu.memory_space<vmem>>, vector<1x16xf32>,
        %parallel_loop3A_327 = arith.index_cast %parallel_loop3A_275 : i32 to index
        %parallel_loop3A_328 = arith.constant 48 : index
        %parallel_loop3A_329 = tpu.vector_load %arg14[%parallel_loop3A_327, %parallel_loop3A_328] {strides = array<i32>} : memref<88x128xf32, #tpu.memory_space<vmem>>, vector<1x16xf32>,
        %parallel_loop3A_330 = vector.shape_cast %parallel_loop3A_329 : vector<1x16xf32> to vector<16xf32>
        %parallel_loop3A_331 = arith.index_cast %parallel_loop3A_275 : i32 to index
        %parallel_loop3A_332 = arith.constant 48 : index
        %parallel_loop3A_333 = tpu.vector_load %arg15[%parallel_loop3A_331, %parallel_loop3A_332] {strides = array<i32>} : memref<88x128xf32, #tpu.memory_space<vmem>>, vector<1x16xf32>,
        %parallel_loop3A_334 = vector.shape_cast %parallel_loop3A_333 : vector<1x16xf32> to vector<16xf32>
        %parallel_loop3A_335 = arith.addf %parallel_loop3A_330, %parallel_loop3A_334 : vector<16xf32>
        %parallel_loop3A_336 = arith.constant 0.000000e+00 : f32
        %parallel_loop3A_337 = vector.broadcast %parallel_loop3A_336 : f32 to vector<16xf32>
        %parallel_loop3A_338 = arith.maximumf %parallel_loop3A_335, %parallel_loop3A_337 : vector<16xf32>
        %parallel_loop3A_339 = arith.index_cast %parallel_loop3A_275 : i32 to index
        %parallel_loop3A_340 = arith.constant 48 : index
        %parallel_loop3A_341 = tpu.vector_load %arg16[%parallel_loop3A_339, %parallel_loop3A_340] {strides = array<i32>} : memref<88x128xf32, #tpu.memory_space<vmem>>, vector<1x16xf32>,
        %parallel_loop3A_342 = vector.shape_cast %parallel_loop3A_341 : vector<1x16xf32> to vector<16xf32>
        %parallel_loop3A_343 = vector.shape_cast %parallel_loop3A_338 : vector<16xf32> to vector<1x16xf32>
        tpu.vector_store %arg16[%parallel_loop3A_339, %parallel_loop3A_340], %parallel_loop3A_343 {strides = array<i32>} : memref<88x128xf32, #tpu.memory_space<vmem>>, vector<1x16xf32>,
        %parallel_loop3A_344 = arith.index_cast %parallel_loop3A_275 : i32 to index
        %parallel_loop3A_345 = arith.constant 64 : index
        %parallel_loop3A_346 = tpu.vector_load %arg14[%parallel_loop3A_344, %parallel_loop3A_345] {strides = array<i32>} : memref<88x128xf32, #tpu.memory_space<vmem>>, vector<1x16xf32>,
        %parallel_loop3A_347 = vector.shape_cast %parallel_loop3A_346 : vector<1x16xf32> to vector<16xf32>
        %parallel_loop3A_348 = arith.index_cast %parallel_loop3A_275 : i32 to index
        %parallel_loop3A_349 = arith.constant 64 : index
        %parallel_loop3A_350 = tpu.vector_load %arg15[%parallel_loop3A_348, %parallel_loop3A_349] {strides = array<i32>} : memref<88x128xf32, #tpu.memory_space<vmem>>, vector<1x16xf32>,
        %parallel_loop3A_351 = vector.shape_cast %parallel_loop3A_350 : vector<1x16xf32> to vector<16xf32>
        %parallel_loop3A_352 = arith.addf %parallel_loop3A_347, %parallel_loop3A_351 : vector<16xf32>
        %parallel_loop3A_353 = arith.constant 0.000000e+00 : f32
        %parallel_loop3A_354 = vector.broadcast %parallel_loop3A_353 : f32 to vector<16xf32>
        %parallel_loop3A_355 = arith.maximumf %parallel_loop3A_352, %parallel_loop3A_354 : vector<16xf32>
        %parallel_loop3A_356 = arith.index_cast %parallel_loop3A_275 : i32 to index
        %parallel_loop3A_357 = arith.constant 64 : index
        %parallel_loop3A_358 = tpu.vector_load %arg16[%parallel_loop3A_356, %parallel_loop3A_357] {strides = array<i32>} : memref<88x128xf32, #tpu.memory_space<vmem>>, vector<1x16xf32>,
        %parallel_loop3A_359 = vector.shape_cast %parallel_loop3A_358 : vector<1x16xf32> to vector<16xf32>
        %parallel_loop3A_360 = vector.shape_cast %parallel_loop3A_355 : vector<16xf32> to vector<1x16xf32>
        tpu.vector_store %arg16[%parallel_loop3A_356, %parallel_loop3A_357], %parallel_loop3A_360 {strides = array<i32>} : memref<88x128xf32, #tpu.memory_space<vmem>>, vector<1x16xf32>,
        %parallel_loop3A_361 = arith.index_cast %parallel_loop3A_275 : i32 to index
        %parallel_loop3A_362 = arith.constant 80 : index
        %parallel_loop3A_363 = tpu.vector_load %arg14[%parallel_loop3A_361, %parallel_loop3A_362] {strides = array<i32>} : memref<88x128xf32, #tpu.memory_space<vmem>>, vector<1x16xf32>,
        %parallel_loop3A_364 = vector.shape_cast %parallel_loop3A_363 : vector<1x16xf32> to vector<16xf32>
        %parallel_loop3A_365 = arith.index_cast %parallel_loop3A_275 : i32 to index
        %parallel_loop3A_366 = arith.constant 80 : index
        %parallel_loop3A_367 = tpu.vector_load %arg15[%parallel_loop3A_365, %parallel_loop3A_366] {strides = array<i32>} : memref<88x128xf32, #tpu.memory_space<vmem>>, vector<1x16xf32>,
        %parallel_loop3A_368 = vector.shape_cast %parallel_loop3A_367 : vector<1x16xf32> to vector<16xf32>
        %parallel_loop3A_369 = arith.addf %parallel_loop3A_364, %parallel_loop3A_368 : vector<16xf32>
        %parallel_loop3A_370 = arith.constant 0.000000e+00 : f32
        %parallel_loop3A_371 = vector.broadcast %parallel_loop3A_370 : f32 to vector<16xf32>
        %parallel_loop3A_372 = arith.maximumf %parallel_loop3A_369, %parallel_loop3A_371 : vector<16xf32>
        %parallel_loop3A_373 = arith.index_cast %parallel_loop3A_275 : i32 to index
        %parallel_loop3A_374 = arith.constant 80 : index
        %parallel_loop3A_375 = tpu.vector_load %arg16[%parallel_loop3A_373, %parallel_loop3A_374] {strides = array<i32>} : memref<88x128xf32, #tpu.memory_space<vmem>>, vector<1x16xf32>,
        %parallel_loop3A_376 = vector.shape_cast %parallel_loop3A_375 : vector<1x16xf32> to vector<16xf32>
        %parallel_loop3A_377 = vector.shape_cast %parallel_loop3A_372 : vector<16xf32> to vector<1x16xf32>
        tpu.vector_store %arg16[%parallel_loop3A_373, %parallel_loop3A_374], %parallel_loop3A_377 {strides = array<i32>} : memref<88x128xf32, #tpu.memory_space<vmem>>, vector<1x16xf32>,
        %parallel_loop3A_378 = arith.index_cast %parallel_loop3A_275 : i32 to index
        %parallel_loop3A_379 = arith.constant 96 : index
        %parallel_loop3A_380 = tpu.vector_load %arg14[%parallel_loop3A_378, %parallel_loop3A_379] {strides = array<i32>} : memref<88x128xf32, #tpu.memory_space<vmem>>, vector<1x16xf32>,
        %parallel_loop3A_381 = vector.shape_cast %parallel_loop3A_380 : vector<1x16xf32> to vector<16xf32>
        %parallel_loop3A_382 = arith.index_cast %parallel_loop3A_275 : i32 to index
        %parallel_loop3A_383 = arith.constant 96 : index
        %parallel_loop3A_384 = tpu.vector_load %arg15[%parallel_loop3A_382, %parallel_loop3A_383] {strides = array<i32>} : memref<88x128xf32, #tpu.memory_space<vmem>>, vector<1x16xf32>,
        %parallel_loop3A_385 = vector.shape_cast %parallel_loop3A_384 : vector<1x16xf32> to vector<16xf32>
        %parallel_loop3A_386 = arith.addf %parallel_loop3A_381, %parallel_loop3A_385 : vector<16xf32>
        %parallel_loop3A_387 = arith.constant 0.000000e+00 : f32
        %parallel_loop3A_388 = vector.broadcast %parallel_loop3A_387 : f32 to vector<16xf32>
        %parallel_loop3A_389 = arith.maximumf %parallel_loop3A_386, %parallel_loop3A_388 : vector<16xf32>
        %parallel_loop3A_390 = arith.index_cast %parallel_loop3A_275 : i32 to index
        %parallel_loop3A_391 = arith.constant 96 : index
        %parallel_loop3A_392 = tpu.vector_load %arg16[%parallel_loop3A_390, %parallel_loop3A_391] {strides = array<i32>} : memref<88x128xf32, #tpu.memory_space<vmem>>, vector<1x16xf32>,
        %parallel_loop3A_393 = vector.shape_cast %parallel_loop3A_392 : vector<1x16xf32> to vector<16xf32>
        %parallel_loop3A_394 = vector.shape_cast %parallel_loop3A_389 : vector<16xf32> to vector<1x16xf32>
        tpu.vector_store %arg16[%parallel_loop3A_390, %parallel_loop3A_391], %parallel_loop3A_394 {strides = array<i32>} : memref<88x128xf32, #tpu.memory_space<vmem>>, vector<1x16xf32>,
        %parallel_loop3A_395 = arith.index_cast %parallel_loop3A_275 : i32 to index
        %parallel_loop3A_396 = arith.constant 112 : index
        %parallel_loop3A_397 = tpu.vector_load %arg14[%parallel_loop3A_395, %parallel_loop3A_396] {strides = array<i32>} : memref<88x128xf32, #tpu.memory_space<vmem>>, vector<1x16xf32>,
        %parallel_loop3A_398 = vector.shape_cast %parallel_loop3A_397 : vector<1x16xf32> to vector<16xf32>
        %parallel_loop3A_399 = arith.index_cast %parallel_loop3A_275 : i32 to index
        %parallel_loop3A_400 = arith.constant 112 : index
        %parallel_loop3A_401 = tpu.vector_load %arg15[%parallel_loop3A_399, %parallel_loop3A_400] {strides = array<i32>} : memref<88x128xf32, #tpu.memory_space<vmem>>, vector<1x16xf32>,
        %parallel_loop3A_402 = vector.shape_cast %parallel_loop3A_401 : vector<1x16xf32> to vector<16xf32>
        %parallel_loop3A_403 = arith.addf %parallel_loop3A_398, %parallel_loop3A_402 : vector<16xf32>
        %parallel_loop3A_404 = arith.constant 0.000000e+00 : f32
        %parallel_loop3A_405 = vector.broadcast %parallel_loop3A_404 : f32 to vector<16xf32>
        %parallel_loop3A_406 = arith.maximumf %parallel_loop3A_403, %parallel_loop3A_405 : vector<16xf32>
        %parallel_loop3A_407 = arith.index_cast %parallel_loop3A_275 : i32 to index
        %parallel_loop3A_408 = arith.constant 112 : index
        %parallel_loop3A_409 = tpu.vector_load %arg16[%parallel_loop3A_407, %parallel_loop3A_408] {strides = array<i32>} : memref<88x128xf32, #tpu.memory_space<vmem>>, vector<1x16xf32>,
        %parallel_loop3A_410 = vector.shape_cast %parallel_loop3A_409 : vector<1x16xf32> to vector<16xf32>
        %parallel_loop3A_411 = vector.shape_cast %parallel_loop3A_406 : vector<16xf32> to vector<1x16xf32>
        tpu.vector_store %arg16[%parallel_loop3A_407, %parallel_loop3A_408], %parallel_loop3A_411 {strides = array<i32>} : memref<88x128xf32, #tpu.memory_space<vmem>>, vector<1x16xf32>,
      } {sc.loop_unroll_factor = 4 : i64, sc.parallel_access}
      %mul3A_264 = arith.constant 88 : i32
      %mul3A_265 = arith.muli %add3A_245, %mul3A_264 : i32
      %add3A_266 = arith.addi %mul3A_2, %mul3A_265 : i32
      %dma_start3A_267 = arith.constant 0 : i32
      %dma_start3A_268 = tpu.memref_slice %arg5[%add3A_266, %dma_start3A_267] : memref<320000x128xf32, #tpu.memory_space<hbm>> -> memref<88x128xf32, #tpu.memory_space<hbm>>
      %dma_start3A_269 = arith.constant 0 : i32
      %dma_start3A_270 = tpu.memref_slice %arg5[%add3A_266, %dma_start3A_269] : memref<320000x128xf32, #tpu.memory_space<hbm>> -> memref<88x128xf32, #tpu.memory_space<hbm>>
      tpu.enqueue_dma source(%arg16 : memref<88x128xf32, #tpu.memory_space<vmem>>) target(%dma_start3A_270 : memref<88x128xf32, #tpu.memory_space<hbm>>) target_semaphore(%arg25 : memref<!tpu.dma_semaphore, #tpu.memory_space<semaphore_mem>>)
      %lt3A = arith.constant 36 : i32
      %lt3A_271 = arith.cmpi slt, %scan3A_162, %lt3A : i32
      %convert_element_type3A_272 = arith.extui %lt3A_271 : i1 to i32
      %cond3A_273 = arith.constant 0 : i32
      %cond3A_274 = arith.cmpi ne, %convert_element_type3A_272, %cond3A_273 : i32
      scf.if %cond3A_274 {
        %add3A_275 = arith.constant 3 : i32
        %add3A_276 = arith.addi %add3A_245, %add3A_275 : i32
        %mul3A_277 = arith.constant 88 : i32
        %mul3A_278 = arith.muli %add3A_276, %mul3A_277 : i32
        %dma_start3A_279 = tpu.memref_slice %arg6[%mul3A_278] : memref<10000xi32, #tpu.memory_space<vmem>> -> memref<88xi32, #tpu.memory_space<vmem>>
        %dma_start3A_280 = arith.constant 0 : i32
        %dma_start3A_281 = arith.constant 0 : i32
        %dma_start3A_282 = tpu.memref_slice %arg2[%dma_start3A_280, %dma_start3A_281] : memref<10000x128xf32, #tpu.memory_space<hbm>> -> memref<10000x128xf32, #tpu.memory_space<hbm>>
        tpu.enqueue_indirect_dma source(%dma_start3A_282 : memref<10000x128xf32, #tpu.memory_space<hbm>>) target(%arg14 : memref<88x128xf32, #tpu.memory_space<vmem>>) offsets(%dma_start3A_279 : memref<88xi32, #tpu.memory_space<vmem>>) semaphore(%arg23 : memref<!tpu.dma_semaphore, #tpu.memory_space<semaphore_mem>>)
        %dma_start3A_283 = tpu.memref_slice %arg7[%mul3A_278] : memref<10000xi32, #tpu.memory_space<vmem>> -> memref<88xi32, #tpu.memory_space<vmem>>
        %dma_start3A_284 = arith.constant 0 : i32
        %dma_start3A_285 = arith.constant 0 : i32
        %dma_start3A_286 = tpu.memref_slice %arg3[%dma_start3A_284, %dma_start3A_285] : memref<10000x128xf32, #tpu.memory_space<hbm>> -> memref<10000x128xf32, #tpu.memory_space<hbm>>
        tpu.enqueue_indirect_dma source(%dma_start3A_286 : memref<10000x128xf32, #tpu.memory_space<hbm>>) target(%arg15 : memref<88x128xf32, #tpu.memory_space<vmem>>) offsets(%dma_start3A_283 : memref<88xi32, #tpu.memory_space<vmem>>) semaphore(%arg24 : memref<!tpu.dma_semaphore, #tpu.memory_space<semaphore_mem>>)
      } else {
      }
    }
    %scan3A_38 = arith.constant 37 : i32
    %add3A_39 = arith.constant 9944 : i32
    %add3A_40 = arith.addi %mul3A_2, %add3A_39 : i32
    %dma_start3A_41 = arith.constant 0 : i32
    %dma_start3A_42 = arith.constant 0 : i32
    %dma_start3A_43 = tpu.memref_slice %arg14[%dma_start3A_41, %dma_start3A_42] : memref<88x128xf32, #tpu.memory_space<vmem>> -> memref<56x128xf32, #tpu.memory_space<vmem>>
    %dma_start3A_44 = arith.constant 9944 : i32
    %dma_start3A_45 = tpu.memref_slice %arg6[%dma_start3A_44] : memref<10000xi32, #tpu.memory_space<vmem>> -> memref<56xi32, #tpu.memory_space<vmem>>
    %dma_start3A_46 = arith.constant 0 : i32
    %dma_start3A_47 = arith.constant 0 : i32
    %dma_start3A_48 = tpu.memref_slice %arg2[%dma_start3A_46, %dma_start3A_47] : memref<10000x128xf32, #tpu.memory_space<hbm>> -> memref<10000x128xf32, #tpu.memory_space<hbm>>
    tpu.enqueue_indirect_dma source(%dma_start3A_48 : memref<10000x128xf32, #tpu.memory_space<hbm>>) target(%dma_start3A_43 : memref<56x128xf32, #tpu.memory_space<vmem>>) offsets(%dma_start3A_45 : memref<56xi32, #tpu.memory_space<vmem>>) semaphore(%arg23 : memref<!tpu.dma_semaphore, #tpu.memory_space<semaphore_mem>>)
    %dma_start3A_49 = arith.constant 0 : i32
    %dma_start3A_50 = arith.constant 0 : i32
    %dma_start3A_51 = tpu.memref_slice %arg15[%dma_start3A_49, %dma_start3A_50] : memref<88x128xf32, #tpu.memory_space<vmem>> -> memref<56x128xf32, #tpu.memory_space<vmem>>
    %dma_start3A_52 = arith.constant 9944 : i32
    %dma_start3A_53 = tpu.memref_slice %arg7[%dma_start3A_52] : memref<10000xi32, #tpu.memory_space<vmem>> -> memref<56xi32, #tpu.memory_space<vmem>>
    %dma_start3A_54 = arith.constant 0 : i32
    %dma_start3A_55 = arith.constant 0 : i32
    %dma_start3A_56 = tpu.memref_slice %arg3[%dma_start3A_54, %dma_start3A_55] : memref<10000x128xf32, #tpu.memory_space<hbm>> -> memref<10000x128xf32, #tpu.memory_space<hbm>>
    tpu.enqueue_indirect_dma source(%dma_start3A_56 : memref<10000x128xf32, #tpu.memory_space<hbm>>) target(%dma_start3A_51 : memref<56x128xf32, #tpu.memory_space<vmem>>) offsets(%dma_start3A_53 : memref<56xi32, #tpu.memory_space<vmem>>) semaphore(%arg24 : memref<!tpu.dma_semaphore, #tpu.memory_space<semaphore_mem>>)
    %dma_wait3A = arith.constant 9768 : i32
    %dma_wait3A_57 = tpu.memref_slice %arg6[%dma_wait3A] : memref<10000xi32, #tpu.memory_space<vmem>> -> memref<88xi32, #tpu.memory_space<vmem>>
    %dma_wait3A_58 = arith.constant 0 : i32
    %dma_wait3A_59 = arith.constant 0 : i32
    %dma_wait3A_60 = tpu.memref_slice %arg2[%dma_wait3A_58, %dma_wait3A_59] : memref<10000x128xf32, #tpu.memory_space<hbm>> -> memref<10000x128xf32, #tpu.memory_space<hbm>>
    tpu.wait_indirect_dma semaphore(%arg17 : memref<!tpu.dma_semaphore, #tpu.memory_space<semaphore_mem>>) src(%dma_wait3A_60 : memref<10000x128xf32, #tpu.memory_space<hbm>>) dst(%arg8 : memref<88x128xf32, #tpu.memory_space<vmem>>)
    %dma_wait3A_61 = arith.constant 9768 : i32
    %dma_wait3A_62 = tpu.memref_slice %arg7[%dma_wait3A_61] : memref<10000xi32, #tpu.memory_space<vmem>> -> memref<88xi32, #tpu.memory_space<vmem>>
    %dma_wait3A_63 = arith.constant 0 : i32
    %dma_wait3A_64 = arith.constant 0 : i32
    %dma_wait3A_65 = tpu.memref_slice %arg3[%dma_wait3A_63, %dma_wait3A_64] : memref<10000x128xf32, #tpu.memory_space<hbm>> -> memref<10000x128xf32, #tpu.memory_space<hbm>>
    tpu.wait_indirect_dma semaphore(%arg18 : memref<!tpu.dma_semaphore, #tpu.memory_space<semaphore_mem>>) src(%dma_wait3A_65 : memref<10000x128xf32, #tpu.memory_space<hbm>>) dst(%arg9 : memref<88x128xf32, #tpu.memory_space<vmem>>)
    %add3A_66 = arith.constant 9504 : i32
    %add3A_67 = arith.addi %mul3A_2, %add3A_66 : i32
    %dma_wait3A_68 = arith.constant 0 : i32
    %dma_wait3A_69 = tpu.memref_slice %arg5[%add3A_67, %dma_wait3A_68] : memref<320000x128xf32, #tpu.memory_space<hbm>> -> memref<88x128xf32, #tpu.memory_space<hbm>>
    %dma_wait3A_70 = arith.constant 0 : i32
    %dma_wait3A_71 = tpu.memref_slice %arg5[%add3A_67, %dma_wait3A_70] : memref<320000x128xf32, #tpu.memory_space<hbm>> -> memref<88x128xf32, #tpu.memory_space<hbm>>
    tpu.wait_dma2 semaphore(%arg19 : memref<!tpu.dma_semaphore, #tpu.memory_space<semaphore_mem>>) src(%arg10 : memref<88x128xf32, #tpu.memory_space<vmem>>) dst(%dma_wait3A_71 : memref<88x128xf32, #tpu.memory_space<hbm>>)
    %parallel_loop3A = arith.constant 0 : i32
    %parallel_loop3A_72 = arith.constant 88 : i32
    %parallel_loop3A_73 = arith.constant 1 : i32
    scf.for %parallel_loop3A_162 = %parallel_loop3A to %parallel_loop3A_72 step %parallel_loop3A_73  : i32 {
      %parallel_loop3A_163 = arith.index_cast %parallel_loop3A_162 : i32 to index
      %parallel_loop3A_164 = arith.constant 0 : index
      %parallel_loop3A_165 = tpu.vector_load %arg8[%parallel_loop3A_163, %parallel_loop3A_164] {strides = array<i32>} : memref<88x128xf32, #tpu.memory_space<vmem>>, vector<1x16xf32>,
      %parallel_loop3A_166 = vector.shape_cast %parallel_loop3A_165 : vector<1x16xf32> to vector<16xf32>
      %parallel_loop3A_167 = arith.index_cast %parallel_loop3A_162 : i32 to index
      %parallel_loop3A_168 = arith.constant 0 : index
      %parallel_loop3A_169 = tpu.vector_load %arg9[%parallel_loop3A_167, %parallel_loop3A_168] {strides = array<i32>} : memref<88x128xf32, #tpu.memory_space<vmem>>, vector<1x16xf32>,
      %parallel_loop3A_170 = vector.shape_cast %parallel_loop3A_169 : vector<1x16xf32> to vector<16xf32>
      %parallel_loop3A_171 = arith.addf %parallel_loop3A_166, %parallel_loop3A_170 : vector<16xf32>
      %parallel_loop3A_172 = arith.constant 0.000000e+00 : f32
      %parallel_loop3A_173 = vector.broadcast %parallel_loop3A_172 : f32 to vector<16xf32>
      %parallel_loop3A_174 = arith.maximumf %parallel_loop3A_171, %parallel_loop3A_173 : vector<16xf32>
      %parallel_loop3A_175 = arith.index_cast %parallel_loop3A_162 : i32 to index
      %parallel_loop3A_176 = arith.constant 0 : index
      %parallel_loop3A_177 = tpu.vector_load %arg10[%parallel_loop3A_175, %parallel_loop3A_176] {strides = array<i32>} : memref<88x128xf32, #tpu.memory_space<vmem>>, vector<1x16xf32>,
      %parallel_loop3A_178 = vector.shape_cast %parallel_loop3A_177 : vector<1x16xf32> to vector<16xf32>
      %parallel_loop3A_179 = vector.shape_cast %parallel_loop3A_174 : vector<16xf32> to vector<1x16xf32>
      tpu.vector_store %arg10[%parallel_loop3A_175, %parallel_loop3A_176], %parallel_loop3A_179 {strides = array<i32>} : memref<88x128xf32, #tpu.memory_space<vmem>>, vector<1x16xf32>,
      %parallel_loop3A_180 = arith.index_cast %parallel_loop3A_162 : i32 to index
      %parallel_loop3A_181 = arith.constant 16 : index
      %parallel_loop3A_182 = tpu.vector_load %arg8[%parallel_loop3A_180, %parallel_loop3A_181] {strides = array<i32>} : memref<88x128xf32, #tpu.memory_space<vmem>>, vector<1x16xf32>,
      %parallel_loop3A_183 = vector.shape_cast %parallel_loop3A_182 : vector<1x16xf32> to vector<16xf32>
      %parallel_loop3A_184 = arith.index_cast %parallel_loop3A_162 : i32 to index
      %parallel_loop3A_185 = arith.constant 16 : index
      %parallel_loop3A_186 = tpu.vector_load %arg9[%parallel_loop3A_184, %parallel_loop3A_185] {strides = array<i32>} : memref<88x128xf32, #tpu.memory_space<vmem>>, vector<1x16xf32>,
      %parallel_loop3A_187 = vector.shape_cast %parallel_loop3A_186 : vector<1x16xf32> to vector<16xf32>
      %parallel_loop3A_188 = arith.addf %parallel_loop3A_183, %parallel_loop3A_187 : vector<16xf32>
      %parallel_loop3A_189 = arith.constant 0.000000e+00 : f32
      %parallel_loop3A_190 = vector.broadcast %parallel_loop3A_189 : f32 to vector<16xf32>
      %parallel_loop3A_191 = arith.maximumf %parallel_loop3A_188, %parallel_loop3A_190 : vector<16xf32>
      %parallel_loop3A_192 = arith.index_cast %parallel_loop3A_162 : i32 to index
      %parallel_loop3A_193 = arith.constant 16 : index
      %parallel_loop3A_194 = tpu.vector_load %arg10[%parallel_loop3A_192, %parallel_loop3A_193] {strides = array<i32>} : memref<88x128xf32, #tpu.memory_space<vmem>>, vector<1x16xf32>,
      %parallel_loop3A_195 = vector.shape_cast %parallel_loop3A_194 : vector<1x16xf32> to vector<16xf32>
      %parallel_loop3A_196 = vector.shape_cast %parallel_loop3A_191 : vector<16xf32> to vector<1x16xf32>
      tpu.vector_store %arg10[%parallel_loop3A_192, %parallel_loop3A_193], %parallel_loop3A_196 {strides = array<i32>} : memref<88x128xf32, #tpu.memory_space<vmem>>, vector<1x16xf32>,
      %parallel_loop3A_197 = arith.index_cast %parallel_loop3A_162 : i32 to index
      %parallel_loop3A_198 = arith.constant 32 : index
      %parallel_loop3A_199 = tpu.vector_load %arg8[%parallel_loop3A_197, %parallel_loop3A_198] {strides = array<i32>} : memref<88x128xf32, #tpu.memory_space<vmem>>, vector<1x16xf32>,
      %parallel_loop3A_200 = vector.shape_cast %parallel_loop3A_199 : vector<1x16xf32> to vector<16xf32>
      %parallel_loop3A_201 = arith.index_cast %parallel_loop3A_162 : i32 to index
      %parallel_loop3A_202 = arith.constant 32 : index
      %parallel_loop3A_203 = tpu.vector_load %arg9[%parallel_loop3A_201, %parallel_loop3A_202] {strides = array<i32>} : memref<88x128xf32, #tpu.memory_space<vmem>>, vector<1x16xf32>,
      %parallel_loop3A_204 = vector.shape_cast %parallel_loop3A_203 : vector<1x16xf32> to vector<16xf32>
      %parallel_loop3A_205 = arith.addf %parallel_loop3A_200, %parallel_loop3A_204 : vector<16xf32>
      %parallel_loop3A_206 = arith.constant 0.000000e+00 : f32
      %parallel_loop3A_207 = vector.broadcast %parallel_loop3A_206 : f32 to vector<16xf32>
      %parallel_loop3A_208 = arith.maximumf %parallel_loop3A_205, %parallel_loop3A_207 : vector<16xf32>
      %parallel_loop3A_209 = arith.index_cast %parallel_loop3A_162 : i32 to index
      %parallel_loop3A_210 = arith.constant 32 : index
      %parallel_loop3A_211 = tpu.vector_load %arg10[%parallel_loop3A_209, %parallel_loop3A_210] {strides = array<i32>} : memref<88x128xf32, #tpu.memory_space<vmem>>, vector<1x16xf32>,
      %parallel_loop3A_212 = vector.shape_cast %parallel_loop3A_211 : vector<1x16xf32> to vector<16xf32>
      %parallel_loop3A_213 = vector.shape_cast %parallel_loop3A_208 : vector<16xf32> to vector<1x16xf32>
      tpu.vector_store %arg10[%parallel_loop3A_209, %parallel_loop3A_210], %parallel_loop3A_213 {strides = array<i32>} : memref<88x128xf32, #tpu.memory_space<vmem>>, vector<1x16xf32>,
      %parallel_loop3A_214 = arith.index_cast %parallel_loop3A_162 : i32 to index
      %parallel_loop3A_215 = arith.constant 48 : index
      %parallel_loop3A_216 = tpu.vector_load %arg8[%parallel_loop3A_214, %parallel_loop3A_215] {strides = array<i32>} : memref<88x128xf32, #tpu.memory_space<vmem>>, vector<1x16xf32>,
      %parallel_loop3A_217 = vector.shape_cast %parallel_loop3A_216 : vector<1x16xf32> to vector<16xf32>
      %parallel_loop3A_218 = arith.index_cast %parallel_loop3A_162 : i32 to index
      %parallel_loop3A_219 = arith.constant 48 : index
      %parallel_loop3A_220 = tpu.vector_load %arg9[%parallel_loop3A_218, %parallel_loop3A_219] {strides = array<i32>} : memref<88x128xf32, #tpu.memory_space<vmem>>, vector<1x16xf32>,
      %parallel_loop3A_221 = vector.shape_cast %parallel_loop3A_220 : vector<1x16xf32> to vector<16xf32>
      %parallel_loop3A_222 = arith.addf %parallel_loop3A_217, %parallel_loop3A_221 : vector<16xf32>
      %parallel_loop3A_223 = arith.constant 0.000000e+00 : f32
      %parallel_loop3A_224 = vector.broadcast %parallel_loop3A_223 : f32 to vector<16xf32>
      %parallel_loop3A_225 = arith.maximumf %parallel_loop3A_222, %parallel_loop3A_224 : vector<16xf32>
      %parallel_loop3A_226 = arith.index_cast %parallel_loop3A_162 : i32 to index
      %parallel_loop3A_227 = arith.constant 48 : index
      %parallel_loop3A_228 = tpu.vector_load %arg10[%parallel_loop3A_226, %parallel_loop3A_227] {strides = array<i32>} : memref<88x128xf32, #tpu.memory_space<vmem>>, vector<1x16xf32>,
      %parallel_loop3A_229 = vector.shape_cast %parallel_loop3A_228 : vector<1x16xf32> to vector<16xf32>
      %parallel_loop3A_230 = vector.shape_cast %parallel_loop3A_225 : vector<16xf32> to vector<1x16xf32>
      tpu.vector_store %arg10[%parallel_loop3A_226, %parallel_loop3A_227], %parallel_loop3A_230 {strides = array<i32>} : memref<88x128xf32, #tpu.memory_space<vmem>>, vector<1x16xf32>,
      %parallel_loop3A_231 = arith.index_cast %parallel_loop3A_162 : i32 to index
      %parallel_loop3A_232 = arith.constant 64 : index
      %parallel_loop3A_233 = tpu.vector_load %arg8[%parallel_loop3A_231, %parallel_loop3A_232] {strides = array<i32>} : memref<88x128xf32, #tpu.memory_space<vmem>>, vector<1x16xf32>,
      %parallel_loop3A_234 = vector.shape_cast %parallel_loop3A_233 : vector<1x16xf32> to vector<16xf32>
      %parallel_loop3A_235 = arith.index_cast %parallel_loop3A_162 : i32 to index
      %parallel_loop3A_236 = arith.constant 64 : index
      %parallel_loop3A_237 = tpu.vector_load %arg9[%parallel_loop3A_235, %parallel_loop3A_236] {strides = array<i32>} : memref<88x128xf32, #tpu.memory_space<vmem>>, vector<1x16xf32>,
      %parallel_loop3A_238 = vector.shape_cast %parallel_loop3A_237 : vector<1x16xf32> to vector<16xf32>
      %parallel_loop3A_239 = arith.addf %parallel_loop3A_234, %parallel_loop3A_238 : vector<16xf32>
      %parallel_loop3A_240 = arith.constant 0.000000e+00 : f32
      %parallel_loop3A_241 = vector.broadcast %parallel_loop3A_240 : f32 to vector<16xf32>
      %parallel_loop3A_242 = arith.maximumf %parallel_loop3A_239, %parallel_loop3A_241 : vector<16xf32>
      %parallel_loop3A_243 = arith.index_cast %parallel_loop3A_162 : i32 to index
      %parallel_loop3A_244 = arith.constant 64 : index
      %parallel_loop3A_245 = tpu.vector_load %arg10[%parallel_loop3A_243, %parallel_loop3A_244] {strides = array<i32>} : memref<88x128xf32, #tpu.memory_space<vmem>>, vector<1x16xf32>,
      %parallel_loop3A_246 = vector.shape_cast %parallel_loop3A_245 : vector<1x16xf32> to vector<16xf32>
      %parallel_loop3A_247 = vector.shape_cast %parallel_loop3A_242 : vector<16xf32> to vector<1x16xf32>
      tpu.vector_store %arg10[%parallel_loop3A_243, %parallel_loop3A_244], %parallel_loop3A_247 {strides = array<i32>} : memref<88x128xf32, #tpu.memory_space<vmem>>, vector<1x16xf32>,
      %parallel_loop3A_248 = arith.index_cast %parallel_loop3A_162 : i32 to index
      %parallel_loop3A_249 = arith.constant 80 : index
      %parallel_loop3A_250 = tpu.vector_load %arg8[%parallel_loop3A_248, %parallel_loop3A_249] {strides = array<i32>} : memref<88x128xf32, #tpu.memory_space<vmem>>, vector<1x16xf32>,
      %parallel_loop3A_251 = vector.shape_cast %parallel_loop3A_250 : vector<1x16xf32> to vector<16xf32>
      %parallel_loop3A_252 = arith.index_cast %parallel_loop3A_162 : i32 to index
      %parallel_loop3A_253 = arith.constant 80 : index
      %parallel_loop3A_254 = tpu.vector_load %arg9[%parallel_loop3A_252, %parallel_loop3A_253] {strides = array<i32>} : memref<88x128xf32, #tpu.memory_space<vmem>>, vector<1x16xf32>,
      %parallel_loop3A_255 = vector.shape_cast %parallel_loop3A_254 : vector<1x16xf32> to vector<16xf32>
      %parallel_loop3A_256 = arith.addf %parallel_loop3A_251, %parallel_loop3A_255 : vector<16xf32>
      %parallel_loop3A_257 = arith.constant 0.000000e+00 : f32
      %parallel_loop3A_258 = vector.broadcast %parallel_loop3A_257 : f32 to vector<16xf32>
      %parallel_loop3A_259 = arith.maximumf %parallel_loop3A_256, %parallel_loop3A_258 : vector<16xf32>
      %parallel_loop3A_260 = arith.index_cast %parallel_loop3A_162 : i32 to index
      %parallel_loop3A_261 = arith.constant 80 : index
      %parallel_loop3A_262 = tpu.vector_load %arg10[%parallel_loop3A_260, %parallel_loop3A_261] {strides = array<i32>} : memref<88x128xf32, #tpu.memory_space<vmem>>, vector<1x16xf32>,
      %parallel_loop3A_263 = vector.shape_cast %parallel_loop3A_262 : vector<1x16xf32> to vector<16xf32>
      %parallel_loop3A_264 = vector.shape_cast %parallel_loop3A_259 : vector<16xf32> to vector<1x16xf32>
      tpu.vector_store %arg10[%parallel_loop3A_260, %parallel_loop3A_261], %parallel_loop3A_264 {strides = array<i32>} : memref<88x128xf32, #tpu.memory_space<vmem>>, vector<1x16xf32>,
      %parallel_loop3A_265 = arith.index_cast %parallel_loop3A_162 : i32 to index
      %parallel_loop3A_266 = arith.constant 96 : index
      %parallel_loop3A_267 = tpu.vector_load %arg8[%parallel_loop3A_265, %parallel_loop3A_266] {strides = array<i32>} : memref<88x128xf32, #tpu.memory_space<vmem>>, vector<1x16xf32>,
      %parallel_loop3A_268 = vector.shape_cast %parallel_loop3A_267 : vector<1x16xf32> to vector<16xf32>
      %parallel_loop3A_269 = arith.index_cast %parallel_loop3A_162 : i32 to index
      %parallel_loop3A_270 = arith.constant 96 : index
      %parallel_loop3A_271 = tpu.vector_load %arg9[%parallel_loop3A_269, %parallel_loop3A_270] {strides = array<i32>} : memref<88x128xf32, #tpu.memory_space<vmem>>, vector<1x16xf32>,
      %parallel_loop3A_272 = vector.shape_cast %parallel_loop3A_271 : vector<1x16xf32> to vector<16xf32>
      %parallel_loop3A_273 = arith.addf %parallel_loop3A_268, %parallel_loop3A_272 : vector<16xf32>
      %parallel_loop3A_274 = arith.constant 0.000000e+00 : f32
      %parallel_loop3A_275 = vector.broadcast %parallel_loop3A_274 : f32 to vector<16xf32>
      %parallel_loop3A_276 = arith.maximumf %parallel_loop3A_273, %parallel_loop3A_275 : vector<16xf32>
      %parallel_loop3A_277 = arith.index_cast %parallel_loop3A_162 : i32 to index
      %parallel_loop3A_278 = arith.constant 96 : index
      %parallel_loop3A_279 = tpu.vector_load %arg10[%parallel_loop3A_277, %parallel_loop3A_278] {strides = array<i32>} : memref<88x128xf32, #tpu.memory_space<vmem>>, vector<1x16xf32>,
      %parallel_loop3A_280 = vector.shape_cast %parallel_loop3A_279 : vector<1x16xf32> to vector<16xf32>
      %parallel_loop3A_281 = vector.shape_cast %parallel_loop3A_276 : vector<16xf32> to vector<1x16xf32>
      tpu.vector_store %arg10[%parallel_loop3A_277, %parallel_loop3A_278], %parallel_loop3A_281 {strides = array<i32>} : memref<88x128xf32, #tpu.memory_space<vmem>>, vector<1x16xf32>,
      %parallel_loop3A_282 = arith.index_cast %parallel_loop3A_162 : i32 to index
      %parallel_loop3A_283 = arith.constant 112 : index
      %parallel_loop3A_284 = tpu.vector_load %arg8[%parallel_loop3A_282, %parallel_loop3A_283] {strides = array<i32>} : memref<88x128xf32, #tpu.memory_space<vmem>>, vector<1x16xf32>,
      %parallel_loop3A_285 = vector.shape_cast %parallel_loop3A_284 : vector<1x16xf32> to vector<16xf32>
      %parallel_loop3A_286 = arith.index_cast %parallel_loop3A_162 : i32 to index
      %parallel_loop3A_287 = arith.constant 112 : index
      %parallel_loop3A_288 = tpu.vector_load %arg9[%parallel_loop3A_286, %parallel_loop3A_287] {strides = array<i32>} : memref<88x128xf32, #tpu.memory_space<vmem>>, vector<1x16xf32>,
      %parallel_loop3A_289 = vector.shape_cast %parallel_loop3A_288 : vector<1x16xf32> to vector<16xf32>
      %parallel_loop3A_290 = arith.addf %parallel_loop3A_285, %parallel_loop3A_289 : vector<16xf32>
      %parallel_loop3A_291 = arith.constant 0.000000e+00 : f32
      %parallel_loop3A_292 = vector.broadcast %parallel_loop3A_291 : f32 to vector<16xf32>
      %parallel_loop3A_293 = arith.maximumf %parallel_loop3A_290, %parallel_loop3A_292 : vector<16xf32>
      %parallel_loop3A_294 = arith.index_cast %parallel_loop3A_162 : i32 to index
      %parallel_loop3A_295 = arith.constant 112 : index
      %parallel_loop3A_296 = tpu.vector_load %arg10[%parallel_loop3A_294, %parallel_loop3A_295] {strides = array<i32>} : memref<88x128xf32, #tpu.memory_space<vmem>>, vector<1x16xf32>,
      %parallel_loop3A_297 = vector.shape_cast %parallel_loop3A_296 : vector<1x16xf32> to vector<16xf32>
      %parallel_loop3A_298 = vector.shape_cast %parallel_loop3A_293 : vector<16xf32> to vector<1x16xf32>
      tpu.vector_store %arg10[%parallel_loop3A_294, %parallel_loop3A_295], %parallel_loop3A_298 {strides = array<i32>} : memref<88x128xf32, #tpu.memory_space<vmem>>, vector<1x16xf32>,
    } {sc.loop_unroll_factor = 4 : i64, sc.parallel_access}
    %add3A_74 = arith.constant 9768 : i32
    %add3A_75 = arith.addi %mul3A_2, %add3A_74 : i32
    %dma_start3A_76 = arith.constant 0 : i32
    %dma_start3A_77 = tpu.memref_slice %arg5[%add3A_75, %dma_start3A_76] : memref<320000x128xf32, #tpu.memory_space<hbm>> -> memref<88x128xf32, #tpu.memory_space<hbm>>
    %dma_start3A_78 = arith.constant 0 : i32
    %dma_start3A_79 = tpu.memref_slice %arg5[%add3A_75, %dma_start3A_78] : memref<320000x128xf32, #tpu.memory_space<hbm>> -> memref<88x128xf32, #tpu.memory_space<hbm>>
    tpu.enqueue_dma source(%arg10 : memref<88x128xf32, #tpu.memory_space<vmem>>) target(%dma_start3A_79 : memref<88x128xf32, #tpu.memory_space<hbm>>) target_semaphore(%arg19 : memref<!tpu.dma_semaphore, #tpu.memory_space<semaphore_mem>>)
    %dma_wait3A_80 = arith.constant 9856 : i32
    %dma_wait3A_81 = tpu.memref_slice %arg6[%dma_wait3A_80] : memref<10000xi32, #tpu.memory_space<vmem>> -> memref<88xi32, #tpu.memory_space<vmem>>
    %dma_wait3A_82 = arith.constant 0 : i32
    %dma_wait3A_83 = arith.constant 0 : i32
    %dma_wait3A_84 = tpu.memref_slice %arg2[%dma_wait3A_82, %dma_wait3A_83] : memref<10000x128xf32, #tpu.memory_space<hbm>> -> memref<10000x128xf32, #tpu.memory_space<hbm>>
    tpu.wait_indirect_dma semaphore(%arg20 : memref<!tpu.dma_semaphore, #tpu.memory_space<semaphore_mem>>) src(%dma_wait3A_84 : memref<10000x128xf32, #tpu.memory_space<hbm>>) dst(%arg11 : memref<88x128xf32, #tpu.memory_space<vmem>>)
    %dma_wait3A_85 = arith.constant 9856 : i32
    %dma_wait3A_86 = tpu.memref_slice %arg7[%dma_wait3A_85] : memref<10000xi32, #tpu.memory_space<vmem>> -> memref<88xi32, #tpu.memory_space<vmem>>
    %dma_wait3A_87 = arith.constant 0 : i32
    %dma_wait3A_88 = arith.constant 0 : i32
    %dma_wait3A_89 = tpu.memref_slice %arg3[%dma_wait3A_87, %dma_wait3A_88] : memref<10000x128xf32, #tpu.memory_space<hbm>> -> memref<10000x128xf32, #tpu.memory_space<hbm>>
    tpu.wait_indirect_dma semaphore(%arg21 : memref<!tpu.dma_semaphore, #tpu.memory_space<semaphore_mem>>) src(%dma_wait3A_89 : memref<10000x128xf32, #tpu.memory_space<hbm>>) dst(%arg12 : memref<88x128xf32, #tpu.memory_space<vmem>>)
    %add3A_90 = arith.constant 9592 : i32
    %add3A_91 = arith.addi %mul3A_2, %add3A_90 : i32
    %dma_wait3A_92 = arith.constant 0 : i32
    %dma_wait3A_93 = tpu.memref_slice %arg5[%add3A_91, %dma_wait3A_92] : memref<320000x128xf32, #tpu.memory_space<hbm>> -> memref<88x128xf32, #tpu.memory_space<hbm>>
    %dma_wait3A_94 = arith.constant 0 : i32
    %dma_wait3A_95 = tpu.memref_slice %arg5[%add3A_91, %dma_wait3A_94] : memref<320000x128xf32, #tpu.memory_space<hbm>> -> memref<88x128xf32, #tpu.memory_space<hbm>>
    tpu.wait_dma2 semaphore(%arg22 : memref<!tpu.dma_semaphore, #tpu.memory_space<semaphore_mem>>) src(%arg13 : memref<88x128xf32, #tpu.memory_space<vmem>>) dst(%dma_wait3A_95 : memref<88x128xf32, #tpu.memory_space<hbm>>)
    %parallel_loop3A_96 = arith.constant 0 : i32
    %parallel_loop3A_97 = arith.constant 88 : i32
    %parallel_loop3A_98 = arith.constant 1 : i32
    scf.for %parallel_loop3A_162 = %parallel_loop3A_96 to %parallel_loop3A_97 step %parallel_loop3A_98  : i32 {
      %parallel_loop3A_163 = arith.index_cast %parallel_loop3A_162 : i32 to index
      %parallel_loop3A_164 = arith.constant 0 : index
      %parallel_loop3A_165 = tpu.vector_load %arg11[%parallel_loop3A_163, %parallel_loop3A_164] {strides = array<i32>} : memref<88x128xf32, #tpu.memory_space<vmem>>, vector<1x16xf32>,
      %parallel_loop3A_166 = vector.shape_cast %parallel_loop3A_165 : vector<1x16xf32> to vector<16xf32>
      %parallel_loop3A_167 = arith.index_cast %parallel_loop3A_162 : i32 to index
      %parallel_loop3A_168 = arith.constant 0 : index
      %parallel_loop3A_169 = tpu.vector_load %arg12[%parallel_loop3A_167, %parallel_loop3A_168] {strides = array<i32>} : memref<88x128xf32, #tpu.memory_space<vmem>>, vector<1x16xf32>,
      %parallel_loop3A_170 = vector.shape_cast %parallel_loop3A_169 : vector<1x16xf32> to vector<16xf32>
      %parallel_loop3A_171 = arith.addf %parallel_loop3A_166, %parallel_loop3A_170 : vector<16xf32>
      %parallel_loop3A_172 = arith.constant 0.000000e+00 : f32
      %parallel_loop3A_173 = vector.broadcast %parallel_loop3A_172 : f32 to vector<16xf32>
      %parallel_loop3A_174 = arith.maximumf %parallel_loop3A_171, %parallel_loop3A_173 : vector<16xf32>
      %parallel_loop3A_175 = arith.index_cast %parallel_loop3A_162 : i32 to index
      %parallel_loop3A_176 = arith.constant 0 : index
      %parallel_loop3A_177 = tpu.vector_load %arg13[%parallel_loop3A_175, %parallel_loop3A_176] {strides = array<i32>} : memref<88x128xf32, #tpu.memory_space<vmem>>, vector<1x16xf32>,
      %parallel_loop3A_178 = vector.shape_cast %parallel_loop3A_177 : vector<1x16xf32> to vector<16xf32>
      %parallel_loop3A_179 = vector.shape_cast %parallel_loop3A_174 : vector<16xf32> to vector<1x16xf32>
      tpu.vector_store %arg13[%parallel_loop3A_175, %parallel_loop3A_176], %parallel_loop3A_179 {strides = array<i32>} : memref<88x128xf32, #tpu.memory_space<vmem>>, vector<1x16xf32>,
      %parallel_loop3A_180 = arith.index_cast %parallel_loop3A_162 : i32 to index
      %parallel_loop3A_181 = arith.constant 16 : index
      %parallel_loop3A_182 = tpu.vector_load %arg11[%parallel_loop3A_180, %parallel_loop3A_181] {strides = array<i32>} : memref<88x128xf32, #tpu.memory_space<vmem>>, vector<1x16xf32>,
      %parallel_loop3A_183 = vector.shape_cast %parallel_loop3A_182 : vector<1x16xf32> to vector<16xf32>
      %parallel_loop3A_184 = arith.index_cast %parallel_loop3A_162 : i32 to index
      %parallel_loop3A_185 = arith.constant 16 : index
      %parallel_loop3A_186 = tpu.vector_load %arg12[%parallel_loop3A_184, %parallel_loop3A_185] {strides = array<i32>} : memref<88x128xf32, #tpu.memory_space<vmem>>, vector<1x16xf32>,
      %parallel_loop3A_187 = vector.shape_cast %parallel_loop3A_186 : vector<1x16xf32> to vector<16xf32>
      %parallel_loop3A_188 = arith.addf %parallel_loop3A_183, %parallel_loop3A_187 : vector<16xf32>
      %parallel_loop3A_189 = arith.constant 0.000000e+00 : f32
      %parallel_loop3A_190 = vector.broadcast %parallel_loop3A_189 : f32 to vector<16xf32>
      %parallel_loop3A_191 = arith.maximumf %parallel_loop3A_188, %parallel_loop3A_190 : vector<16xf32>
      %parallel_loop3A_192 = arith.index_cast %parallel_loop3A_162 : i32 to index
      %parallel_loop3A_193 = arith.constant 16 : index
      %parallel_loop3A_194 = tpu.vector_load %arg13[%parallel_loop3A_192, %parallel_loop3A_193] {strides = array<i32>} : memref<88x128xf32, #tpu.memory_space<vmem>>, vector<1x16xf32>,
      %parallel_loop3A_195 = vector.shape_cast %parallel_loop3A_194 : vector<1x16xf32> to vector<16xf32>
      %parallel_loop3A_196 = vector.shape_cast %parallel_loop3A_191 : vector<16xf32> to vector<1x16xf32>
      tpu.vector_store %arg13[%parallel_loop3A_192, %parallel_loop3A_193], %parallel_loop3A_196 {strides = array<i32>} : memref<88x128xf32, #tpu.memory_space<vmem>>, vector<1x16xf32>,
      %parallel_loop3A_197 = arith.index_cast %parallel_loop3A_162 : i32 to index
      %parallel_loop3A_198 = arith.constant 32 : index
      %parallel_loop3A_199 = tpu.vector_load %arg11[%parallel_loop3A_197, %parallel_loop3A_198] {strides = array<i32>} : memref<88x128xf32, #tpu.memory_space<vmem>>, vector<1x16xf32>,
      %parallel_loop3A_200 = vector.shape_cast %parallel_loop3A_199 : vector<1x16xf32> to vector<16xf32>
      %parallel_loop3A_201 = arith.index_cast %parallel_loop3A_162 : i32 to index
      %parallel_loop3A_202 = arith.constant 32 : index
      %parallel_loop3A_203 = tpu.vector_load %arg12[%parallel_loop3A_201, %parallel_loop3A_202] {strides = array<i32>} : memref<88x128xf32, #tpu.memory_space<vmem>>, vector<1x16xf32>,
      %parallel_loop3A_204 = vector.shape_cast %parallel_loop3A_203 : vector<1x16xf32> to vector<16xf32>
      %parallel_loop3A_205 = arith.addf %parallel_loop3A_200, %parallel_loop3A_204 : vector<16xf32>
      %parallel_loop3A_206 = arith.constant 0.000000e+00 : f32
      %parallel_loop3A_207 = vector.broadcast %parallel_loop3A_206 : f32 to vector<16xf32>
      %parallel_loop3A_208 = arith.maximumf %parallel_loop3A_205, %parallel_loop3A_207 : vector<16xf32>
      %parallel_loop3A_209 = arith.index_cast %parallel_loop3A_162 : i32 to index
      %parallel_loop3A_210 = arith.constant 32 : index
      %parallel_loop3A_211 = tpu.vector_load %arg13[%parallel_loop3A_209, %parallel_loop3A_210] {strides = array<i32>} : memref<88x128xf32, #tpu.memory_space<vmem>>, vector<1x16xf32>,
      %parallel_loop3A_212 = vector.shape_cast %parallel_loop3A_211 : vector<1x16xf32> to vector<16xf32>
      %parallel_loop3A_213 = vector.shape_cast %parallel_loop3A_208 : vector<16xf32> to vector<1x16xf32>
      tpu.vector_store %arg13[%parallel_loop3A_209, %parallel_loop3A_210], %parallel_loop3A_213 {strides = array<i32>} : memref<88x128xf32, #tpu.memory_space<vmem>>, vector<1x16xf32>,
      %parallel_loop3A_214 = arith.index_cast %parallel_loop3A_162 : i32 to index
      %parallel_loop3A_215 = arith.constant 48 : index
      %parallel_loop3A_216 = tpu.vector_load %arg11[%parallel_loop3A_214, %parallel_loop3A_215] {strides = array<i32>} : memref<88x128xf32, #tpu.memory_space<vmem>>, vector<1x16xf32>,
      %parallel_loop3A_217 = vector.shape_cast %parallel_loop3A_216 : vector<1x16xf32> to vector<16xf32>
      %parallel_loop3A_218 = arith.index_cast %parallel_loop3A_162 : i32 to index
      %parallel_loop3A_219 = arith.constant 48 : index
      %parallel_loop3A_220 = tpu.vector_load %arg12[%parallel_loop3A_218, %parallel_loop3A_219] {strides = array<i32>} : memref<88x128xf32, #tpu.memory_space<vmem>>, vector<1x16xf32>,
      %parallel_loop3A_221 = vector.shape_cast %parallel_loop3A_220 : vector<1x16xf32> to vector<16xf32>
      %parallel_loop3A_222 = arith.addf %parallel_loop3A_217, %parallel_loop3A_221 : vector<16xf32>
      %parallel_loop3A_223 = arith.constant 0.000000e+00 : f32
      %parallel_loop3A_224 = vector.broadcast %parallel_loop3A_223 : f32 to vector<16xf32>
      %parallel_loop3A_225 = arith.maximumf %parallel_loop3A_222, %parallel_loop3A_224 : vector<16xf32>
      %parallel_loop3A_226 = arith.index_cast %parallel_loop3A_162 : i32 to index
      %parallel_loop3A_227 = arith.constant 48 : index
      %parallel_loop3A_228 = tpu.vector_load %arg13[%parallel_loop3A_226, %parallel_loop3A_227] {strides = array<i32>} : memref<88x128xf32, #tpu.memory_space<vmem>>, vector<1x16xf32>,
      %parallel_loop3A_229 = vector.shape_cast %parallel_loop3A_228 : vector<1x16xf32> to vector<16xf32>
      %parallel_loop3A_230 = vector.shape_cast %parallel_loop3A_225 : vector<16xf32> to vector<1x16xf32>
      tpu.vector_store %arg13[%parallel_loop3A_226, %parallel_loop3A_227], %parallel_loop3A_230 {strides = array<i32>} : memref<88x128xf32, #tpu.memory_space<vmem>>, vector<1x16xf32>,
      %parallel_loop3A_231 = arith.index_cast %parallel_loop3A_162 : i32 to index
      %parallel_loop3A_232 = arith.constant 64 : index
      %parallel_loop3A_233 = tpu.vector_load %arg11[%parallel_loop3A_231, %parallel_loop3A_232] {strides = array<i32>} : memref<88x128xf32, #tpu.memory_space<vmem>>, vector<1x16xf32>,
      %parallel_loop3A_234 = vector.shape_cast %parallel_loop3A_233 : vector<1x16xf32> to vector<16xf32>
      %parallel_loop3A_235 = arith.index_cast %parallel_loop3A_162 : i32 to index
      %parallel_loop3A_236 = arith.constant 64 : index
      %parallel_loop3A_237 = tpu.vector_load %arg12[%parallel_loop3A_235, %parallel_loop3A_236] {strides = array<i32>} : memref<88x128xf32, #tpu.memory_space<vmem>>, vector<1x16xf32>,
      %parallel_loop3A_238 = vector.shape_cast %parallel_loop3A_237 : vector<1x16xf32> to vector<16xf32>
      %parallel_loop3A_239 = arith.addf %parallel_loop3A_234, %parallel_loop3A_238 : vector<16xf32>
      %parallel_loop3A_240 = arith.constant 0.000000e+00 : f32
      %parallel_loop3A_241 = vector.broadcast %parallel_loop3A_240 : f32 to vector<16xf32>
      %parallel_loop3A_242 = arith.maximumf %parallel_loop3A_239, %parallel_loop3A_241 : vector<16xf32>
      %parallel_loop3A_243 = arith.index_cast %parallel_loop3A_162 : i32 to index
      %parallel_loop3A_244 = arith.constant 64 : index
      %parallel_loop3A_245 = tpu.vector_load %arg13[%parallel_loop3A_243, %parallel_loop3A_244] {strides = array<i32>} : memref<88x128xf32, #tpu.memory_space<vmem>>, vector<1x16xf32>,
      %parallel_loop3A_246 = vector.shape_cast %parallel_loop3A_245 : vector<1x16xf32> to vector<16xf32>
      %parallel_loop3A_247 = vector.shape_cast %parallel_loop3A_242 : vector<16xf32> to vector<1x16xf32>
      tpu.vector_store %arg13[%parallel_loop3A_243, %parallel_loop3A_244], %parallel_loop3A_247 {strides = array<i32>} : memref<88x128xf32, #tpu.memory_space<vmem>>, vector<1x16xf32>,
      %parallel_loop3A_248 = arith.index_cast %parallel_loop3A_162 : i32 to index
      %parallel_loop3A_249 = arith.constant 80 : index
      %parallel_loop3A_250 = tpu.vector_load %arg11[%parallel_loop3A_248, %parallel_loop3A_249] {strides = array<i32>} : memref<88x128xf32, #tpu.memory_space<vmem>>, vector<1x16xf32>,
      %parallel_loop3A_251 = vector.shape_cast %parallel_loop3A_250 : vector<1x16xf32> to vector<16xf32>
      %parallel_loop3A_252 = arith.index_cast %parallel_loop3A_162 : i32 to index
      %parallel_loop3A_253 = arith.constant 80 : index
      %parallel_loop3A_254 = tpu.vector_load %arg12[%parallel_loop3A_252, %parallel_loop3A_253] {strides = array<i32>} : memref<88x128xf32, #tpu.memory_space<vmem>>, vector<1x16xf32>,
      %parallel_loop3A_255 = vector.shape_cast %parallel_loop3A_254 : vector<1x16xf32> to vector<16xf32>
      %parallel_loop3A_256 = arith.addf %parallel_loop3A_251, %parallel_loop3A_255 : vector<16xf32>
      %parallel_loop3A_257 = arith.constant 0.000000e+00 : f32
      %parallel_loop3A_258 = vector.broadcast %parallel_loop3A_257 : f32 to vector<16xf32>
      %parallel_loop3A_259 = arith.maximumf %parallel_loop3A_256, %parallel_loop3A_258 : vector<16xf32>
      %parallel_loop3A_260 = arith.index_cast %parallel_loop3A_162 : i32 to index
      %parallel_loop3A_261 = arith.constant 80 : index
      %parallel_loop3A_262 = tpu.vector_load %arg13[%parallel_loop3A_260, %parallel_loop3A_261] {strides = array<i32>} : memref<88x128xf32, #tpu.memory_space<vmem>>, vector<1x16xf32>,
      %parallel_loop3A_263 = vector.shape_cast %parallel_loop3A_262 : vector<1x16xf32> to vector<16xf32>
      %parallel_loop3A_264 = vector.shape_cast %parallel_loop3A_259 : vector<16xf32> to vector<1x16xf32>
      tpu.vector_store %arg13[%parallel_loop3A_260, %parallel_loop3A_261], %parallel_loop3A_264 {strides = array<i32>} : memref<88x128xf32, #tpu.memory_space<vmem>>, vector<1x16xf32>,
      %parallel_loop3A_265 = arith.index_cast %parallel_loop3A_162 : i32 to index
      %parallel_loop3A_266 = arith.constant 96 : index
      %parallel_loop3A_267 = tpu.vector_load %arg11[%parallel_loop3A_265, %parallel_loop3A_266] {strides = array<i32>} : memref<88x128xf32, #tpu.memory_space<vmem>>, vector<1x16xf32>,
      %parallel_loop3A_268 = vector.shape_cast %parallel_loop3A_267 : vector<1x16xf32> to vector<16xf32>
      %parallel_loop3A_269 = arith.index_cast %parallel_loop3A_162 : i32 to index
      %parallel_loop3A_270 = arith.constant 96 : index
      %parallel_loop3A_271 = tpu.vector_load %arg12[%parallel_loop3A_269, %parallel_loop3A_270] {strides = array<i32>} : memref<88x128xf32, #tpu.memory_space<vmem>>, vector<1x16xf32>,
      %parallel_loop3A_272 = vector.shape_cast %parallel_loop3A_271 : vector<1x16xf32> to vector<16xf32>
      %parallel_loop3A_273 = arith.addf %parallel_loop3A_268, %parallel_loop3A_272 : vector<16xf32>
      %parallel_loop3A_274 = arith.constant 0.000000e+00 : f32
      %parallel_loop3A_275 = vector.broadcast %parallel_loop3A_274 : f32 to vector<16xf32>
      %parallel_loop3A_276 = arith.maximumf %parallel_loop3A_273, %parallel_loop3A_275 : vector<16xf32>
      %parallel_loop3A_277 = arith.index_cast %parallel_loop3A_162 : i32 to index
      %parallel_loop3A_278 = arith.constant 96 : index
      %parallel_loop3A_279 = tpu.vector_load %arg13[%parallel_loop3A_277, %parallel_loop3A_278] {strides = array<i32>} : memref<88x128xf32, #tpu.memory_space<vmem>>, vector<1x16xf32>,
      %parallel_loop3A_280 = vector.shape_cast %parallel_loop3A_279 : vector<1x16xf32> to vector<16xf32>
      %parallel_loop3A_281 = vector.shape_cast %parallel_loop3A_276 : vector<16xf32> to vector<1x16xf32>
      tpu.vector_store %arg13[%parallel_loop3A_277, %parallel_loop3A_278], %parallel_loop3A_281 {strides = array<i32>} : memref<88x128xf32, #tpu.memory_space<vmem>>, vector<1x16xf32>,
      %parallel_loop3A_282 = arith.index_cast %parallel_loop3A_162 : i32 to index
      %parallel_loop3A_283 = arith.constant 112 : index
      %parallel_loop3A_284 = tpu.vector_load %arg11[%parallel_loop3A_282, %parallel_loop3A_283] {strides = array<i32>} : memref<88x128xf32, #tpu.memory_space<vmem>>, vector<1x16xf32>,
      %parallel_loop3A_285 = vector.shape_cast %parallel_loop3A_284 : vector<1x16xf32> to vector<16xf32>
      %parallel_loop3A_286 = arith.index_cast %parallel_loop3A_162 : i32 to index
      %parallel_loop3A_287 = arith.constant 112 : index
      %parallel_loop3A_288 = tpu.vector_load %arg12[%parallel_loop3A_286, %parallel_loop3A_287] {strides = array<i32>} : memref<88x128xf32, #tpu.memory_space<vmem>>, vector<1x16xf32>,
      %parallel_loop3A_289 = vector.shape_cast %parallel_loop3A_288 : vector<1x16xf32> to vector<16xf32>
      %parallel_loop3A_290 = arith.addf %parallel_loop3A_285, %parallel_loop3A_289 : vector<16xf32>
      %parallel_loop3A_291 = arith.constant 0.000000e+00 : f32
      %parallel_loop3A_292 = vector.broadcast %parallel_loop3A_291 : f32 to vector<16xf32>
      %parallel_loop3A_293 = arith.maximumf %parallel_loop3A_290, %parallel_loop3A_292 : vector<16xf32>
      %parallel_loop3A_294 = arith.index_cast %parallel_loop3A_162 : i32 to index
      %parallel_loop3A_295 = arith.constant 112 : index
      %parallel_loop3A_296 = tpu.vector_load %arg13[%parallel_loop3A_294, %parallel_loop3A_295] {strides = array<i32>} : memref<88x128xf32, #tpu.memory_space<vmem>>, vector<1x16xf32>,
      %parallel_loop3A_297 = vector.shape_cast %parallel_loop3A_296 : vector<1x16xf32> to vector<16xf32>
      %parallel_loop3A_298 = vector.shape_cast %parallel_loop3A_293 : vector<16xf32> to vector<1x16xf32>
      tpu.vector_store %arg13[%parallel_loop3A_294, %parallel_loop3A_295], %parallel_loop3A_298 {strides = array<i32>} : memref<88x128xf32, #tpu.memory_space<vmem>>, vector<1x16xf32>,
    } {sc.loop_unroll_factor = 4 : i64, sc.parallel_access}
    %add3A_99 = arith.constant 9856 : i32
    %add3A_100 = arith.addi %mul3A_2, %add3A_99 : i32
    %dma_start3A_101 = arith.constant 0 : i32
    %dma_start3A_102 = tpu.memref_slice %arg5[%add3A_100, %dma_start3A_101] : memref<320000x128xf32, #tpu.memory_space<hbm>> -> memref<88x128xf32, #tpu.memory_space<hbm>>
    %dma_start3A_103 = arith.constant 0 : i32
    %dma_start3A_104 = tpu.memref_slice %arg5[%add3A_100, %dma_start3A_103] : memref<320000x128xf32, #tpu.memory_space<hbm>> -> memref<88x128xf32, #tpu.memory_space<hbm>>
    tpu.enqueue_dma source(%arg13 : memref<88x128xf32, #tpu.memory_space<vmem>>) target(%dma_start3A_104 : memref<88x128xf32, #tpu.memory_space<hbm>>) target_semaphore(%arg22 : memref<!tpu.dma_semaphore, #tpu.memory_space<semaphore_mem>>)
    %dma_wait3A_105 = arith.constant 0 : i32
    %dma_wait3A_106 = arith.constant 0 : i32
    %dma_wait3A_107 = tpu.memref_slice %arg14[%dma_wait3A_105, %dma_wait3A_106] : memref<88x128xf32, #tpu.memory_space<vmem>> -> memref<56x128xf32, #tpu.memory_space<vmem>>
    %dma_wait3A_108 = arith.constant 9944 : i32
    %dma_wait3A_109 = tpu.memref_slice %arg6[%dma_wait3A_108] : memref<10000xi32, #tpu.memory_space<vmem>> -> memref<56xi32, #tpu.memory_space<vmem>>
    %dma_wait3A_110 = arith.constant 0 : i32
    %dma_wait3A_111 = arith.constant 0 : i32
    %dma_wait3A_112 = tpu.memref_slice %arg2[%dma_wait3A_110, %dma_wait3A_111] : memref<10000x128xf32, #tpu.memory_space<hbm>> -> memref<10000x128xf32, #tpu.memory_space<hbm>>
    tpu.wait_indirect_dma semaphore(%arg23 : memref<!tpu.dma_semaphore, #tpu.memory_space<semaphore_mem>>) src(%dma_wait3A_112 : memref<10000x128xf32, #tpu.memory_space<hbm>>) dst(%dma_wait3A_107 : memref<56x128xf32, #tpu.memory_space<vmem>>)
    %dma_wait3A_113 = arith.constant 0 : i32
    %dma_wait3A_114 = arith.constant 0 : i32
    %dma_wait3A_115 = tpu.memref_slice %arg15[%dma_wait3A_113, %dma_wait3A_114] : memref<88x128xf32, #tpu.memory_space<vmem>> -> memref<56x128xf32, #tpu.memory_space<vmem>>
    %dma_wait3A_116 = arith.constant 9944 : i32
    %dma_wait3A_117 = tpu.memref_slice %arg7[%dma_wait3A_116] : memref<10000xi32, #tpu.memory_space<vmem>> -> memref<56xi32, #tpu.memory_space<vmem>>
    %dma_wait3A_118 = arith.constant 0 : i32
    %dma_wait3A_119 = arith.constant 0 : i32
    %dma_wait3A_120 = tpu.memref_slice %arg3[%dma_wait3A_118, %dma_wait3A_119] : memref<10000x128xf32, #tpu.memory_space<hbm>> -> memref<10000x128xf32, #tpu.memory_space<hbm>>
    tpu.wait_indirect_dma semaphore(%arg24 : memref<!tpu.dma_semaphore, #tpu.memory_space<semaphore_mem>>) src(%dma_wait3A_120 : memref<10000x128xf32, #tpu.memory_space<hbm>>) dst(%dma_wait3A_115 : memref<56x128xf32, #tpu.memory_space<vmem>>)
    %add3A_121 = arith.constant 9680 : i32
    %add3A_122 = arith.addi %mul3A_2, %add3A_121 : i32
    %dma_wait3A_123 = arith.constant 0 : i32
    %dma_wait3A_124 = tpu.memref_slice %arg5[%add3A_122, %dma_wait3A_123] : memref<320000x128xf32, #tpu.memory_space<hbm>> -> memref<88x128xf32, #tpu.memory_space<hbm>>
    %dma_wait3A_125 = arith.constant 0 : i32
    %dma_wait3A_126 = tpu.memref_slice %arg5[%add3A_122, %dma_wait3A_125] : memref<320000x128xf32, #tpu.memory_space<hbm>> -> memref<88x128xf32, #tpu.memory_space<hbm>>
    tpu.wait_dma2 semaphore(%arg25 : memref<!tpu.dma_semaphore, #tpu.memory_space<semaphore_mem>>) src(%arg16 : memref<88x128xf32, #tpu.memory_space<vmem>>) dst(%dma_wait3A_126 : memref<88x128xf32, #tpu.memory_space<hbm>>)
    %parallel_loop3A_127 = arith.constant 0 : i32
    %parallel_loop3A_128 = arith.constant 56 : i32
    %parallel_loop3A_129 = arith.constant 1 : i32
    scf.for %parallel_loop3A_162 = %parallel_loop3A_127 to %parallel_loop3A_128 step %parallel_loop3A_129  : i32 {
      %parallel_loop3A_163 = arith.index_cast %parallel_loop3A_162 : i32 to index
      %parallel_loop3A_164 = arith.constant 0 : index
      %parallel_loop3A_165 = tpu.vector_load %arg14[%parallel_loop3A_163, %parallel_loop3A_164] {strides = array<i32>} : memref<88x128xf32, #tpu.memory_space<vmem>>, vector<1x16xf32>,
      %parallel_loop3A_166 = vector.shape_cast %parallel_loop3A_165 : vector<1x16xf32> to vector<16xf32>
      %parallel_loop3A_167 = arith.index_cast %parallel_loop3A_162 : i32 to index
      %parallel_loop3A_168 = arith.constant 0 : index
      %parallel_loop3A_169 = tpu.vector_load %arg15[%parallel_loop3A_167, %parallel_loop3A_168] {strides = array<i32>} : memref<88x128xf32, #tpu.memory_space<vmem>>, vector<1x16xf32>,
      %parallel_loop3A_170 = vector.shape_cast %parallel_loop3A_169 : vector<1x16xf32> to vector<16xf32>
      %parallel_loop3A_171 = arith.addf %parallel_loop3A_166, %parallel_loop3A_170 : vector<16xf32>
      %parallel_loop3A_172 = arith.constant 0.000000e+00 : f32
      %parallel_loop3A_173 = vector.broadcast %parallel_loop3A_172 : f32 to vector<16xf32>
      %parallel_loop3A_174 = arith.maximumf %parallel_loop3A_171, %parallel_loop3A_173 : vector<16xf32>
      %parallel_loop3A_175 = arith.index_cast %parallel_loop3A_162 : i32 to index
      %parallel_loop3A_176 = arith.constant 0 : index
      %parallel_loop3A_177 = tpu.vector_load %arg16[%parallel_loop3A_175, %parallel_loop3A_176] {strides = array<i32>} : memref<88x128xf32, #tpu.memory_space<vmem>>, vector<1x16xf32>,
      %parallel_loop3A_178 = vector.shape_cast %parallel_loop3A_177 : vector<1x16xf32> to vector<16xf32>
      %parallel_loop3A_179 = vector.shape_cast %parallel_loop3A_174 : vector<16xf32> to vector<1x16xf32>
      tpu.vector_store %arg16[%parallel_loop3A_175, %parallel_loop3A_176], %parallel_loop3A_179 {strides = array<i32>} : memref<88x128xf32, #tpu.memory_space<vmem>>, vector<1x16xf32>,
      %parallel_loop3A_180 = arith.index_cast %parallel_loop3A_162 : i32 to index
      %parallel_loop3A_181 = arith.constant 16 : index
      %parallel_loop3A_182 = tpu.vector_load %arg14[%parallel_loop3A_180, %parallel_loop3A_181] {strides = array<i32>} : memref<88x128xf32, #tpu.memory_space<vmem>>, vector<1x16xf32>,
      %parallel_loop3A_183 = vector.shape_cast %parallel_loop3A_182 : vector<1x16xf32> to vector<16xf32>
      %parallel_loop3A_184 = arith.index_cast %parallel_loop3A_162 : i32 to index
      %parallel_loop3A_185 = arith.constant 16 : index
      %parallel_loop3A_186 = tpu.vector_load %arg15[%parallel_loop3A_184, %parallel_loop3A_185] {strides = array<i32>} : memref<88x128xf32, #tpu.memory_space<vmem>>, vector<1x16xf32>,
      %parallel_loop3A_187 = vector.shape_cast %parallel_loop3A_186 : vector<1x16xf32> to vector<16xf32>
      %parallel_loop3A_188 = arith.addf %parallel_loop3A_183, %parallel_loop3A_187 : vector<16xf32>
      %parallel_loop3A_189 = arith.constant 0.000000e+00 : f32
      %parallel_loop3A_190 = vector.broadcast %parallel_loop3A_189 : f32 to vector<16xf32>
      %parallel_loop3A_191 = arith.maximumf %parallel_loop3A_188, %parallel_loop3A_190 : vector<16xf32>
      %parallel_loop3A_192 = arith.index_cast %parallel_loop3A_162 : i32 to index
      %parallel_loop3A_193 = arith.constant 16 : index
      %parallel_loop3A_194 = tpu.vector_load %arg16[%parallel_loop3A_192, %parallel_loop3A_193] {strides = array<i32>} : memref<88x128xf32, #tpu.memory_space<vmem>>, vector<1x16xf32>,
      %parallel_loop3A_195 = vector.shape_cast %parallel_loop3A_194 : vector<1x16xf32> to vector<16xf32>
      %parallel_loop3A_196 = vector.shape_cast %parallel_loop3A_191 : vector<16xf32> to vector<1x16xf32>
      tpu.vector_store %arg16[%parallel_loop3A_192, %parallel_loop3A_193], %parallel_loop3A_196 {strides = array<i32>} : memref<88x128xf32, #tpu.memory_space<vmem>>, vector<1x16xf32>,
      %parallel_loop3A_197 = arith.index_cast %parallel_loop3A_162 : i32 to index
      %parallel_loop3A_198 = arith.constant 32 : index
      %parallel_loop3A_199 = tpu.vector_load %arg14[%parallel_loop3A_197, %parallel_loop3A_198] {strides = array<i32>} : memref<88x128xf32, #tpu.memory_space<vmem>>, vector<1x16xf32>,
      %parallel_loop3A_200 = vector.shape_cast %parallel_loop3A_199 : vector<1x16xf32> to vector<16xf32>
      %parallel_loop3A_201 = arith.index_cast %parallel_loop3A_162 : i32 to index
      %parallel_loop3A_202 = arith.constant 32 : index
      %parallel_loop3A_203 = tpu.vector_load %arg15[%parallel_loop3A_201, %parallel_loop3A_202] {strides = array<i32>} : memref<88x128xf32, #tpu.memory_space<vmem>>, vector<1x16xf32>,
      %parallel_loop3A_204 = vector.shape_cast %parallel_loop3A_203 : vector<1x16xf32> to vector<16xf32>
      %parallel_loop3A_205 = arith.addf %parallel_loop3A_200, %parallel_loop3A_204 : vector<16xf32>
      %parallel_loop3A_206 = arith.constant 0.000000e+00 : f32
      %parallel_loop3A_207 = vector.broadcast %parallel_loop3A_206 : f32 to vector<16xf32>
      %parallel_loop3A_208 = arith.maximumf %parallel_loop3A_205, %parallel_loop3A_207 : vector<16xf32>
      %parallel_loop3A_209 = arith.index_cast %parallel_loop3A_162 : i32 to index
      %parallel_loop3A_210 = arith.constant 32 : index
      %parallel_loop3A_211 = tpu.vector_load %arg16[%parallel_loop3A_209, %parallel_loop3A_210] {strides = array<i32>} : memref<88x128xf32, #tpu.memory_space<vmem>>, vector<1x16xf32>,
      %parallel_loop3A_212 = vector.shape_cast %parallel_loop3A_211 : vector<1x16xf32> to vector<16xf32>
      %parallel_loop3A_213 = vector.shape_cast %parallel_loop3A_208 : vector<16xf32> to vector<1x16xf32>
      tpu.vector_store %arg16[%parallel_loop3A_209, %parallel_loop3A_210], %parallel_loop3A_213 {strides = array<i32>} : memref<88x128xf32, #tpu.memory_space<vmem>>, vector<1x16xf32>,
      %parallel_loop3A_214 = arith.index_cast %parallel_loop3A_162 : i32 to index
      %parallel_loop3A_215 = arith.constant 48 : index
      %parallel_loop3A_216 = tpu.vector_load %arg14[%parallel_loop3A_214, %parallel_loop3A_215] {strides = array<i32>} : memref<88x128xf32, #tpu.memory_space<vmem>>, vector<1x16xf32>,
      %parallel_loop3A_217 = vector.shape_cast %parallel_loop3A_216 : vector<1x16xf32> to vector<16xf32>
      %parallel_loop3A_218 = arith.index_cast %parallel_loop3A_162 : i32 to index
      %parallel_loop3A_219 = arith.constant 48 : index
      %parallel_loop3A_220 = tpu.vector_load %arg15[%parallel_loop3A_218, %parallel_loop3A_219] {strides = array<i32>} : memref<88x128xf32, #tpu.memory_space<vmem>>, vector<1x16xf32>,
      %parallel_loop3A_221 = vector.shape_cast %parallel_loop3A_220 : vector<1x16xf32> to vector<16xf32>
      %parallel_loop3A_222 = arith.addf %parallel_loop3A_217, %parallel_loop3A_221 : vector<16xf32>
      %parallel_loop3A_223 = arith.constant 0.000000e+00 : f32
      %parallel_loop3A_224 = vector.broadcast %parallel_loop3A_223 : f32 to vector<16xf32>
      %parallel_loop3A_225 = arith.maximumf %parallel_loop3A_222, %parallel_loop3A_224 : vector<16xf32>
      %parallel_loop3A_226 = arith.index_cast %parallel_loop3A_162 : i32 to index
      %parallel_loop3A_227 = arith.constant 48 : index
      %parallel_loop3A_228 = tpu.vector_load %arg16[%parallel_loop3A_226, %parallel_loop3A_227] {strides = array<i32>} : memref<88x128xf32, #tpu.memory_space<vmem>>, vector<1x16xf32>,
      %parallel_loop3A_229 = vector.shape_cast %parallel_loop3A_228 : vector<1x16xf32> to vector<16xf32>
      %parallel_loop3A_230 = vector.shape_cast %parallel_loop3A_225 : vector<16xf32> to vector<1x16xf32>
      tpu.vector_store %arg16[%parallel_loop3A_226, %parallel_loop3A_227], %parallel_loop3A_230 {strides = array<i32>} : memref<88x128xf32, #tpu.memory_space<vmem>>, vector<1x16xf32>,
      %parallel_loop3A_231 = arith.index_cast %parallel_loop3A_162 : i32 to index
      %parallel_loop3A_232 = arith.constant 64 : index
      %parallel_loop3A_233 = tpu.vector_load %arg14[%parallel_loop3A_231, %parallel_loop3A_232] {strides = array<i32>} : memref<88x128xf32, #tpu.memory_space<vmem>>, vector<1x16xf32>,
      %parallel_loop3A_234 = vector.shape_cast %parallel_loop3A_233 : vector<1x16xf32> to vector<16xf32>
      %parallel_loop3A_235 = arith.index_cast %parallel_loop3A_162 : i32 to index
      %parallel_loop3A_236 = arith.constant 64 : index
      %parallel_loop3A_237 = tpu.vector_load %arg15[%parallel_loop3A_235, %parallel_loop3A_236] {strides = array<i32>} : memref<88x128xf32, #tpu.memory_space<vmem>>, vector<1x16xf32>,
      %parallel_loop3A_238 = vector.shape_cast %parallel_loop3A_237 : vector<1x16xf32> to vector<16xf32>
      %parallel_loop3A_239 = arith.addf %parallel_loop3A_234, %parallel_loop3A_238 : vector<16xf32>
      %parallel_loop3A_240 = arith.constant 0.000000e+00 : f32
      %parallel_loop3A_241 = vector.broadcast %parallel_loop3A_240 : f32 to vector<16xf32>
      %parallel_loop3A_242 = arith.maximumf %parallel_loop3A_239, %parallel_loop3A_241 : vector<16xf32>
      %parallel_loop3A_243 = arith.index_cast %parallel_loop3A_162 : i32 to index
      %parallel_loop3A_244 = arith.constant 64 : index
      %parallel_loop3A_245 = tpu.vector_load %arg16[%parallel_loop3A_243, %parallel_loop3A_244] {strides = array<i32>} : memref<88x128xf32, #tpu.memory_space<vmem>>, vector<1x16xf32>,
      %parallel_loop3A_246 = vector.shape_cast %parallel_loop3A_245 : vector<1x16xf32> to vector<16xf32>
      %parallel_loop3A_247 = vector.shape_cast %parallel_loop3A_242 : vector<16xf32> to vector<1x16xf32>
      tpu.vector_store %arg16[%parallel_loop3A_243, %parallel_loop3A_244], %parallel_loop3A_247 {strides = array<i32>} : memref<88x128xf32, #tpu.memory_space<vmem>>, vector<1x16xf32>,
      %parallel_loop3A_248 = arith.index_cast %parallel_loop3A_162 : i32 to index
      %parallel_loop3A_249 = arith.constant 80 : index
      %parallel_loop3A_250 = tpu.vector_load %arg14[%parallel_loop3A_248, %parallel_loop3A_249] {strides = array<i32>} : memref<88x128xf32, #tpu.memory_space<vmem>>, vector<1x16xf32>,
      %parallel_loop3A_251 = vector.shape_cast %parallel_loop3A_250 : vector<1x16xf32> to vector<16xf32>
      %parallel_loop3A_252 = arith.index_cast %parallel_loop3A_162 : i32 to index
      %parallel_loop3A_253 = arith.constant 80 : index
      %parallel_loop3A_254 = tpu.vector_load %arg15[%parallel_loop3A_252, %parallel_loop3A_253] {strides = array<i32>} : memref<88x128xf32, #tpu.memory_space<vmem>>, vector<1x16xf32>,
      %parallel_loop3A_255 = vector.shape_cast %parallel_loop3A_254 : vector<1x16xf32> to vector<16xf32>
      %parallel_loop3A_256 = arith.addf %parallel_loop3A_251, %parallel_loop3A_255 : vector<16xf32>
      %parallel_loop3A_257 = arith.constant 0.000000e+00 : f32
      %parallel_loop3A_258 = vector.broadcast %parallel_loop3A_257 : f32 to vector<16xf32>
      %parallel_loop3A_259 = arith.maximumf %parallel_loop3A_256, %parallel_loop3A_258 : vector<16xf32>
      %parallel_loop3A_260 = arith.index_cast %parallel_loop3A_162 : i32 to index
      %parallel_loop3A_261 = arith.constant 80 : index
      %parallel_loop3A_262 = tpu.vector_load %arg16[%parallel_loop3A_260, %parallel_loop3A_261] {strides = array<i32>} : memref<88x128xf32, #tpu.memory_space<vmem>>, vector<1x16xf32>,
      %parallel_loop3A_263 = vector.shape_cast %parallel_loop3A_262 : vector<1x16xf32> to vector<16xf32>
      %parallel_loop3A_264 = vector.shape_cast %parallel_loop3A_259 : vector<16xf32> to vector<1x16xf32>
      tpu.vector_store %arg16[%parallel_loop3A_260, %parallel_loop3A_261], %parallel_loop3A_264 {strides = array<i32>} : memref<88x128xf32, #tpu.memory_space<vmem>>, vector<1x16xf32>,
      %parallel_loop3A_265 = arith.index_cast %parallel_loop3A_162 : i32 to index
      %parallel_loop3A_266 = arith.constant 96 : index
      %parallel_loop3A_267 = tpu.vector_load %arg14[%parallel_loop3A_265, %parallel_loop3A_266] {strides = array<i32>} : memref<88x128xf32, #tpu.memory_space<vmem>>, vector<1x16xf32>,
      %parallel_loop3A_268 = vector.shape_cast %parallel_loop3A_267 : vector<1x16xf32> to vector<16xf32>
      %parallel_loop3A_269 = arith.index_cast %parallel_loop3A_162 : i32 to index
      %parallel_loop3A_270 = arith.constant 96 : index
      %parallel_loop3A_271 = tpu.vector_load %arg15[%parallel_loop3A_269, %parallel_loop3A_270] {strides = array<i32>} : memref<88x128xf32, #tpu.memory_space<vmem>>, vector<1x16xf32>,
      %parallel_loop3A_272 = vector.shape_cast %parallel_loop3A_271 : vector<1x16xf32> to vector<16xf32>
      %parallel_loop3A_273 = arith.addf %parallel_loop3A_268, %parallel_loop3A_272 : vector<16xf32>
      %parallel_loop3A_274 = arith.constant 0.000000e+00 : f32
      %parallel_loop3A_275 = vector.broadcast %parallel_loop3A_274 : f32 to vector<16xf32>
      %parallel_loop3A_276 = arith.maximumf %parallel_loop3A_273, %parallel_loop3A_275 : vector<16xf32>
      %parallel_loop3A_277 = arith.index_cast %parallel_loop3A_162 : i32 to index
      %parallel_loop3A_278 = arith.constant 96 : index
      %parallel_loop3A_279 = tpu.vector_load %arg16[%parallel_loop3A_277, %parallel_loop3A_278] {strides = array<i32>} : memref<88x128xf32, #tpu.memory_space<vmem>>, vector<1x16xf32>,
      %parallel_loop3A_280 = vector.shape_cast %parallel_loop3A_279 : vector<1x16xf32> to vector<16xf32>
      %parallel_loop3A_281 = vector.shape_cast %parallel_loop3A_276 : vector<16xf32> to vector<1x16xf32>
      tpu.vector_store %arg16[%parallel_loop3A_277, %parallel_loop3A_278], %parallel_loop3A_281 {strides = array<i32>} : memref<88x128xf32, #tpu.memory_space<vmem>>, vector<1x16xf32>,
      %parallel_loop3A_282 = arith.index_cast %parallel_loop3A_162 : i32 to index
      %parallel_loop3A_283 = arith.constant 112 : index
      %parallel_loop3A_284 = tpu.vector_load %arg14[%parallel_loop3A_282, %parallel_loop3A_283] {strides = array<i32>} : memref<88x128xf32, #tpu.memory_space<vmem>>, vector<1x16xf32>,
      %parallel_loop3A_285 = vector.shape_cast %parallel_loop3A_284 : vector<1x16xf32> to vector<16xf32>
      %parallel_loop3A_286 = arith.index_cast %parallel_loop3A_162 : i32 to index
      %parallel_loop3A_287 = arith.constant 112 : index
      %parallel_loop3A_288 = tpu.vector_load %arg15[%parallel_loop3A_286, %parallel_loop3A_287] {strides = array<i32>} : memref<88x128xf32, #tpu.memory_space<vmem>>, vector<1x16xf32>,
      %parallel_loop3A_289 = vector.shape_cast %parallel_loop3A_288 : vector<1x16xf32> to vector<16xf32>
      %parallel_loop3A_290 = arith.addf %parallel_loop3A_285, %parallel_loop3A_289 : vector<16xf32>
      %parallel_loop3A_291 = arith.constant 0.000000e+00 : f32
      %parallel_loop3A_292 = vector.broadcast %parallel_loop3A_291 : f32 to vector<16xf32>
      %parallel_loop3A_293 = arith.maximumf %parallel_loop3A_290, %parallel_loop3A_292 : vector<16xf32>
      %parallel_loop3A_294 = arith.index_cast %parallel_loop3A_162 : i32 to index
      %parallel_loop3A_295 = arith.constant 112 : index
      %parallel_loop3A_296 = tpu.vector_load %arg16[%parallel_loop3A_294, %parallel_loop3A_295] {strides = array<i32>} : memref<88x128xf32, #tpu.memory_space<vmem>>, vector<1x16xf32>,
      %parallel_loop3A_297 = vector.shape_cast %parallel_loop3A_296 : vector<1x16xf32> to vector<16xf32>
      %parallel_loop3A_298 = vector.shape_cast %parallel_loop3A_293 : vector<16xf32> to vector<1x16xf32>
      tpu.vector_store %arg16[%parallel_loop3A_294, %parallel_loop3A_295], %parallel_loop3A_298 {strides = array<i32>} : memref<88x128xf32, #tpu.memory_space<vmem>>, vector<1x16xf32>,
    } {sc.loop_unroll_factor = 4 : i64, sc.parallel_access}
    %dma_start3A_130 = arith.constant 0 : i32
    %dma_start3A_131 = arith.constant 0 : i32
    %dma_start3A_132 = tpu.memref_slice %arg16[%dma_start3A_130, %dma_start3A_131] : memref<88x128xf32, #tpu.memory_space<vmem>> -> memref<56x128xf32, #tpu.memory_space<vmem>>
    %dma_start3A_133 = arith.constant 0 : i32
    %dma_start3A_134 = tpu.memref_slice %arg5[%add3A_40, %dma_start3A_133] : memref<320000x128xf32, #tpu.memory_space<hbm>> -> memref<56x128xf32, #tpu.memory_space<hbm>>
    %dma_start3A_135 = arith.constant 0 : i32
    %dma_start3A_136 = tpu.memref_slice %arg5[%add3A_40, %dma_start3A_135] : memref<320000x128xf32, #tpu.memory_space<hbm>> -> memref<56x128xf32, #tpu.memory_space<hbm>>
    %dma_start3A_137 = arith.constant 0 : i32
    %dma_start3A_138 = arith.constant 0 : i32
    %dma_start3A_139 = tpu.memref_slice %arg16[%dma_start3A_137, %dma_start3A_138] : memref<88x128xf32, #tpu.memory_space<vmem>> -> memref<56x128xf32, #tpu.memory_space<vmem>>
    tpu.enqueue_dma source(%dma_start3A_139 : memref<56x128xf32, #tpu.memory_space<vmem>>) target(%dma_start3A_136 : memref<56x128xf32, #tpu.memory_space<hbm>>) target_semaphore(%arg25 : memref<!tpu.dma_semaphore, #tpu.memory_space<semaphore_mem>>)
    %add3A_140 = arith.constant 9768 : i32
    %add3A_141 = arith.addi %mul3A_2, %add3A_140 : i32
    %dma_wait3A_142 = arith.constant 0 : i32
    %dma_wait3A_143 = tpu.memref_slice %arg5[%add3A_141, %dma_wait3A_142] : memref<320000x128xf32, #tpu.memory_space<hbm>> -> memref<88x128xf32, #tpu.memory_space<hbm>>
    %dma_wait3A_144 = arith.constant 0 : i32
    %dma_wait3A_145 = tpu.memref_slice %arg5[%add3A_141, %dma_wait3A_144] : memref<320000x128xf32, #tpu.memory_space<hbm>> -> memref<88x128xf32, #tpu.memory_space<hbm>>
    tpu.wait_dma2 semaphore(%arg19 : memref<!tpu.dma_semaphore, #tpu.memory_space<semaphore_mem>>) src(%arg10 : memref<88x128xf32, #tpu.memory_space<vmem>>) dst(%dma_wait3A_145 : memref<88x128xf32, #tpu.memory_space<hbm>>)
    %add3A_146 = arith.constant 9856 : i32
    %add3A_147 = arith.addi %mul3A_2, %add3A_146 : i32
    %dma_wait3A_148 = arith.constant 0 : i32
    %dma_wait3A_149 = tpu.memref_slice %arg5[%add3A_147, %dma_wait3A_148] : memref<320000x128xf32, #tpu.memory_space<hbm>> -> memref<88x128xf32, #tpu.memory_space<hbm>>
    %dma_wait3A_150 = arith.constant 0 : i32
    %dma_wait3A_151 = tpu.memref_slice %arg5[%add3A_147, %dma_wait3A_150] : memref<320000x128xf32, #tpu.memory_space<hbm>> -> memref<88x128xf32, #tpu.memory_space<hbm>>
    tpu.wait_dma2 semaphore(%arg22 : memref<!tpu.dma_semaphore, #tpu.memory_space<semaphore_mem>>) src(%arg13 : memref<88x128xf32, #tpu.memory_space<vmem>>) dst(%dma_wait3A_151 : memref<88x128xf32, #tpu.memory_space<hbm>>)
    %dma_wait3A_152 = arith.constant 0 : i32
    %dma_wait3A_153 = arith.constant 0 : i32
    %dma_wait3A_154 = tpu.memref_slice %arg16[%dma_wait3A_152, %dma_wait3A_153] : memref<88x128xf32, #tpu.memory_space<vmem>> -> memref<56x128xf32, #tpu.memory_space<vmem>>
    %dma_wait3A_155 = arith.constant 0 : i32
    %dma_wait3A_156 = tpu.memref_slice %arg5[%add3A_40, %dma_wait3A_155] : memref<320000x128xf32, #tpu.memory_space<hbm>> -> memref<56x128xf32, #tpu.memory_space<hbm>>
    %dma_wait3A_157 = arith.constant 0 : i32
    %dma_wait3A_158 = tpu.memref_slice %arg5[%add3A_40, %dma_wait3A_157] : memref<320000x128xf32, #tpu.memory_space<hbm>> -> memref<56x128xf32, #tpu.memory_space<hbm>>
    %dma_wait3A_159 = arith.constant 0 : i32
    %dma_wait3A_160 = arith.constant 0 : i32
    %dma_wait3A_161 = tpu.memref_slice %arg16[%dma_wait3A_159, %dma_wait3A_160] : memref<88x128xf32, #tpu.memory_space<vmem>> -> memref<56x128xf32, #tpu.memory_space<vmem>>
    tpu.wait_dma2 semaphore(%arg25 : memref<!tpu.dma_semaphore, #tpu.memory_space<semaphore_mem>>) src(%dma_wait3A_161 : memref<56x128xf32, #tpu.memory_space<vmem>>) dst(%dma_wait3A_158 : memref<56x128xf32, #tpu.memory_space<hbm>>)
    return
  }
}

module attributes {stable_mosaic.version = 14 : i64} {
  func.func @_mm_body(%arg0: i32, %arg1: memref<1000x128xf32, #tpu.memory_space<vmem>>, %arg2: memref<128x128xf32, #tpu.memory_space<vmem>>, %arg3: memref<128x128xf32, #tpu.memory_space<vmem>>, %arg4: memref<8x128xf32, #tpu.memory_space<vmem>>, %arg5: memref<1000x128xf32, #tpu.memory_space<vmem>>, %arg6: memref<1000x128xf32, #tpu.memory_space<vmem>>) attributes {dimension_semantics = [#tpu.dimension_semantics<arbitrary>], iteration_bounds = array<i64: 10>, scalar_prefetch = 0 : i64, scratch_operands = 0 : i64, tpu.core_type = #tpu.core_type<tc>, window_params = [{transform_indices = @transform_0, window_bounds = array<i64: 1000, 128>}, {pipeline_mode = #tpu.pipeline_mode<synchronous>, transform_indices = @transform_1, window_bounds = array<i64: 128, 128>}, {pipeline_mode = #tpu.pipeline_mode<synchronous>, transform_indices = @transform_2, window_bounds = array<i64: 128, 128>}, {pipeline_mode = #tpu.pipeline_mode<synchronous>, transform_indices = @transform_3, window_bounds = array<i64: 8, 128>}, {transform_indices = @transform_4, window_bounds = array<i64: 1000, 128>}, {transform_indices = @transform_5, window_bounds = array<i64: 1000, 128>}]} {
    %get3A = arith.constant 0 : index
    %get3A_0 = arith.constant 0 : index
    %get3A_1 = vector.load %arg1[%get3A, %get3A_0] : memref<1000x128xf32, #tpu.memory_space<vmem>>, vector<1000x128xf32>
    %get3A_2 = arith.constant 0 : index
    %get3A_3 = arith.constant 0 : index
    %get3A_4 = vector.load %arg2[%get3A_2, %get3A_3] : memref<128x128xf32, #tpu.memory_space<vmem>>, vector<128x128xf32>
    %dot_general3A = arith.constant dense<0.000000e+00> : vector<1000x128xf32>
    %dot_general3A_5 = tpu.matmul %get3A_1, %get3A_4, %dot_general3A {dimension_numbers = #tpu.dot_dimension_numbers<[1], [0], [0], [1], [0, 0, 1, 1], [], []>, transpose_lhs_hint = false} : vector<1000x128xf32>, vector<128x128xf32>, vector<1000x128xf32> -> vector<1000x128xf32>
    %get3A_6 = arith.constant 0 : index
    %get3A_7 = arith.constant 0 : index
    %get3A_8 = vector.load %arg4[%get3A_6, %get3A_7] : memref<8x128xf32, #tpu.memory_space<vmem>>, vector<1x128xf32>
    %add3A = vector.broadcast %get3A_8 : vector<1x128xf32> to vector<1000x128xf32>
    %add3A_9 = arith.addf %dot_general3A_5, %add3A : vector<1000x128xf32>
    %swap3A = arith.constant 0 : index
    %swap3A_10 = arith.constant 0 : index
    %swap3A_11 = vector.load %arg5[%swap3A, %swap3A_10] : memref<1000x128xf32, #tpu.memory_space<vmem>>, vector<1000x128xf32>
    tpu.vector_store %arg5[%swap3A, %swap3A_10], %add3A_9 {strides = array<i32>} : memref<1000x128xf32, #tpu.memory_space<vmem>>, vector<1000x128xf32>,
    %get3A_12 = arith.constant 0 : index
    %get3A_13 = arith.constant 0 : index
    %get3A_14 = vector.load %arg3[%get3A_12, %get3A_13] : memref<128x128xf32, #tpu.memory_space<vmem>>, vector<128x128xf32>
    %dot_general3A_15 = arith.constant dense<0.000000e+00> : vector<1000x128xf32>
    %dot_general3A_16 = tpu.matmul %get3A_1, %get3A_14, %dot_general3A_15 {dimension_numbers = #tpu.dot_dimension_numbers<[1], [0], [0], [1], [0, 0, 1, 1], [], []>, transpose_lhs_hint = false} : vector<1000x128xf32>, vector<128x128xf32>, vector<1000x128xf32> -> vector<1000x128xf32>
    %swap3A_17 = arith.constant 0 : index
    %swap3A_18 = arith.constant 0 : index
    %swap3A_19 = vector.load %arg6[%swap3A_17, %swap3A_18] : memref<1000x128xf32, #tpu.memory_space<vmem>>, vector<1000x128xf32>
    tpu.vector_store %arg6[%swap3A_17, %swap3A_18], %dot_general3A_16 {strides = array<i32>} : memref<1000x128xf32, #tpu.memory_space<vmem>>, vector<1000x128xf32>,
    return
  }
  func.func @transform_0(%arg0: i32) -> (i32, i32) {
    %c0_i32 = arith.constant 0 : i32
    %c0_i32_0 = arith.constant 0 : i32
    return %arg0, %c0_i32 : i32, i32
  }
  func.func @transform_1(%arg0: i32) -> (i32, i32) {
    %c0_i32 = arith.constant 0 : i32
    %c0_i32_0 = arith.constant 0 : i32
    %c0_i32_1 = arith.constant 0 : i32
    return %c0_i32, %c0_i32_0 : i32, i32
  }
  func.func @transform_2(%arg0: i32) -> (i32, i32) {
    %c0_i32 = arith.constant 0 : i32
    %c0_i32_0 = arith.constant 0 : i32
    %c0_i32_1 = arith.constant 0 : i32
    return %c0_i32, %c0_i32_0 : i32, i32
  }
  func.func @transform_3(%arg0: i32) -> (i32, i32) {
    %c0_i32 = arith.constant 0 : i32
    %c0_i32_0 = arith.constant 0 : i32
    %c0_i32_1 = arith.constant 0 : i32
    return %c0_i32, %c0_i32_0 : i32, i32
  }
  func.func @transform_4(%arg0: i32) -> (i32, i32) {
    %c0_i32 = arith.constant 0 : i32
    %c0_i32_0 = arith.constant 0 : i32
    return %arg0, %c0_i32 : i32, i32
  }
  func.func @transform_5(%arg0: i32) -> (i32, i32) {
    %c0_i32 = arith.constant 0 : i32
    %c0_i32_0 = arith.constant 0 : i32
    return %arg0, %c0_i32 : i32, i32
  }
}

</mosaic_0001>

<sc_bundles>
// kernel: kernel.4.cloned.1.call-start
scs
__scs_entry_jumppad:
0x0: {  	(pc) =	sbr.rel $0x88, $3  }
0x1: {  	(tag) =	ssettag $0x0;
	lr =	simm.s32 $0x1  }
0x2: {  	[smem:$0x3F9D] =	sst lr;
	_ =	strace $0xD0000000  }
0x3: {  	_ = 	snop  }
0x4: {  	_ = 	snop  }
0x5: {  	_ = 	snop  }
0x6: {  	_ = 	snop  }
0x7: {  	_ = 	snop  }
__scs_overlays_trampoline_lowered:
0x8: {  	[smem:$0x3FAC] =	sst s0  }
0x9: {  	[smem:$0x3FAD] =	sst s1  }
0xa: {  	[smem:$0x3FAE] =	sst s2  }
0xb: {  	[smem:$0x3FAF] =	sst s3  }
0xc: {  	[smem:$0x3FB0] =	sst s4  }
0xd: {  	[smem:$0x3FB1] =	sst s5  }
0xe: {  	[smem:$0x3FB2] =	sst s6  }
0xf: {  	[smem:$0x3FB3] =	sst s7  }
0x10: {  	[smem:$0x3FB4] =	sst s8  }
0x11: {  	[smem:$0x3FB5] =	sst s9;
	s0 =	simm.s32 @!p0 $0x0  }
0x12: {  	s1 =	sld [smem:$0x3F9B];
	s0 =	simm.s32 @p0 $0x1  }
0x13: {  	[smem:$0x3FB6] =	sst s0;
	s0 =	simm.s32 @!p1 $0x0  }
0x14: {  	s2 =	sld [smem:$0x3F9A];
	s0 =	simm.s32 @p1 $0x1  }
0x15: {  	[smem:$0x3FB7] =	sst s0;
	s0 =	simm.s32 @!p2 $0x0  }
0x16: {  	s3 =	sld [smem:$0x3FDB];
	s0 =	simm.s32 @p2 $0x1  }
0x17: {  	s4 =	simm.s32 $0x1BF5;
	[smem:$0x3FB9] =	sst s0  }
0x18: {  	s0 =	sld [smem:$0x3F9C];
	_ =	swait.ge [sflag:s4], $0x0  }
0x19: {  	s7 =	sld [smem:$0x3F9D]  }
0x1a: {  	s8 =	sadd.s32 $0xFFFFE003, lr  }
0x1b: {  	s9 =	sadd.s32 $0xFFFFFEF7, lr;
	s5 =	simm.s32 $0xFFFFFFFF;
	p2 =	slt.u32 s8, $0xFFFFF086  }
0x1c: {  	p1 =	slt.u32 s9, $0xF7A;
	s5 =	simm.s32 @!p2 $0x0  }
0x1d: {  	s5 =	simm.s32 @p1 $0x1;
	p0 =	seq.s32 s7, s2  }
0x1e: {  	s7 =	smul.u32 @!p0 $0xF7A, s2;
	p2 =	seq.s32 @!p0 s5, $0x0  }
0x1f: {  	s9 =	smul.u32 $0xF7A, s1;
	s8 =	simm.s32 @!p0 $0x1BF5;
	p2 =	por !p2, p0  }
0x20: {  	[sflag:s8] =	ssyncset.s32 @!p0 $0xFFFFF086;
	s6 =	sadd.s32 @!p0 s3, s7;
	s7 =	simm.s32 @!p0 $0x108  }
0x21: {  	s3 =	sadd.s32 s3, s9;
	s6 =	sadd.s32 @!p0 $0x88, s6;
	s7 =	simm.s32 @p2 $0x1082  }
0x22: {  	[simem:s7], [sflag:s8] =	dma.local @!p0 [hbm:s6], $0xF7A  }
0x23: {  	s9 =	sor.u32 $0xD0000000, s2;
	s6 =	simm.s32 $0x108;
	_ =	swait.ge @!p0 [sflag:s8], $0x0  }
0x24: {  	s3 =	sadd.s32 $0x88, s3;
	s6 =	simm.s32 @!p1 $0x1082;
	[sflag:s4] =	ssyncset.s32 $0xFFFFF086  }
0x25: {  	[simem:s6], [sflag:s4] =	dma.local [hbm:s3], $0xF7A  }
0x26: {  	[smem:$0x3F9D] =	sst s1;
	(tag) =	ssettag s2;
	_ =	strace s9  }
0x27: {  	s1 =	sld [smem:$0x3FAD]  }
0x28: {  	s2 =	sld [smem:$0x3FAE]  }
0x29: {  	s4 =	sld [smem:$0x3FB0]  }
0x2a: {  	p0 =	seq.s32 s5, $0x0;
	s5 =	sld [smem:$0x3FB1]  }
0x2b: {  	s6 =	sld [smem:$0x3FB2]  }
0x2c: {  	s7 =	sld [smem:$0x3FB3]  }
0x2d: {  	s3 =	simm.s32 $0x108;
	s8 =	sld [smem:$0x3FB4]  }
0x2e: {  	s3 =	simm.s32 @!p0 $0x1082;
	s9 =	sld [smem:$0x3FB5]  }
0x2f: {  	lr =	sadd.s32 s0, s3;
	s0 =	sld [smem:$0x3FAC]  }
0x30: {  	s3 =	sld [smem:$0x3FAF]  }
0x31: {  	[smem:$0x3FB8] =	sst s10  }
0x32: {  	s10 =	sld [smem:$0x3FB6];
	_ =	sdelay $0x3  }
0x33: {  	p0 =	seq.s32 s10, $0x1;
	s10 =	sld [smem:$0x3FB8];
	_ =	sdelay $0x3  }
0x34: {  	[smem:$0x3FB8] =	sst s10  }
0x35: {  	s10 =	sld [smem:$0x3FB7];
	_ =	sdelay $0x3  }
0x36: {  	p1 =	seq.s32 s10, $0x1;
	s10 =	sld [smem:$0x3FB8];
	_ =	sdelay $0x3  }
0x37: {  	[smem:$0x3FB8] =	sst s10  }
0x38: {  	s10 =	sld [smem:$0x3FB9]  }
0x39: {  	_ = 	snop;
	(pc) =	sbr.ind lr, $3  }
0x3a: {  	_ = 	snop  }
0x3b: {  	_ = 	snop  }
0x3c: {  	p2 =	seq.s32 s10, $0x1;
	s10 =	sld [smem:$0x3FB8]  }
0x3d: {  	_ =	shalt  }
0x3e: {  	_ =	shalt  }
0x3f: {  	_ =	shalt  }
0x40: {  	_ =	shalt  }
0x41: {  	_ =	shalt  }
0x42: {  	_ =	shalt  }
0x43: {  	_ =	shalt  }
0x44: {  	_ =	shalt  }
0x45: {  	_ =	shalt  }
0x46: {  	_ =	shalt  }
0x47: {  	_ =	shalt  }
0x48: {  	_ =	shalt  }
0x49: {  	_ =	shalt  }
0x4a: {  	_ =	shalt  }
0x4b: {  	_ =	shalt  }
0x4c: {  	_ =	shalt  }
0x4d: {  	_ =	shalt  }
0x4e: {  	_ =	shalt  }
0x4f: {  	_ =	shalt  }
0x50: {  	_ =	shalt  }
0x51: {  	_ =	shalt  }
0x52: {  	_ =	shalt  }
0x53: {  	_ =	shalt  }
0x54: {  	_ =	shalt  }
0x55: {  	_ =	shalt  }
0x56: {  	_ =	shalt  }
0x57: {  	_ =	shalt  }
0x58: {  	_ =	shalt  }
0x59: {  	_ =	shalt  }
0x5a: {  	_ =	shalt  }
0x5b: {  	_ =	shalt  }
0x5c: {  	_ =	shalt  }
0x5d: {  	_ =	shalt  }
0x5e: {  	_ =	shalt  }
0x5f: {  	_ =	shalt  }
0x60: {  	_ =	shalt  }
0x61: {  	_ =	shalt  }
0x62: {  	_ =	shalt  }
0x63: {  	_ =	shalt  }
0x64: {  	_ =	shalt  }
0x65: {  	_ =	shalt  }
0x66: {  	_ =	shalt  }
0x67: {  	_ =	shalt  }
0x68: {  	_ =	shalt  }
0x69: {  	_ =	shalt  }
0x6a: {  	_ =	shalt  }
0x6b: {  	_ =	shalt  }
0x6c: {  	_ =	shalt  }
0x6d: {  	_ =	shalt  }
0x6e: {  	_ =	shalt  }
0x6f: {  	_ =	shalt  }
0x70: {  	_ =	shalt  }
0x71: {  	_ =	shalt  }
0x72: {  	_ =	shalt  }
0x73: {  	_ =	shalt  }
0x74: {  	_ =	shalt  }
0x75: {  	_ =	shalt  }
0x76: {  	_ =	shalt  }
0x77: {  	_ =	shalt  }
0x78: {  	_ =	shalt  }
0x79: {  	_ =	shalt  }
0x7a: {  	_ =	shalt  }
0x7b: {  	_ =	shalt  }
0x7c: {  	_ =	shalt  }
0x7d: {  	_ =	shalt  }
0x7e: {  	_ =	shalt  }
0x7f: {  	_ =	shalt  }
0x80: {  	_ =	shalt  }
0x81: {  	_ =	shalt  }
0x82: {  	_ =	shalt  }
0x83: {  	_ =	shalt  }
0x84: {  	_ =	shalt  }
0x85: {  	_ =	shalt  }
0x86: {  	_ =	shalt  }
0x87: {  	_ =	shalt  }
.Lfunc_end0:
.L_simem_size_0:
called_computation_lowered:
.L_overlay_start_0:
0x88: {  	s2 =	sld [smem:$0x3FD9]  }
0x89: {  	s3 =	sld [smem:$0x3FFE];
	_ =	sdelay $0x1  }
0x8a: {  	s1 =	srdreg.scid  }
0x8b: {  	s0 =	sand.u32 $0x1, s1  }
0x8c: {  	s17 =	sshll.u32 s0, $0xA;
	s2 =	sadd.s32 s3, s2  }
0x8d: {  	s2 =	sadd.s32 s2, s17  }
0x8e: {  	[smem:$0x3FC4] =	sst s2  }
0x8f: {  	_ = 	snop  }
0x90: {  	s2 =	sld [smem:$0x3FD0];
	(tm) =	ssettm $0x1  }
0x91: {  	s18 =	sld [smem:$0x3FFB];
	_ =	sdelay $0x3  }
0x92: {  	_ =	strace s18  }
0x93: {  	s3 =	sld [smem:$0x3FFC];
	_ =	sdelay $0x3  }
0x94: {  	_ =	strace s3  }
0x95: {  	s3 =	sld [smem:$0x3FFD];
	_ =	sdelay $0x3  }
0x96: {  	_ =	strace s3  }
0x97: {  	_ =	strace $0x8FFFFFFF  }
0x98: {  	s19 =	sld [smem:$0x3FDB];
	_ =	sdelay $0x1  }
0x99: {  	s4 =	simm.s32 $_scs_section_size  }
0x9a: {  	s5 =	simm.s32 $_size__tile_overlayer_lowered;
	s6 =	simm.s32 $_tile_overlayer_lowered  }
0x9b: {  	s22 =	simm.s32 $0x1BFF;
	s21 =	sshll.u32 s6, $0x1;
	s3 =	sadd.s32 s4, s19  }
0x9c: {  	s7 =	simm.s32 $0x0;
	s20 =	sshll.u32 s5, $0x1;
	s5 =	sadd.s32 s21, s3  }
0x9d: {  	[timem:s7], [sflag:s22] =	dma.local [hbm:s5], s20  }
0x9e: {  	_ =	swait.ge [sflag:s22], s20  }
0x9f: {  	s4 =	ssub.s32 $0x0, s20;
	[sflag:s22] =	ssyncset.done $0x0  }
0xa0: {  	[sflag:s22] =	ssyncadd.s32 s4;
	_ =	sdelay $0x1  }
0xa1: {  	s23 =	simm.s32 $0x1B8B  }
0xa2: {  	_ =	swait.ge [sflag:s23], $0x1  }
0xa3: {  	[sflag:s23] =	ssyncset.done $0x0  }
0xa4: {  	s25 =	simm.s32 $0x1B8E;
	s24 =	sld [smem:$0x3FFE];
	[sflag:s23] =	ssyncadd.s32 $0xFFFFFFFF  }
0xa5: {  	s26 =	simm.s32 $execute0_lowered;
	[smem:$0x3FD2] =	sst s25  }
0xa6: {  	s5 =	sshll.u32 s26, $0x1;
	_ =	strace $0x80000046;
	[dreg:$0x1] =	wrdreg $0xFFFFFFFF  }
0xa7: {  	s28 =	simm.s32 $_size_execute0_lowered;
	s3 =	sadd.s32 s3, s5;
	[dreg:$0x0] =	wrdreg $0x0  }
0xa8: {  	s5 =	sshll.u32 s28, $0x1;
	[dreg:$0x2] =	wrdreg s3  }
0xa9: {  	[dreg:$0x3] =	wrdreg s5  }
0xaa: {  	[dreg:$0x4] =	wrdreg $0xC0  }
0xab: {  	_ =	task [dreg:s7], $0x5FFFF  }
0xac: {  	[dreg:$0x1] =	wrdreg $0xFFFFFFFF  }
0xad: {  	[dreg:$0x0] =	wrdreg $0x60  }
0xae: {  	[dreg:$0x2] =	wrdreg s24  }
0xaf: {  	[dreg:$0x3] =	wrdreg s2  }
0xb0: {  	[dreg:$0x4] =	wrdreg $0x9  }
0xb1: {  	_ =	task.clear_ibuf [dreg:s7], $0x5FFFF;
	_ =	strace $0x90000046  }
0xb2: {  	s29 =	simm.s32 $0x9;
	_ =	strace $0x80000048  }
0xb3: {  	_ =	swait.ge [sflag:s29], $0x1  }
0xb4: {  	[sflag:s29] =	ssyncadd.s32 $0xFFFFFFFF  }
0xb5: {  	_ =	strace $0x90000048  }
0xb6: {  	_ =	sfence  }
0xb7: {  	s30 =	sld [smem:$0x0];
	_ =	sdelay $0x2  }
0xb8: {  	s31 =	sshll.u32 s1, $0xD;
	s1 =	sshrl.u32 s1, $0x2  }
0xb9: {  	s3 =	sand.u32 $0x4000, s31;
	s1 =	sadd.s32 s1, s30  }
0xba: {  	s0 =	sor.u32 s3, s0;
	s1 =	sshll.u32 s1, $0x11  }
0xbb: {  	s0 =	sor.u32 s1, s0  }
0xbc: {  	s0 =	sadd.s32 $0x8F2B, s0  }
0xbd: {  	[sflag:s0] =	ssyncadd.remote.s32 $0x1  }
0xbe: {  	_ =	sfence.sel $0xFFFF  }
0xbf: {  	[dreg:$0x0] =	wrdreg $0xFFFFFFFF;
	(pc) =	sbr.abs _section_cstart, $3  }
0xc0: {  	[dreg:$0x1] =	wrdreg $0xFFFFFFFF  }
0xc1: {  	_ =	task.clear_ibuf [dreg:s7], $0x2FFFF;
	_ =	strace $0x9FFFFFFF  }
0xc2: {  	(tm) =	ssettm $0x7FFFFFFF  }
0xc3: {  	_ =	shalt  }
tec
execute0_lowered:
.L_overlay_start_1:
0x0: {  	(tag) =	ssettag $0x1  }
0x1: {  	s0 =	rddreg [dreg:$0x0]  }
0x2: {  	s1 =	srdreg.scid;
	s3 =	stileid.u32  }
0x3: {  	s2 =	rddreg [dreg:$0x1];
	s17 =	simm.s32 $0x58;
	s19 =	simm.s32 $0x7B00  }
0x4: {  	s20 =	simm.s32 $0xD300;
	s28 =	simm.s32 $0x1;
	s29 =	simm.s32 $0x2  }
0x5: {  	s30 =	simm.s32 $0xA700;
	s31 =	simm.s32 $0x4;
	s11 =	simm.s32 $0x0  }
0x6: {  	s1 =	sand.u32 $0x1, s1;
	s4 =	sshll.u32 s3, $0x1;
	s3 =	simm.s32 $0x0  }
0x7: {  	s5 =	sadd.s32 $0x14A00, s0;
	s6 =	sor.u32 s1, s4;
	[smem:$0x7FF] =	sst s3  }
0x8: {  	s1 =	ssub.s32 $0x2, s1;
	s4 =	smul.u32 $0x2710, s6;
	_ =	strace $0x80000047  }
0x9: {  	s8 =	smul.u32 $0x138800, s6;
	s6 =	sadd.s32 $0x3BC00, s0;
	s21 =	sshrl.u32 s1, $0x1  }
0xa: {  	s1 =	ssub.s32 s1, s21;
	s21 =	simm.s32 $0x7;
	s7 =	sshrl.u32 s4, $0x3  }
0xb: {  	s23 =	sshrl.u32 s8, $0x3;
	s26 =	smax.u32 s1, $0x1;
	s0 =	sadd.s32 s7, s0  }
0xc: {  	s9 =	sadd.s32 $0x58, s4;
	[dreg:$0x8] =	wrdreg s26;
	s22 =	sadd.s32 $0x1000, s0  }
0xd: {  	s24 =	sadd.s32 s2, s23;
	s0 =	sadd.s32 $0xAC40, s0;
	[dreg:$0x3] =	wrdreg s22  }
0xe: {  	s10 =	sadd.s32 $0xB0, s4;
	s7 =	sadd.s32 $0x26280, s24;
	[dreg:$0x4] =	wrdreg s0  }
0xf: {  	s1 =	simm.s32 $0x5;
	s25 =	sadd.s32 $0x26800, s24;
	[dreg:$0x5] =	wrdreg s7  }
0x10: {  	s26 =	simm.s32 $0x18300;
	s23 =	simm.s32 $0x8;
	[dreg:$0x6] =	wrdreg s25  }
0x11: {  	s0 =	sadd.s32 $0x26D80, s24;
	s22 =	simm.s32 $0xFF00;
	s24 =	simm.s32 $0x15700  }
0x12: {  	s25 =	simm.s32 $0x1AF00;
	[dreg:$0x7] =	wrdreg s0;
	s0 =	simm.s32 $0x12B00  }
.LBB2_1:
0x13: {  	[dreg:$0x9] =	wrdreg s11  }
0x14: {  	s7 =	rddreg [dreg:$0x3];
	s8 =	simm.s32 $0xA  }
0x15: {  	[tilespmem:s3], [sflag:$0xA] =	stream.linear.gather [hbm4b:s7+s3], $0x2710, $0x38;
	[tilespmem:$0x1DB00] =	vst v63  }
0x16: {  	_ =	swait.ge [sflag:s8], $0x2710  }
0x17: {  	[sflag:s8] =	ssyncset.done $0x0  }
0x18: {  	s13 =	simm.s32 $0x2780;
	s12 =	rddreg [dreg:$0x4];
	[sflag:s8] =	ssyncadd.s32 $0xFFFFD8F0  }
0x19: {  	[tilespmem:s13], [sflag:$0xA] =	stream.linear.gather [hbm4b:s12+s3], $0x2710, $0x38;
	[tilespmem:$0x1DB00] =	vst v63  }
0x1a: {  	_ =	swait.ge [sflag:s8], $0x2710  }
0x1b: {  	[sflag:s8] =	ssyncset.done $0x0  }
0x1c: {  	s14 =	simm.s32 $0x4F00;
	[sflag:s8] =	ssyncadd.s32 $0xFFFFD8F0  }
0x1d: {  	[tilespmem:s14], [sflag:$0x1] =	stream.indirect.gather [hbm4b:s5+s17], $0x80, s3, s17, $0xb8;
	[tilespmem:$0x1DB00] =	vst v63  }
0x1e: {  	_ = 	snop  }
0x1f: {  	[tilespmem:s19], [sflag:$0x2] =	stream.indirect.gather [hbm4b:s6+s17], $0x80, s13, s17, $0xb8;
	[tilespmem:$0x1DB00] =	vst v63  }
0x20: {  	_ = 	snop  }
0x21: {  	[tilespmem:s20], [sflag:$0x4] =	stream.indirect.gather [hbm4b:s5+s17], $0x80, s17, s17, $0xb8;
	[tilespmem:$0x1DB00] =	vst v63  }
0x22: {  	s15 =	simm.s32 $0x27D8  }
0x23: {  	[tilespmem:s22], [sflag:$0x5] =	stream.indirect.gather [hbm4b:s6+s17], $0x80, s15, s17, $0xb8;
	[tilespmem:$0x1DB00] =	vst v63  }
0x24: {  	s16 =	simm.s32 $0xB0  }
0x25: {  	[tilespmem:s24], [sflag:$0x7] =	stream.indirect.gather [hbm4b:s5+s17], $0x80, s16, s17, $0xb8;
	[tilespmem:$0x1DB00] =	vst v63  }
0x26: {  	s18 =	simm.s32 $0x2830;
	s12 =	simm.s32 $0x0  }
0x27: {  	[tilespmem:s26], [sflag:$0x8] =	stream.indirect.gather [hbm4b:s6+s17], $0x80, s18, s17, $0xb8;
	[tilespmem:$0x1DB00] =	vst v63  }
.LBB2_2:
0x28: {  	_ =	swait.ge [sflag:s28], $0x2C00  }
0x29: {  	[sflag:s28] =	ssyncset.done $0x0  }
0x2a: {  	[sflag:s28] =	ssyncadd.s32 $0xFFFFD400  }
0x2b: {  	_ =	swait.ge [sflag:s29], $0x2C00  }
0x2c: {  	p0 =	seq.s32 s12, $0x0;
	[sflag:s29] =	ssyncset.done $0x0  }
0x2d: {  	s7 =	simm.s32 @!p0 $0x3;
	[sflag:s29] =	ssyncadd.s32 $0xFFFFD400  }
0x2e: {  	_ =	swait.ge @!p0 [sflag:s7], $0x2C00  }
0x2f: {  	[sflag:s7] =	ssyncset.done @!p0 $0x0  }
0x30: {  	s8 =	simm.s32 $0x5000;
	[sflag:s7] =	ssyncadd.s32 @!p0 $0xFFFFD400  }
0x31: {  	s18 =	simm.s32 $0x7C00;
	v0 =	vld [tilespmem:s8+$0x80]  }
0x32: {  	v1 =	vld [tilespmem:s18+$0x80];
	_ =	sdelay $0x4  }
0x33: {  	v2 =	vld [tilespmem:s8+$0xFFFFFF80];
	v0 =	vadd.f32 v1, v0  }
0x34: {  	v1 =	vld [tilespmem:s18+$0xFFFFFF80]  }
0x35: {  	s13 =	simm.s32 $0xA800;
	v3 =	vld [tilespmem:s18+$0xFFFFFF00];
	v0 =	vmax.f32 v0, $0.0e+00  }
0x36: {  	v4 =	vld [tilespmem:s8+$0xFFFFFF00];
	[tilespmem:s13+$0x80] =	vst v0  }
0x37: {  	v0 =	vld [tilespmem:s8+$0x90]  }
0x38: {  	v5 =	vld [tilespmem:s18+$0x90]  }
0x39: {  	v6 =	vld [tilespmem:s8+$0x0];
	v1 =	vadd.f32 v1, v2  }
0x3a: {  	v2 =	vld [tilespmem:s18+$0x0]  }
0x3b: {  	v3 =	vadd.f32 v3, v4;
	v1 =	vmax.f32 v1, $0.0e+00  }
0x3c: {  	[tilespmem:s13+$0xFFFFFF80] =	vst v1  }
0x3d: {  	v3 =	vmax.f32 v3, $0.0e+00;
	v1 =	vld [tilespmem:s8+$0xFFFFFF90];
	v0 =	vadd.f32 v5, v0  }
0x3e: {  	[tilespmem:s13+$0xFFFFFF00] =	vst v3;
	v4 =	vld [tilespmem:s18+$0xFFFFFF90]  }
0x3f: {  	v3 =	vld [tilespmem:s8+$0xFFFFFF10];
	v2 =	vadd.f32 v2, v6;
	v0 =	vmax.f32 v0, $0.0e+00  }
0x40: {  	v5 =	vld [tilespmem:s18+$0xFFFFFF10];
	[tilespmem:s13+$0x90] =	vst v0  }
0x41: {  	v0 =	vmax.f32 v2, $0.0e+00;
	v2 =	vld [tilespmem:s8+$0xA0]  }
0x42: {  	[tilespmem:s13+$0x0] =	vst v0;
	v0 =	vld [tilespmem:s18+$0xA0]  }
0x43: {  	v6 =	vld [tilespmem:s8+$0x10];
	v1 =	vadd.f32 v4, v1  }
0x44: {  	v4 =	vld [tilespmem:s18+$0x10]  }
0x45: {  	v1 =	vmax.f32 v1, $0.0e+00  }
0x46: {  	v3 =	vadd.f32 v5, v3;
	[tilespmem:s13+$0xFFFFFF90] =	vst v1  }
0x47: {  	v1 =	vld [tilespmem:s8+$0xFFFFFFA0];
	v0 =	vadd.f32 v0, v2  }
0x48: {  	v3 =	vmax.f32 v3, $0.0e+00;
	v2 =	vld [tilespmem:s18+$0xFFFFFFA0]  }
0x49: {  	[tilespmem:s13+$0xFFFFFF10] =	vst v3;
	v3 =	vadd.f32 v4, v6;
	v0 =	vmax.f32 v0, $0.0e+00  }
0x4a: {  	[tilespmem:s13+$0xA0] =	vst v0  }
0x4b: {  	v0 =	vmax.f32 v3, $0.0e+00;
	v3 =	vld [tilespmem:s8+$0xB0]  }
0x4c: {  	[tilespmem:s13+$0x10] =	vst v0;
	v0 =	vld [tilespmem:s18+$0xB0]  }
0x4d: {  	v1 =	vadd.f32 v2, v1;
	v2 =	vld [tilespmem:s8+$0x20]  }
0x4e: {  	v6 =	vld [tilespmem:s18+$0x20]  }
0x4f: {  	v5 =	vld [tilespmem:s18+$0xFFFFFF20];
	v1 =	vmax.f32 v1, $0.0e+00  }
0x50: {  	v4 =	vld [tilespmem:s8+$0xFFFFFF20];
	[tilespmem:s13+$0xFFFFFFA0] =	vst v1  }
0x51: {  	v1 =	vld [tilespmem:s8+$0xFFFFFFB0];
	v0 =	vadd.f32 v0, v3  }
0x52: {  	v3 =	vld [tilespmem:s18+$0xFFFFFFB0]  }
0x53: {  	v2 =	vadd.f32 v6, v2;
	v0 =	vmax.f32 v0, $0.0e+00  }
0x54: {  	[tilespmem:s13+$0xB0] =	vst v0  }
0x55: {  	v4 =	vadd.f32 v5, v4;
	v0 =	vmax.f32 v2, $0.0e+00;
	v2 =	vld [tilespmem:s8+$0xC0]  }
0x56: {  	[tilespmem:s13+$0x20] =	vst v0;
	v0 =	vld [tilespmem:s18+$0xC0]  }
0x57: {  	v4 =	vmax.f32 v4, $0.0e+00;
	v1 =	vadd.f32 v3, v1;
	v3 =	vld [tilespmem:s8+$0x30]  }
0x58: {  	[tilespmem:s13+$0xFFFFFF20] =	vst v4;
	v6 =	vld [tilespmem:s18+$0x30]  }
0x59: {  	v4 =	vld [tilespmem:s8+$0xFFFFFF30];
	v1 =	vmax.f32 v1, $0.0e+00  }
0x5a: {  	v5 =	vld [tilespmem:s18+$0xFFFFFF30];
	[tilespmem:s13+$0xFFFFFFB0] =	vst v1  }
0x5b: {  	v1 =	vld [tilespmem:s8+$0xFFFFFFC0];
	v0 =	vadd.f32 v0, v2  }
0x5c: {  	v2 =	vld [tilespmem:s18+$0xFFFFFFC0]  }
0x5d: {  	s16 =	simm.s32 $0x7E00;
	v3 =	vadd.f32 v6, v3;
	v0 =	vmax.f32 v0, $0.0e+00  }
0x5e: {  	v10 =	vld [tilespmem:s16+$0xFFFFFF00];
	[tilespmem:s13+$0xC0] =	vst v0  }
0x5f: {  	v0 =	vmax.f32 v3, $0.0e+00;
	v3 =	vld [tilespmem:s8+$0xD0]  }
0x60: {  	v4 =	vadd.f32 v5, v4;
	[tilespmem:s13+$0x30] =	vst v0;
	v0 =	vld [tilespmem:s18+$0xD0]  }
0x61: {  	v1 =	vadd.f32 v2, v1;
	v2 =	vld [tilespmem:s8+$0x40]  }
0x62: {  	s15 =	simm.s32 $0x5200;
	v4 =	vmax.f32 v4, $0.0e+00;
	v6 =	vld [tilespmem:s18+$0x40]  }
0x63: {  	v53 =	vld [tilespmem:s15+$0xFFFFFF00];
	[tilespmem:s13+$0xFFFFFF30] =	vst v4  }
0x64: {  	v4 =	vld [tilespmem:s8+$0xFFFFFF40]  }
0x65: {  	v5 =	vld [tilespmem:s18+$0xFFFFFF40];
	v0 =	vadd.f32 v0, v3  }
0x66: {  	v8 =	vld [tilespmem:s15+$0x80]  }
0x67: {  	v9 =	vld [tilespmem:s16+$0x80];
	v2 =	vadd.f32 v6, v2;
	v0 =	vmax.f32 v0, $0.0e+00  }
0x68: {  	v11 =	vld [tilespmem:s16+$0xFFFFFF80];
	v10 =	vadd.f32 v10, v53;
	[tilespmem:s13+$0xD0] =	vst v0  }
0x69: {  	v0 =	vmax.f32 v2, $0.0e+00;
	v2 =	vld [tilespmem:s8+$0xE0]  }
0x6a: {  	s14 =	simm.s32 $0xAA00;
	v10 =	vmax.f32 v10, $0.0e+00;
	v4 =	vadd.f32 v5, v4;
	[tilespmem:s13+$0x40] =	vst v0;
	v0 =	vld [tilespmem:s18+$0xE0]  }
0x6b: {  	v12 =	vld [tilespmem:s15+$0x0];
	[tilespmem:s14+$0xFFFFFF00] =	vst v10;
	v1 =	vmax.f32 v1, $0.0e+00  }
0x6c: {  	v10 =	vld [tilespmem:s15+$0xFFFFFF10];
	[tilespmem:s13+$0xFFFFFFC0] =	vst v1;
	v4 =	vmax.f32 v4, $0.0e+00  }
0x6d: {  	v1 =	vld [tilespmem:s8+$0xFFFFFFD0];
	[tilespmem:s13+$0xFFFFFF40] =	vst v4  }
0x6e: {  	v4 =	vld [tilespmem:s8+$0xFFFFFF50]  }
0x6f: {  	v5 =	vld [tilespmem:s18+$0xFFFFFF50];
	v0 =	vadd.f32 v0, v2  }
0x70: {  	v2 =	vld [tilespmem:s15+$0xFFFFFF80]  }
0x71: {  	v3 =	vld [tilespmem:s18+$0xFFFFFFD0];
	v0 =	vmax.f32 v0, $0.0e+00  }
0x72: {  	v6 =	vld [tilespmem:s8+$0x50];
	[tilespmem:s13+$0xE0] =	vst v0;
	v0 =	vadd.f32 v9, v8  }
0x73: {  	v7 =	vld [tilespmem:s18+$0x50]  }
0x74: {  	v4 =	vadd.f32 v5, v4;
	v5 =	vld [tilespmem:s16+$0x0];
	v0 =	vmax.f32 v0, $0.0e+00  }
0x75: {  	v55 =	vld [tilespmem:s16+$0xFFFFFF10];
	v2 =	vadd.f32 v11, v2;
	[tilespmem:s14+$0x80] =	vst v0  }
0x76: {  	v0 =	vmax.f32 v4, $0.0e+00;
	v4 =	vld [tilespmem:s15+$0x90]  }
0x77: {  	v1 =	vadd.f32 v3, v1;
	[tilespmem:s13+$0xFFFFFF50] =	vst v0;
	v0 =	vmax.f32 v2, $0.0e+00;
	v2 =	vld [tilespmem:s16+$0x90]  }
0x78: {  	v6 =	vadd.f32 v7, v6;
	v8 =	vld [tilespmem:s8+$0xF0]  }
0x79: {  	v1 =	vmax.f32 v1, $0.0e+00;
	v5 =	vadd.f32 v5, v12;
	v52 =	vld [tilespmem:s18+$0xF0];
	[tilespmem:s14+$0xFFFFFF80] =	vst v0  }
0x7a: {  	[tilespmem:s13+$0xFFFFFFD0] =	vst v1;
	v6 =	vmax.f32 v6, $0.0e+00;
	v3 =	vld [tilespmem:s15+$0xFFFFFF90]  }
0x7b: {  	v1 =	vmax.f32 v5, $0.0e+00;
	[tilespmem:s13+$0x50] =	vst v6;
	v54 =	vld [tilespmem:s16+$0xFFFFFF90]  }
0x7c: {  	v6 =	vld [tilespmem:s18+$0xFFFFFFE0];
	[tilespmem:s14+$0x0] =	vst v1;
	v1 =	vadd.f32 v2, v4  }
0x7d: {  	v58 =	vld [tilespmem:s8+$0x60]  }
0x7e: {  	v59 =	vld [tilespmem:s18+$0x60];
	v1 =	vmax.f32 v1, $0.0e+00  }
0x7f: {  	v0 =	vld [tilespmem:s8+$0xFFFFFF60];
	[tilespmem:s14+$0x90] =	vst v1  }
0x80: {  	v3 =	vadd.f32 v54, v3;
	v1 =	vld [tilespmem:s15+$0xA0]  }
0x81: {  	v56 =	vld [tilespmem:s16+$0xA0]  }
0x82: {  	v4 =	vld [tilespmem:s15+$0x10];
	v3 =	vmax.f32 v3, $0.0e+00  }
0x83: {  	[tilespmem:s14+$0xFFFFFF90] =	vst v3;
	v3 =	vld [tilespmem:s16+$0x10]  }
0x84: {  	v10 =	vadd.f32 v55, v10;
	v7 =	vld [tilespmem:s15+$0xFFFFFFA0]  }
0x85: {  	v57 =	vld [tilespmem:s16+$0xFFFFFFA0]  }
0x86: {  	v10 =	vmax.f32 v10, $0.0e+00;
	v5 =	vld [tilespmem:s18+$0xFFFFFF60];
	v1 =	vadd.f32 v56, v1  }
0x87: {  	[tilespmem:s14+$0xFFFFFF10] =	vst v10;
	v2 =	vld [tilespmem:s8+$0xFFFFFFE0]  }
0x88: {  	v3 =	vadd.f32 v3, v4;
	v4 =	vld [tilespmem:s15+$0xFFFFFF20];
	v1 =	vmax.f32 v1, $0.0e+00  }
0x89: {  	[tilespmem:s14+$0xA0] =	vst v1;
	v1 =	vld [tilespmem:s16+$0xFFFFFF20]  }
0x8a: {  	v7 =	vadd.f32 v57, v7;
	v3 =	vmax.f32 v3, $0.0e+00;
	v60 =	vld [tilespmem:s15+$0xB0]  }
0x8b: {  	v0 =	vadd.f32 v5, v0;
	[tilespmem:s14+$0x10] =	vst v3;
	v3 =	vld [tilespmem:s16+$0xB0]  }
0x8c: {  	v5 =	vmax.f32 v7, $0.0e+00;
	v7 =	vld [tilespmem:s15+$0x20]  }
0x8d: {  	v0 =	vmax.f32 v0, $0.0e+00;
	[tilespmem:s14+$0xFFFFFFA0] =	vst v5;
	v5 =	vld [tilespmem:s16+$0x20]  }
0x8e: {  	[tilespmem:s13+$0xFFFFFF60] =	vst v0;
	v0 =	vld [tilespmem:s16+$0xFFFFFFB0];
	v1 =	vadd.f32 v1, v4  }
0x8f: {  	v4 =	vld [tilespmem:s15+$0xFFFFFFB0]  }
0x90: {  	v61 =	vld [tilespmem:s8+$0xFFFFFF70];
	v3 =	vadd.f32 v3, v60;
	v1 =	vmax.f32 v1, $0.0e+00  }
0x91: {  	[tilespmem:s14+$0xFFFFFF20] =	vst v1;
	v1 =	vld [tilespmem:s18+$0xFFFFFF70]  }
0x92: {  	v5 =	vadd.f32 v5, v7;
	v3 =	vmax.f32 v3, $0.0e+00;
	v7 =	vld [tilespmem:s15+$0xFFFFFF30]  }
0x93: {  	[tilespmem:s14+$0xB0] =	vst v3;
	v3 =	vld [tilespmem:s16+$0xFFFFFF30]  }
0x94: {  	v0 =	vadd.f32 v0, v4;
	v4 =	vmax.f32 v5, $0.0e+00;
	v5 =	vld [tilespmem:s15+$0xC0]  }
0x95: {  	[tilespmem:s14+$0x20] =	vst v4;
	v4 =	vld [tilespmem:s16+$0xC0]  }
0x96: {  	v2 =	vadd.f32 v6, v2;
	v0 =	vmax.f32 v0, $0.0e+00;
	v6 =	vld [tilespmem:s15+$0x30]  }
0x97: {  	[tilespmem:s14+$0xFFFFFFB0] =	vst v0;
	v0 =	vld [tilespmem:s16+$0x30]  }
0x98: {  	v2 =	vmax.f32 v2, $0.0e+00;
	v3 =	vadd.f32 v3, v7;
	v7 =	vld [tilespmem:s15+$0xFFFFFFC0]  }
0x99: {  	[tilespmem:s13+$0xFFFFFFE0] =	vst v2;
	v2 =	vld [tilespmem:s16+$0xFFFFFFC0]  }
0x9a: {  	v3 =	vmax.f32 v3, $0.0e+00;
	v4 =	vadd.f32 v4, v5;
	v5 =	vld [tilespmem:s8+$0xFFFFFFF0]  }
0x9b: {  	[tilespmem:s14+$0xFFFFFF30] =	vst v3;
	v3 =	vld [tilespmem:s18+$0xFFFFFFF0]  }
0x9c: {  	v0 =	vadd.f32 v0, v6;
	v6 =	vld [tilespmem:s15+$0xFFFFFF40];
	v4 =	vmax.f32 v4, $0.0e+00  }
0x9d: {  	[tilespmem:s14+$0xC0] =	vst v4;
	v4 =	vld [tilespmem:s16+$0xFFFFFF40]  }
0x9e: {  	v2 =	vadd.f32 v2, v7;
	v0 =	vmax.f32 v0, $0.0e+00;
	v7 =	vld [tilespmem:s15+$0xD0]  }
0x9f: {  	[tilespmem:s14+$0x30] =	vst v0;
	v0 =	vld [tilespmem:s16+$0xD0]  }
0xa0: {  	v10 =	vadd.f32 v59, v58;
	v2 =	vmax.f32 v2, $0.0e+00;
	v62 =	vld [tilespmem:s15+$0x40]  }
0xa1: {  	[tilespmem:s14+$0xFFFFFFC0] =	vst v2;
	v2 =	vld [tilespmem:s16+$0x40]  }
0xa2: {  	v10 =	vmax.f32 v10, $0.0e+00;
	v63 =	vld [tilespmem:s16+$0xFFFFFFD0];
	v4 =	vadd.f32 v4, v6  }
0xa3: {  	v8 =	vadd.f32 v52, v8;
	[tilespmem:s13+$0x60] =	vst v10;
	v6 =	vld [tilespmem:s15+$0xFFFFFFD0]  }
0xa4: {  	v10 =	vld [tilespmem:s18+$0x70];
	v4 =	vmax.f32 v4, $0.0e+00;
	v0 =	vadd.f32 v0, v7  }
0xa5: {  	v8 =	vmax.f32 v8, $0.0e+00;
	v1 =	vadd.f32 v1, v61;
	v7 =	vld [tilespmem:s8+$0x70];
	[tilespmem:s14+$0xFFFFFF40] =	vst v4  }
0xa6: {  	[tilespmem:s13+$0xF0] =	vst v8;
	v8 =	vadd.f32 v2, v62;
	v2 =	vld [tilespmem:s15+$0xFFFFFF50];
	v0 =	vmax.f32 v0, $0.0e+00  }
0xa7: {  	v1 =	vmax.f32 v1, $0.0e+00;
	v3 =	vadd.f32 v3, v5;
	v4 =	vld [tilespmem:s16+$0xFFFFFF50];
	[tilespmem:s14+$0xD0] =	vst v0  }
0xa8: {  	[tilespmem:s13+$0xFFFFFF70] =	vst v1;
	v0 =	vadd.f32 v63, v6;
	v5 =	vmax.f32 v8, $0.0e+00;
	v1 =	vld [tilespmem:s15+$0xE0]  }
0xa9: {  	v6 =	vmax.f32 v3, $0.0e+00;
	[tilespmem:s14+$0x40] =	vst v5;
	v3 =	vld [tilespmem:s16+$0xE0]  }
0xaa: {  	[tilespmem:s13+$0xFFFFFFF0] =	vst v6;
	v6 =	vmax.f32 v0, $0.0e+00;
	v5 =	vld [tilespmem:s15+$0x50];
	v0 =	vadd.f32 v10, v7  }
0xab: {  	s11 =	simm.s32 $0x5400;
	s7 =	simm.s32 $0x7E00;
	s8 =	simm.s32 $0x4;
	[tilespmem:s14+$0xFFFFFFD0] =	vst v6;
	v6 =	vld [tilespmem:s16+$0x50]  }
.LBB2_3:
0xac: {  	v7 =	vld [tilespmem:s11+$0x80];
	v2 =	vadd.f32 v4, v2;
	s16 =	sadd.s32 $0x200, s16;
	v0 =	vmax.f32 v0, $0.0e+00  }
0xad: {  	v4 =	vld [tilespmem:s16+$0x80];
	[tilespmem:s13+$0x70] =	vst v0;
	s13 =	smov.u32 s14  }
0xae: {  	v0 =	vld [tilespmem:s16+$0xFFFFFF00];
	v2 =	vmax.f32 v2, $0.0e+00;
	v1 =	vadd.f32 v3, v1  }
0xaf: {  	v3 =	vld [tilespmem:s11+$0xFFFFFF80];
	[tilespmem:s14+$0xFFFFFF50] =	vst v2  }
0xb0: {  	v2 =	vld [tilespmem:s16+$0xFFFFFF80];
	v5 =	vadd.f32 v6, v5;
	v1 =	vmax.f32 v1, $0.0e+00  }
0xb1: {  	v6 =	vld [tilespmem:s11+$0x0];
	[tilespmem:s14+$0xE0] =	vst v1  }
0xb2: {  	v1 =	vadd.f32 v4, v7;
	v4 =	vmax.f32 v5, $0.0e+00;
	v5 =	vld [tilespmem:s15+$0xF0]  }
0xb3: {  	[tilespmem:s14+$0x50] =	vst v4;
	v4 =	vld [tilespmem:s7+$0xF0]  }
0xb4: {  	s8 =	sadd.s32 $0x4, s8;
	s14 =	sadd.s32 $0x200, s14;
	v7 =	vld [tilespmem:s16+$0x0];
	v1 =	vmax.f32 v1, $0.0e+00  }
0xb5: {  	p1 =	slt.u32 s8, $0x54;
	v8 =	vld [tilespmem:s11+$0xFFFFFF00];
	v2 =	vadd.f32 v2, v3;
	[tilespmem:s14+$0x80] =	vst v1  }
0xb6: {  	v1 =	vld [tilespmem:s11+$0x90]  }
0xb7: {  	v2 =	vmax.f32 v2, $0.0e+00;
	v3 =	vld [tilespmem:s16+$0x90]  }
0xb8: {  	[tilespmem:s14+$0xFFFFFF80] =	vst v2;
	v2 =	vld [tilespmem:s15+$0xFFFFFF60];
	v4 =	vadd.f32 v4, v5  }
0xb9: {  	v5 =	vld [tilespmem:s11+$0xFFFFFF90];
	v6 =	vadd.f32 v7, v6  }
0xba: {  	v0 =	vadd.f32 v0, v8;
	v7 =	vld [tilespmem:s16+$0xFFFFFF90];
	v4 =	vmax.f32 v4, $0.0e+00  }
0xbb: {  	v6 =	vmax.f32 v6, $0.0e+00;
	v8 =	vld [tilespmem:s7+$0xFFFFFF60];
	[tilespmem:s13+$0xF0] =	vst v4  }
0xbc: {  	v0 =	vmax.f32 v0, $0.0e+00;
	[tilespmem:s14+$0x0] =	vst v6;
	v1 =	vadd.f32 v3, v1;
	v3 =	vld [tilespmem:s15+$0xFFFFFFE0]  }
0xbd: {  	[tilespmem:s14+$0xFFFFFF00] =	vst v0;
	v0 =	vld [tilespmem:s11+$0x10]  }
0xbe: {  	v4 =	vld [tilespmem:s11+$0xFFFFFF10];
	v1 =	vmax.f32 v1, $0.0e+00  }
0xbf: {  	v6 =	vld [tilespmem:s16+$0xFFFFFF10];
	v5 =	vadd.f32 v7, v5;
	[tilespmem:s14+$0x90] =	vst v1  }
0xc0: {  	v1 =	vld [tilespmem:s11+$0xA0];
	v2 =	vadd.f32 v8, v2  }
0xc1: {  	v5 =	vmax.f32 v5, $0.0e+00;
	v7 =	vld [tilespmem:s16+$0xA0]  }
0xc2: {  	[tilespmem:s14+$0xFFFFFF90] =	vst v5;
	v5 =	vld [tilespmem:s16+$0x10];
	v2 =	vmax.f32 v2, $0.0e+00  }
0xc3: {  	v8 =	vld [tilespmem:s11+$0xFFFFFFA0];
	[tilespmem:s13+$0xFFFFFF60] =	vst v2  }
0xc4: {  	v2 =	vadd.f32 v6, v4;
	v4 =	vld [tilespmem:s16+$0xFFFFFFA0]  }
0xc5: {  	v6 =	vld [tilespmem:s7+$0xFFFFFFE0]  }
0xc6: {  	v2 =	vmax.f32 v2, $0.0e+00;
	v1 =	vadd.f32 v7, v1;
	v7 =	vld [tilespmem:s15+$0x60]  }
0xc7: {  	[tilespmem:s14+$0xFFFFFF10] =	vst v2;
	v0 =	vadd.f32 v5, v0;
	v2 =	vld [tilespmem:s7+$0x60]  }
0xc8: {  	v5 =	vld [tilespmem:s11+$0xFFFFFF20];
	v1 =	vmax.f32 v1, $0.0e+00  }
0xc9: {  	v9 =	vld [tilespmem:s16+$0xFFFFFF20];
	v4 =	vadd.f32 v4, v8;
	v0 =	vmax.f32 v0, $0.0e+00;
	[tilespmem:s14+$0xA0] =	vst v1  }
0xca: {  	[tilespmem:s14+$0x10] =	vst v0;
	v0 =	vld [tilespmem:s11+$0xB0];
	v1 =	vadd.f32 v6, v3  }
0xcb: {  	v3 =	vmax.f32 v4, $0.0e+00;
	v4 =	vld [tilespmem:s16+$0xB0]  }
0xcc: {  	[tilespmem:s14+$0xFFFFFFA0] =	vst v3;
	v3 =	vld [tilespmem:s11+$0x20];
	v1 =	vmax.f32 v1, $0.0e+00;
	v2 =	vadd.f32 v2, v7  }
0xcd: {  	v6 =	vld [tilespmem:s16+$0x20];
	[tilespmem:s13+$0xFFFFFFE0] =	vst v1  }
0xce: {  	v1 =	vadd.f32 v9, v5;
	v5 =	vld [tilespmem:s11+$0xFFFFFFB0];
	v2 =	vmax.f32 v2, $0.0e+00  }
0xcf: {  	v7 =	vld [tilespmem:s16+$0xFFFFFFB0];
	[tilespmem:s13+$0x60] =	vst v2  }
0xd0: {  	v1 =	vmax.f32 v1, $0.0e+00;
	v0 =	vadd.f32 v4, v0;
	v2 =	vld [tilespmem:s15+$0xFFFFFF70]  }
0xd1: {  	[tilespmem:s14+$0xFFFFFF20] =	vst v1;
	v1 =	vld [tilespmem:s7+$0xFFFFFF70]  }
0xd2: {  	v4 =	vld [tilespmem:s11+$0xFFFFFF30];
	v3 =	vadd.f32 v6, v3;
	v0 =	vmax.f32 v0, $0.0e+00  }
0xd3: {  	v6 =	vld [tilespmem:s16+$0xFFFFFF30];
	[tilespmem:s14+$0xB0] =	vst v0  }
0xd4: {  	v0 =	vadd.f32 v7, v5;
	v3 =	vmax.f32 v3, $0.0e+00;
	v5 =	vld [tilespmem:s11+$0xC0]  }
0xd5: {  	[tilespmem:s14+$0x20] =	vst v3;
	v3 =	vld [tilespmem:s16+$0xC0]  }
0xd6: {  	v0 =	vmax.f32 v0, $0.0e+00;
	v7 =	vld [tilespmem:s11+$0x30];
	v1 =	vadd.f32 v1, v2  }
0xd7: {  	[tilespmem:s14+$0xFFFFFFB0] =	vst v0;
	v0 =	vld [tilespmem:s16+$0x30]  }
0xd8: {  	v2 =	vadd.f32 v6, v4;
	v4 =	vld [tilespmem:s11+$0xFFFFFFC0];
	v1 =	vmax.f32 v1, $0.0e+00  }
0xd9: {  	v6 =	vld [tilespmem:s16+$0xFFFFFFC0];
	[tilespmem:s13+$0xFFFFFF70] =	vst v1  }
0xda: {  	v1 =	vmax.f32 v2, $0.0e+00;
	v2 =	vadd.f32 v3, v5;
	v3 =	vld [tilespmem:s15+$0xFFFFFFF0]  }
0xdb: {  	[tilespmem:s14+$0xFFFFFF30] =	vst v1;
	v1 =	vld [tilespmem:s7+$0xFFFFFFF0]  }
0xdc: {  	v5 =	vld [tilespmem:s11+$0xFFFFFF40];
	v0 =	vadd.f32 v0, v7;
	v2 =	vmax.f32 v2, $0.0e+00  }
0xdd: {  	v7 =	vld [tilespmem:s16+$0xFFFFFF40];
	[tilespmem:s14+$0xC0] =	vst v2  }
0xde: {  	v2 =	vadd.f32 v6, v4;
	v0 =	vmax.f32 v0, $0.0e+00;
	v4 =	vld [tilespmem:s11+$0xD0]  }
0xdf: {  	[tilespmem:s14+$0x30] =	vst v0;
	v0 =	vld [tilespmem:s16+$0xD0]  }
0xe0: {  	v2 =	vmax.f32 v2, $0.0e+00;
	v6 =	vld [tilespmem:s11+$0x40];
	v1 =	vadd.f32 v1, v3  }
0xe1: {  	[tilespmem:s14+$0xFFFFFFC0] =	vst v2;
	v3 =	vld [tilespmem:s16+$0x40]  }
0xe2: {  	v2 =	vadd.f32 v7, v5;
	v5 =	vld [tilespmem:s11+$0xFFFFFFD0];
	v1 =	vmax.f32 v1, $0.0e+00  }
0xe3: {  	v7 =	vld [tilespmem:s16+$0xFFFFFFD0];
	[tilespmem:s13+$0xFFFFFFF0] =	vst v1  }
0xe4: {  	v1 =	vmax.f32 v2, $0.0e+00;
	v0 =	vadd.f32 v0, v4;
	v8 =	vld [tilespmem:s15+$0x70];
	s15 =	smov.u32 s11  }
0xe5: {  	[tilespmem:s14+$0xFFFFFF40] =	vst v1;
	v9 =	vld [tilespmem:s7+$0x70];
	s7 =	smov.u32 s16  }
0xe6: {  	v2 =	vld [tilespmem:s11+$0xFFFFFF50];
	v1 =	vadd.f32 v3, v6;
	v0 =	vmax.f32 v0, $0.0e+00  }
.Ltmp0:
0xe7: {  	v4 =	vld [tilespmem:s16+$0xFFFFFF50];
	[tilespmem:s14+$0xD0] =	vst v0;
	(pc) =	sbr.rel @p1 .LBB2_3-.Ltmp0, $4  }
0xe8: {  	v0 =	vadd.f32 v7, v5;
	v3 =	vmax.f32 v1, $0.0e+00;
	v1 =	vld [tilespmem:s11+$0xE0]  }
0xe9: {  	[tilespmem:s14+$0x40] =	vst v3;
	v3 =	vld [tilespmem:s16+$0xE0]  }
0xea: {  	v6 =	vmax.f32 v0, $0.0e+00;
	v5 =	vld [tilespmem:s11+$0x50];
	v0 =	vadd.f32 v9, v8  }
0xeb: {  	s11 =	sadd.s32 $0x200, s11;
	[tilespmem:s14+$0xFFFFFFD0] =	vst v6;
	v6 =	vld [tilespmem:s16+$0x50]  }
0xec: {  	v2 =	vadd.f32 v4, v2;
	_ =	sdelay $0x1  }
0xed: {  	v2 =	vmax.f32 v2, $0.0e+00  }
0xee: {  	[tilespmem:s14+$0xFFFFFF50] =	vst v2  }
0xef: {  	v2 =	vadd.f32 v6, v5;
	v4 =	vld [tilespmem:s15+$0xFFFFFF60]  }
0xf0: {  	v5 =	vld [tilespmem:s7+$0xFFFFFF60]  }
0xf1: {  	v6 =	vld [tilespmem:s15+$0xFFFFFFE0];
	v2 =	vmax.f32 v2, $0.0e+00  }
0xf2: {  	[tilespmem:s14+$0x50] =	vst v2;
	v2 =	vld [tilespmem:s7+$0xFFFFFFE0]  }
0xf3: {  	v1 =	vadd.f32 v3, v1;
	v3 =	vld [tilespmem:s15+$0x60]  }
0xf4: {  	v7 =	vld [tilespmem:s7+$0x60]  }
0xf5: {  	v1 =	vmax.f32 v1, $0.0e+00;
	v4 =	vadd.f32 v5, v4  }
0xf6: {  	[tilespmem:s14+$0xE0] =	vst v1  }
0xf7: {  	v1 =	vld [tilespmem:s15+$0xF0];
	v4 =	vmax.f32 v4, $0.0e+00;
	v2 =	vadd.f32 v2, v6  }
0xf8: {  	v5 =	vld [tilespmem:s7+$0xF0];
	[tilespmem:s14+$0xFFFFFF60] =	vst v4  }
0xf9: {  	v3 =	vadd.f32 v7, v3;
	v4 =	vld [tilespmem:s15+$0xFFFFFF70];
	v2 =	vmax.f32 v2, $0.0e+00  }
0xfa: {  	[tilespmem:s14+$0xFFFFFFE0] =	vst v2;
	v2 =	vld [tilespmem:s7+$0xFFFFFF70]  }
0xfb: {  	v3 =	vmax.f32 v3, $0.0e+00;
	v6 =	vld [tilespmem:s15+$0xFFFFFFF0]  }
0xfc: {  	[tilespmem:s14+$0x60] =	vst v3;
	v3 =	vld [tilespmem:s7+$0xFFFFFFF0]  }
0xfd: {  	v7 =	vld [tilespmem:s15+$0x70]  }
0xfe: {  	v8 =	vld [tilespmem:s7+$0x70];
	_ =	sdelay $0x1  }
0xff: {  	v1 =	vadd.f32 v5, v1  }
0x100: {  	v0 =	vmax.f32 v0, $0.0e+00;
	v2 =	vadd.f32 v2, v4  }
0x101: {  	[tilespmem:s13+$0x70] =	vst v0;
	s13 =	smul.u32 $0x108, s12;
	v0 =	vmax.f32 v1, $0.0e+00;
	v1 =	vadd.f32 v3, v6  }
0x102: {  	[tilespmem:s14+$0xF0] =	vst v0;
	v0 =	vmax.f32 v2, $0.0e+00;
	v2 =	vadd.f32 v8, v7  }
0x103: {  	s11 =	sadd.s32 s4, s13;
	[tilespmem:s14+$0xFFFFFF70] =	vst v0;
	v0 =	vmax.f32 v1, $0.0e+00  }
0x104: {  	s7 =	sshll.u32 s11, $0x4;
	[tilespmem:s14+$0xFFFFFFF0] =	vst v0;
	v0 =	vmax.f32 v2, $0.0e+00  }
0x105: {  	s7 =	sadd.s32 s2, s7;
	[tilespmem:s14+$0x70] =	vst v0  }
0x106: {  	[hbm4b:s7+s3] =	stream.linear.scatter [tilespmem:s30], [sflag:$0x3], $0x2C00, $0x38;
	[tilespmem:$0x1DB00] =	vst v63  }
0x107: {  	s8 =	simm.s32 $0x4F00;
	s15 =	sadd.s32 $0x108, s13  }
0x108: {  	[tilespmem:s8], [sflag:$0x1] =	stream.indirect.gather [hbm4b:s5+s17], $0x80, s15, s17, $0xb8;
	[tilespmem:$0x1DB00] =	vst v63  }
0x109: {  	s16 =	sadd.s32 $0x2888, s13  }
0x10a: {  	[tilespmem:s19], [sflag:$0x2] =	stream.indirect.gather [hbm4b:s6+s17], $0x80, s16, s17, $0xb8;
	[tilespmem:$0x1DB00] =	vst v63  }
0x10b: {  	_ =	swait.ge [sflag:s31], $0x2C00  }
0x10c: {  	[sflag:s31] =	ssyncset.done $0x0  }
0x10d: {  	[sflag:s31] =	ssyncadd.s32 $0xFFFFD400  }
0x10e: {  	_ =	swait.ge [sflag:s1], $0x2C00  }
0x10f: {  	[sflag:s1] =	ssyncset.done $0x0  }
0x110: {  	s7 =	simm.s32 @!p0 $0x6;
	[sflag:s1] =	ssyncadd.s32 $0xFFFFD400  }
0x111: {  	_ =	swait.ge @!p0 [sflag:s7], $0x2C00  }
0x112: {  	[sflag:s7] =	ssyncset.done @!p0 $0x0  }
0x113: {  	s11 =	simm.s32 $0xD400;
	[sflag:s7] =	ssyncadd.s32 @!p0 $0xFFFFD400  }
0x114: {  	s18 =	simm.s32 $0x10000;
	v0 =	vld [tilespmem:s11+$0x80]  }
0x115: {  	v1 =	vld [tilespmem:s18+$0x80];
	_ =	sdelay $0x4  }
0x116: {  	v2 =	vld [tilespmem:s11+$0xFFFFFF80];
	v0 =	vadd.f32 v1, v0  }
0x117: {  	v1 =	vld [tilespmem:s18+$0xFFFFFF80]  }
0x118: {  	s14 =	simm.s32 $0x12C00;
	v3 =	vld [tilespmem:s18+$0xFFFFFF00];
	v0 =	vmax.f32 v0, $0.0e+00  }
0x119: {  	v4 =	vld [tilespmem:s11+$0xFFFFFF00];
	[tilespmem:s14+$0x80] =	vst v0  }
0x11a: {  	v0 =	vld [tilespmem:s11+$0x90]  }
0x11b: {  	v5 =	vld [tilespmem:s18+$0x90]  }
0x11c: {  	v6 =	vld [tilespmem:s11+$0x0];
	v1 =	vadd.f32 v1, v2  }
0x11d: {  	v2 =	vld [tilespmem:s18+$0x0]  }
0x11e: {  	v3 =	vadd.f32 v3, v4;
	v1 =	vmax.f32 v1, $0.0e+00  }
0x11f: {  	[tilespmem:s14+$0xFFFFFF80] =	vst v1  }
0x120: {  	v3 =	vmax.f32 v3, $0.0e+00;
	v1 =	vld [tilespmem:s11+$0xFFFFFF90];
	v0 =	vadd.f32 v5, v0  }
0x121: {  	[tilespmem:s14+$0xFFFFFF00] =	vst v3;
	v4 =	vld [tilespmem:s18+$0xFFFFFF90]  }
0x122: {  	v3 =	vld [tilespmem:s11+$0xFFFFFF10];
	v2 =	vadd.f32 v2, v6;
	v0 =	vmax.f32 v0, $0.0e+00  }
0x123: {  	v5 =	vld [tilespmem:s18+$0xFFFFFF10];
	[tilespmem:s14+$0x90] =	vst v0  }
0x124: {  	v0 =	vmax.f32 v2, $0.0e+00;
	v2 =	vld [tilespmem:s11+$0xA0]  }
0x125: {  	[tilespmem:s14+$0x0] =	vst v0;
	v0 =	vld [tilespmem:s18+$0xA0]  }
0x126: {  	v6 =	vld [tilespmem:s11+$0x10];
	v1 =	vadd.f32 v4, v1  }
0x127: {  	v4 =	vld [tilespmem:s18+$0x10]  }
0x128: {  	v1 =	vmax.f32 v1, $0.0e+00  }
0x129: {  	v3 =	vadd.f32 v5, v3;
	[tilespmem:s14+$0xFFFFFF90] =	vst v1  }
0x12a: {  	v1 =	vld [tilespmem:s11+$0xFFFFFFA0];
	v0 =	vadd.f32 v0, v2  }
0x12b: {  	v3 =	vmax.f32 v3, $0.0e+00;
	v2 =	vld [tilespmem:s18+$0xFFFFFFA0]  }
0x12c: {  	[tilespmem:s14+$0xFFFFFF10] =	vst v3;
	v3 =	vadd.f32 v4, v6;
	v0 =	vmax.f32 v0, $0.0e+00  }
0x12d: {  	[tilespmem:s14+$0xA0] =	vst v0  }
0x12e: {  	v0 =	vmax.f32 v3, $0.0e+00;
	v3 =	vld [tilespmem:s11+$0xB0]  }
0x12f: {  	[tilespmem:s14+$0x10] =	vst v0;
	v0 =	vld [tilespmem:s18+$0xB0]  }
0x130: {  	v1 =	vadd.f32 v2, v1;
	v2 =	vld [tilespmem:s11+$0x20]  }
0x131: {  	v6 =	vld [tilespmem:s18+$0x20]  }
0x132: {  	v5 =	vld [tilespmem:s18+$0xFFFFFF20];
	v1 =	vmax.f32 v1, $0.0e+00  }
0x133: {  	v4 =	vld [tilespmem:s11+$0xFFFFFF20];
	[tilespmem:s14+$0xFFFFFFA0] =	vst v1  }
0x134: {  	v1 =	vld [tilespmem:s11+$0xFFFFFFB0];
	v0 =	vadd.f32 v0, v3  }
0x135: {  	v3 =	vld [tilespmem:s18+$0xFFFFFFB0]  }
0x136: {  	v2 =	vadd.f32 v6, v2;
	v0 =	vmax.f32 v0, $0.0e+00  }
0x137: {  	[tilespmem:s14+$0xB0] =	vst v0  }
0x138: {  	v4 =	vadd.f32 v5, v4;
	v0 =	vmax.f32 v2, $0.0e+00;
	v2 =	vld [tilespmem:s11+$0xC0]  }
0x139: {  	[tilespmem:s14+$0x20] =	vst v0;
	v0 =	vld [tilespmem:s18+$0xC0]  }
0x13a: {  	v4 =	vmax.f32 v4, $0.0e+00;
	v1 =	vadd.f32 v3, v1;
	v3 =	vld [tilespmem:s11+$0x30]  }
0x13b: {  	[tilespmem:s14+$0xFFFFFF20] =	vst v4;
	v6 =	vld [tilespmem:s18+$0x30]  }
0x13c: {  	v4 =	vld [tilespmem:s11+$0xFFFFFF30];
	v1 =	vmax.f32 v1, $0.0e+00  }
0x13d: {  	v5 =	vld [tilespmem:s18+$0xFFFFFF30];
	[tilespmem:s14+$0xFFFFFFB0] =	vst v1  }
0x13e: {  	v1 =	vld [tilespmem:s11+$0xFFFFFFC0];
	v0 =	vadd.f32 v0, v2  }
0x13f: {  	v2 =	vld [tilespmem:s18+$0xFFFFFFC0]  }
0x140: {  	s7 =	simm.s32 $0x10200;
	v3 =	vadd.f32 v6, v3;
	v0 =	vmax.f32 v0, $0.0e+00  }
0x141: {  	v10 =	vld [tilespmem:s7+$0xFFFFFF00];
	[tilespmem:s14+$0xC0] =	vst v0  }
0x142: {  	v0 =	vmax.f32 v3, $0.0e+00;
	v3 =	vld [tilespmem:s11+$0xD0]  }
0x143: {  	v4 =	vadd.f32 v5, v4;
	[tilespmem:s14+$0x30] =	vst v0;
	v0 =	vld [tilespmem:s18+$0xD0]  }
0x144: {  	v1 =	vadd.f32 v2, v1;
	v2 =	vld [tilespmem:s11+$0x40]  }
0x145: {  	s16 =	simm.s32 $0xD600;
	v4 =	vmax.f32 v4, $0.0e+00;
	v6 =	vld [tilespmem:s18+$0x40]  }
0x146: {  	v53 =	vld [tilespmem:s16+$0xFFFFFF00];
	[tilespmem:s14+$0xFFFFFF30] =	vst v4  }
0x147: {  	v4 =	vld [tilespmem:s11+$0xFFFFFF40]  }
0x148: {  	v5 =	vld [tilespmem:s18+$0xFFFFFF40];
	v0 =	vadd.f32 v0, v3  }
0x149: {  	v8 =	vld [tilespmem:s16+$0x80]  }
0x14a: {  	v9 =	vld [tilespmem:s7+$0x80];
	v2 =	vadd.f32 v6, v2;
	v0 =	vmax.f32 v0, $0.0e+00  }
0x14b: {  	v11 =	vld [tilespmem:s7+$0xFFFFFF80];
	v10 =	vadd.f32 v10, v53;
	[tilespmem:s14+$0xD0] =	vst v0  }
0x14c: {  	v0 =	vmax.f32 v2, $0.0e+00;
	v2 =	vld [tilespmem:s11+$0xE0]  }
0x14d: {  	s15 =	simm.s32 $0x12E00;
	v10 =	vmax.f32 v10, $0.0e+00;
	v4 =	vadd.f32 v5, v4;
	[tilespmem:s14+$0x40] =	vst v0;
	v0 =	vld [tilespmem:s18+$0xE0]  }
0x14e: {  	v12 =	vld [tilespmem:s16+$0x0];
	[tilespmem:s15+$0xFFFFFF00] =	vst v10;
	v1 =	vmax.f32 v1, $0.0e+00  }
0x14f: {  	v10 =	vld [tilespmem:s16+$0xFFFFFF10];
	[tilespmem:s14+$0xFFFFFFC0] =	vst v1;
	v4 =	vmax.f32 v4, $0.0e+00  }
0x150: {  	v1 =	vld [tilespmem:s11+$0xFFFFFFD0];
	[tilespmem:s14+$0xFFFFFF40] =	vst v4  }
0x151: {  	v4 =	vld [tilespmem:s11+$0xFFFFFF50]  }
0x152: {  	v5 =	vld [tilespmem:s18+$0xFFFFFF50];
	v0 =	vadd.f32 v0, v2  }
0x153: {  	v2 =	vld [tilespmem:s16+$0xFFFFFF80]  }
0x154: {  	v3 =	vld [tilespmem:s18+$0xFFFFFFD0];
	v0 =	vmax.f32 v0, $0.0e+00  }
0x155: {  	v6 =	vld [tilespmem:s11+$0x50];
	[tilespmem:s14+$0xE0] =	vst v0;
	v0 =	vadd.f32 v9, v8  }
0x156: {  	v7 =	vld [tilespmem:s18+$0x50]  }
0x157: {  	v4 =	vadd.f32 v5, v4;
	v5 =	vld [tilespmem:s7+$0x0];
	v0 =	vmax.f32 v0, $0.0e+00  }
0x158: {  	v55 =	vld [tilespmem:s7+$0xFFFFFF10];
	v2 =	vadd.f32 v11, v2;
	[tilespmem:s15+$0x80] =	vst v0  }
0x159: {  	v0 =	vmax.f32 v4, $0.0e+00;
	v4 =	vld [tilespmem:s16+$0x90]  }
0x15a: {  	v1 =	vadd.f32 v3, v1;
	[tilespmem:s14+$0xFFFFFF50] =	vst v0;
	v0 =	vmax.f32 v2, $0.0e+00;
	v2 =	vld [tilespmem:s7+$0x90]  }
0x15b: {  	v6 =	vadd.f32 v7, v6;
	v8 =	vld [tilespmem:s11+$0xF0]  }
0x15c: {  	v1 =	vmax.f32 v1, $0.0e+00;
	v5 =	vadd.f32 v5, v12;
	v52 =	vld [tilespmem:s18+$0xF0];
	[tilespmem:s15+$0xFFFFFF80] =	vst v0  }
0x15d: {  	[tilespmem:s14+$0xFFFFFFD0] =	vst v1;
	v6 =	vmax.f32 v6, $0.0e+00;
	v3 =	vld [tilespmem:s16+$0xFFFFFF90]  }
0x15e: {  	v1 =	vmax.f32 v5, $0.0e+00;
	[tilespmem:s14+$0x50] =	vst v6;
	v54 =	vld [tilespmem:s7+$0xFFFFFF90]  }
0x15f: {  	v6 =	vld [tilespmem:s18+$0xFFFFFFE0];
	[tilespmem:s15+$0x0] =	vst v1;
	v1 =	vadd.f32 v2, v4  }
0x160: {  	v58 =	vld [tilespmem:s11+$0x60]  }
0x161: {  	v59 =	vld [tilespmem:s18+$0x60];
	v1 =	vmax.f32 v1, $0.0e+00  }
0x162: {  	v0 =	vld [tilespmem:s11+$0xFFFFFF60];
	[tilespmem:s15+$0x90] =	vst v1  }
0x163: {  	v3 =	vadd.f32 v54, v3;
	v1 =	vld [tilespmem:s16+$0xA0]  }
0x164: {  	v56 =	vld [tilespmem:s7+$0xA0]  }
0x165: {  	v4 =	vld [tilespmem:s16+$0x10];
	v3 =	vmax.f32 v3, $0.0e+00  }
0x166: {  	[tilespmem:s15+$0xFFFFFF90] =	vst v3;
	v3 =	vld [tilespmem:s7+$0x10]  }
0x167: {  	v10 =	vadd.f32 v55, v10;
	v7 =	vld [tilespmem:s16+$0xFFFFFFA0]  }
0x168: {  	v57 =	vld [tilespmem:s7+$0xFFFFFFA0]  }
0x169: {  	v10 =	vmax.f32 v10, $0.0e+00;
	v5 =	vld [tilespmem:s18+$0xFFFFFF60];
	v1 =	vadd.f32 v56, v1  }
0x16a: {  	[tilespmem:s15+$0xFFFFFF10] =	vst v10;
	v2 =	vld [tilespmem:s11+$0xFFFFFFE0]  }
0x16b: {  	v3 =	vadd.f32 v3, v4;
	v4 =	vld [tilespmem:s16+$0xFFFFFF20];
	v1 =	vmax.f32 v1, $0.0e+00  }
0x16c: {  	[tilespmem:s15+$0xA0] =	vst v1;
	v1 =	vld [tilespmem:s7+$0xFFFFFF20]  }
0x16d: {  	v7 =	vadd.f32 v57, v7;
	v3 =	vmax.f32 v3, $0.0e+00;
	v60 =	vld [tilespmem:s16+$0xB0]  }
0x16e: {  	v0 =	vadd.f32 v5, v0;
	[tilespmem:s15+$0x10] =	vst v3;
	v3 =	vld [tilespmem:s7+$0xB0]  }
0x16f: {  	v5 =	vmax.f32 v7, $0.0e+00;
	v7 =	vld [tilespmem:s16+$0x20]  }
0x170: {  	v0 =	vmax.f32 v0, $0.0e+00;
	[tilespmem:s15+$0xFFFFFFA0] =	vst v5;
	v5 =	vld [tilespmem:s7+$0x20]  }
0x171: {  	[tilespmem:s14+$0xFFFFFF60] =	vst v0;
	v0 =	vld [tilespmem:s7+$0xFFFFFFB0];
	v1 =	vadd.f32 v1, v4  }
0x172: {  	v4 =	vld [tilespmem:s16+$0xFFFFFFB0]  }
0x173: {  	v61 =	vld [tilespmem:s11+$0xFFFFFF70];
	v3 =	vadd.f32 v3, v60;
	v1 =	vmax.f32 v1, $0.0e+00  }
0x174: {  	[tilespmem:s15+$0xFFFFFF20] =	vst v1;
	v1 =	vld [tilespmem:s18+$0xFFFFFF70]  }
0x175: {  	v5 =	vadd.f32 v5, v7;
	v3 =	vmax.f32 v3, $0.0e+00;
	v7 =	vld [tilespmem:s16+$0xFFFFFF30]  }
0x176: {  	[tilespmem:s15+$0xB0] =	vst v3;
	v3 =	vld [tilespmem:s7+$0xFFFFFF30]  }
0x177: {  	v0 =	vadd.f32 v0, v4;
	v4 =	vmax.f32 v5, $0.0e+00;
	v5 =	vld [tilespmem:s16+$0xC0]  }
0x178: {  	[tilespmem:s15+$0x20] =	vst v4;
	v4 =	vld [tilespmem:s7+$0xC0]  }
0x179: {  	v2 =	vadd.f32 v6, v2;
	v0 =	vmax.f32 v0, $0.0e+00;
	v6 =	vld [tilespmem:s16+$0x30]  }
0x17a: {  	[tilespmem:s15+$0xFFFFFFB0] =	vst v0;
	v0 =	vld [tilespmem:s7+$0x30]  }
0x17b: {  	v2 =	vmax.f32 v2, $0.0e+00;
	v3 =	vadd.f32 v3, v7;
	v7 =	vld [tilespmem:s16+$0xFFFFFFC0]  }
0x17c: {  	[tilespmem:s14+$0xFFFFFFE0] =	vst v2;
	v2 =	vld [tilespmem:s7+$0xFFFFFFC0]  }
0x17d: {  	v3 =	vmax.f32 v3, $0.0e+00;
	v4 =	vadd.f32 v4, v5;
	v5 =	vld [tilespmem:s11+$0xFFFFFFF0]  }
0x17e: {  	[tilespmem:s15+$0xFFFFFF30] =	vst v3;
	v3 =	vld [tilespmem:s18+$0xFFFFFFF0]  }
0x17f: {  	v0 =	vadd.f32 v0, v6;
	v6 =	vld [tilespmem:s16+$0xFFFFFF40];
	v4 =	vmax.f32 v4, $0.0e+00  }
0x180: {  	[tilespmem:s15+$0xC0] =	vst v4;
	v4 =	vld [tilespmem:s7+$0xFFFFFF40]  }
0x181: {  	v2 =	vadd.f32 v2, v7;
	v0 =	vmax.f32 v0, $0.0e+00;
	v7 =	vld [tilespmem:s16+$0xD0]  }
0x182: {  	[tilespmem:s15+$0x30] =	vst v0;
	v0 =	vld [tilespmem:s7+$0xD0]  }
0x183: {  	v10 =	vadd.f32 v59, v58;
	v2 =	vmax.f32 v2, $0.0e+00;
	v62 =	vld [tilespmem:s16+$0x40]  }
0x184: {  	[tilespmem:s15+$0xFFFFFFC0] =	vst v2;
	v2 =	vld [tilespmem:s7+$0x40]  }
0x185: {  	v10 =	vmax.f32 v10, $0.0e+00;
	v63 =	vld [tilespmem:s7+$0xFFFFFFD0];
	v4 =	vadd.f32 v4, v6  }
0x186: {  	v8 =	vadd.f32 v52, v8;
	[tilespmem:s14+$0x60] =	vst v10;
	v6 =	vld [tilespmem:s16+$0xFFFFFFD0]  }
0x187: {  	v10 =	vld [tilespmem:s18+$0x70];
	v4 =	vmax.f32 v4, $0.0e+00;
	v0 =	vadd.f32 v0, v7  }
0x188: {  	v8 =	vmax.f32 v8, $0.0e+00;
	v1 =	vadd.f32 v1, v61;
	v7 =	vld [tilespmem:s11+$0x70];
	[tilespmem:s15+$0xFFFFFF40] =	vst v4  }
0x189: {  	[tilespmem:s14+$0xF0] =	vst v8;
	v8 =	vadd.f32 v2, v62;
	v2 =	vld [tilespmem:s16+$0xFFFFFF50];
	v0 =	vmax.f32 v0, $0.0e+00  }
0x18a: {  	v1 =	vmax.f32 v1, $0.0e+00;
	v3 =	vadd.f32 v3, v5;
	v4 =	vld [tilespmem:s7+$0xFFFFFF50];
	[tilespmem:s15+$0xD0] =	vst v0  }
0x18b: {  	[tilespmem:s14+$0xFFFFFF70] =	vst v1;
	v0 =	vadd.f32 v63, v6;
	v5 =	vmax.f32 v8, $0.0e+00;
	v1 =	vld [tilespmem:s16+$0xE0]  }
0x18c: {  	v6 =	vmax.f32 v3, $0.0e+00;
	[tilespmem:s15+$0x40] =	vst v5;
	v3 =	vld [tilespmem:s7+$0xE0]  }
0x18d: {  	[tilespmem:s14+$0xFFFFFFF0] =	vst v6;
	v6 =	vmax.f32 v0, $0.0e+00;
	v5 =	vld [tilespmem:s16+$0x50];
	v0 =	vadd.f32 v10, v7  }
0x18e: {  	s8 =	simm.s32 $0x10200;
	s18 =	simm.s32 $0xD800;
	s11 =	simm.s32 $0x4;
	[tilespmem:s15+$0xFFFFFFD0] =	vst v6;
	v6 =	vld [tilespmem:s7+$0x50]  }
.LBB2_5:
0x18f: {  	v7 =	vld [tilespmem:s18+$0x80];
	v2 =	vadd.f32 v4, v2;
	s7 =	sadd.s32 $0x200, s7;
	v0 =	vmax.f32 v0, $0.0e+00  }
0x190: {  	v4 =	vld [tilespmem:s7+$0x80];
	[tilespmem:s14+$0x70] =	vst v0;
	s14 =	smov.u32 s15  }
0x191: {  	v0 =	vld [tilespmem:s7+$0xFFFFFF00];
	v2 =	vmax.f32 v2, $0.0e+00;
	v1 =	vadd.f32 v3, v1  }
0x192: {  	v3 =	vld [tilespmem:s18+$0xFFFFFF80];
	[tilespmem:s15+$0xFFFFFF50] =	vst v2  }
0x193: {  	v2 =	vld [tilespmem:s7+$0xFFFFFF80];
	v5 =	vadd.f32 v6, v5;
	v1 =	vmax.f32 v1, $0.0e+00  }
0x194: {  	v6 =	vld [tilespmem:s18+$0x0];
	[tilespmem:s15+$0xE0] =	vst v1  }
0x195: {  	v1 =	vadd.f32 v4, v7;
	v4 =	vmax.f32 v5, $0.0e+00;
	v5 =	vld [tilespmem:s16+$0xF0]  }
0x196: {  	[tilespmem:s15+$0x50] =	vst v4;
	v4 =	vld [tilespmem:s8+$0xF0]  }
0x197: {  	s11 =	sadd.s32 $0x4, s11;
	s15 =	sadd.s32 $0x200, s15;
	v7 =	vld [tilespmem:s7+$0x0];
	v1 =	vmax.f32 v1, $0.0e+00  }
0x198: {  	p1 =	slt.u32 s11, $0x54;
	v8 =	vld [tilespmem:s18+$0xFFFFFF00];
	v2 =	vadd.f32 v2, v3;
	[tilespmem:s15+$0x80] =	vst v1  }
0x199: {  	v1 =	vld [tilespmem:s18+$0x90]  }
0x19a: {  	v2 =	vmax.f32 v2, $0.0e+00;
	v3 =	vld [tilespmem:s7+$0x90]  }
0x19b: {  	[tilespmem:s15+$0xFFFFFF80] =	vst v2;
	v2 =	vld [tilespmem:s16+$0xFFFFFF60];
	v4 =	vadd.f32 v4, v5  }
0x19c: {  	v5 =	vld [tilespmem:s18+$0xFFFFFF90];
	v6 =	vadd.f32 v7, v6  }
0x19d: {  	v0 =	vadd.f32 v0, v8;
	v7 =	vld [tilespmem:s7+$0xFFFFFF90];
	v4 =	vmax.f32 v4, $0.0e+00  }
0x19e: {  	v6 =	vmax.f32 v6, $0.0e+00;
	v8 =	vld [tilespmem:s8+$0xFFFFFF60];
	[tilespmem:s14+$0xF0] =	vst v4  }
0x19f: {  	v0 =	vmax.f32 v0, $0.0e+00;
	[tilespmem:s15+$0x0] =	vst v6;
	v1 =	vadd.f32 v3, v1;
	v3 =	vld [tilespmem:s16+$0xFFFFFFE0]  }
0x1a0: {  	[tilespmem:s15+$0xFFFFFF00] =	vst v0;
	v0 =	vld [tilespmem:s18+$0x10]  }
0x1a1: {  	v4 =	vld [tilespmem:s18+$0xFFFFFF10];
	v1 =	vmax.f32 v1, $0.0e+00  }
0x1a2: {  	v6 =	vld [tilespmem:s7+$0xFFFFFF10];
	v5 =	vadd.f32 v7, v5;
	[tilespmem:s15+$0x90] =	vst v1  }
0x1a3: {  	v1 =	vld [tilespmem:s18+$0xA0];
	v2 =	vadd.f32 v8, v2  }
0x1a4: {  	v5 =	vmax.f32 v5, $0.0e+00;
	v7 =	vld [tilespmem:s7+$0xA0]  }
0x1a5: {  	[tilespmem:s15+$0xFFFFFF90] =	vst v5;
	v5 =	vld [tilespmem:s7+$0x10];
	v2 =	vmax.f32 v2, $0.0e+00  }
0x1a6: {  	v8 =	vld [tilespmem:s18+$0xFFFFFFA0];
	[tilespmem:s14+$0xFFFFFF60] =	vst v2  }
0x1a7: {  	v2 =	vadd.f32 v6, v4;
	v4 =	vld [tilespmem:s7+$0xFFFFFFA0]  }
0x1a8: {  	v6 =	vld [tilespmem:s8+$0xFFFFFFE0]  }
0x1a9: {  	v2 =	vmax.f32 v2, $0.0e+00;
	v1 =	vadd.f32 v7, v1;
	v7 =	vld [tilespmem:s16+$0x60]  }
0x1aa: {  	[tilespmem:s15+$0xFFFFFF10] =	vst v2;
	v0 =	vadd.f32 v5, v0;
	v2 =	vld [tilespmem:s8+$0x60]  }
0x1ab: {  	v5 =	vld [tilespmem:s18+$0xFFFFFF20];
	v1 =	vmax.f32 v1, $0.0e+00  }
0x1ac: {  	v9 =	vld [tilespmem:s7+$0xFFFFFF20];
	v4 =	vadd.f32 v4, v8;
	v0 =	vmax.f32 v0, $0.0e+00;
	[tilespmem:s15+$0xA0] =	vst v1  }
0x1ad: {  	[tilespmem:s15+$0x10] =	vst v0;
	v0 =	vld [tilespmem:s18+$0xB0];
	v1 =	vadd.f32 v6, v3  }
0x1ae: {  	v3 =	vmax.f32 v4, $0.0e+00;
	v4 =	vld [tilespmem:s7+$0xB0]  }
0x1af: {  	[tilespmem:s15+$0xFFFFFFA0] =	vst v3;
	v3 =	vld [tilespmem:s18+$0x20];
	v1 =	vmax.f32 v1, $0.0e+00;
	v2 =	vadd.f32 v2, v7  }
0x1b0: {  	v6 =	vld [tilespmem:s7+$0x20];
	[tilespmem:s14+$0xFFFFFFE0] =	vst v1  }
0x1b1: {  	v1 =	vadd.f32 v9, v5;
	v5 =	vld [tilespmem:s18+$0xFFFFFFB0];
	v2 =	vmax.f32 v2, $0.0e+00  }
0x1b2: {  	v7 =	vld [tilespmem:s7+$0xFFFFFFB0];
	[tilespmem:s14+$0x60] =	vst v2  }
0x1b3: {  	v1 =	vmax.f32 v1, $0.0e+00;
	v0 =	vadd.f32 v4, v0;
	v2 =	vld [tilespmem:s16+$0xFFFFFF70]  }
0x1b4: {  	[tilespmem:s15+$0xFFFFFF20] =	vst v1;
	v1 =	vld [tilespmem:s8+$0xFFFFFF70]  }
0x1b5: {  	v4 =	vld [tilespmem:s18+$0xFFFFFF30];
	v3 =	vadd.f32 v6, v3;
	v0 =	vmax.f32 v0, $0.0e+00  }
0x1b6: {  	v6 =	vld [tilespmem:s7+$0xFFFFFF30];
	[tilespmem:s15+$0xB0] =	vst v0  }
0x1b7: {  	v0 =	vadd.f32 v7, v5;
	v3 =	vmax.f32 v3, $0.0e+00;
	v5 =	vld [tilespmem:s18+$0xC0]  }
0x1b8: {  	[tilespmem:s15+$0x20] =	vst v3;
	v3 =	vld [tilespmem:s7+$0xC0]  }
0x1b9: {  	v0 =	vmax.f32 v0, $0.0e+00;
	v7 =	vld [tilespmem:s18+$0x30];
	v1 =	vadd.f32 v1, v2  }
0x1ba: {  	[tilespmem:s15+$0xFFFFFFB0] =	vst v0;
	v0 =	vld [tilespmem:s7+$0x30]  }
0x1bb: {  	v2 =	vadd.f32 v6, v4;
	v4 =	vld [tilespmem:s18+$0xFFFFFFC0];
	v1 =	vmax.f32 v1, $0.0e+00  }
0x1bc: {  	v6 =	vld [tilespmem:s7+$0xFFFFFFC0];
	[tilespmem:s14+$0xFFFFFF70] =	vst v1  }
0x1bd: {  	v1 =	vmax.f32 v2, $0.0e+00;
	v2 =	vadd.f32 v3, v5;
	v3 =	vld [tilespmem:s16+$0xFFFFFFF0]  }
0x1be: {  	[tilespmem:s15+$0xFFFFFF30] =	vst v1;
	v1 =	vld [tilespmem:s8+$0xFFFFFFF0]  }
0x1bf: {  	v5 =	vld [tilespmem:s18+$0xFFFFFF40];
	v0 =	vadd.f32 v0, v7;
	v2 =	vmax.f32 v2, $0.0e+00  }
0x1c0: {  	v7 =	vld [tilespmem:s7+$0xFFFFFF40];
	[tilespmem:s15+$0xC0] =	vst v2  }
0x1c1: {  	v2 =	vadd.f32 v6, v4;
	v0 =	vmax.f32 v0, $0.0e+00;
	v4 =	vld [tilespmem:s18+$0xD0]  }
0x1c2: {  	[tilespmem:s15+$0x30] =	vst v0;
	v0 =	vld [tilespmem:s7+$0xD0]  }
0x1c3: {  	v2 =	vmax.f32 v2, $0.0e+00;
	v6 =	vld [tilespmem:s18+$0x40];
	v1 =	vadd.f32 v1, v3  }
0x1c4: {  	[tilespmem:s15+$0xFFFFFFC0] =	vst v2;
	v3 =	vld [tilespmem:s7+$0x40]  }
0x1c5: {  	v2 =	vadd.f32 v7, v5;
	v5 =	vld [tilespmem:s18+$0xFFFFFFD0];
	v1 =	vmax.f32 v1, $0.0e+00  }
0x1c6: {  	v7 =	vld [tilespmem:s7+$0xFFFFFFD0];
	[tilespmem:s14+$0xFFFFFFF0] =	vst v1  }
0x1c7: {  	v1 =	vmax.f32 v2, $0.0e+00;
	v0 =	vadd.f32 v0, v4;
	v8 =	vld [tilespmem:s16+$0x70];
	s16 =	smov.u32 s18  }
0x1c8: {  	[tilespmem:s15+$0xFFFFFF40] =	vst v1;
	v9 =	vld [tilespmem:s8+$0x70];
	s8 =	smov.u32 s7  }
0x1c9: {  	v2 =	vld [tilespmem:s18+$0xFFFFFF50];
	v1 =	vadd.f32 v3, v6;
	v0 =	vmax.f32 v0, $0.0e+00  }
.Ltmp1:
0x1ca: {  	v4 =	vld [tilespmem:s7+$0xFFFFFF50];
	[tilespmem:s15+$0xD0] =	vst v0;
	(pc) =	sbr.rel @p1 .LBB2_5-.Ltmp1, $4  }
0x1cb: {  	v0 =	vadd.f32 v7, v5;
	v3 =	vmax.f32 v1, $0.0e+00;
	v1 =	vld [tilespmem:s18+$0xE0]  }
0x1cc: {  	[tilespmem:s15+$0x40] =	vst v3;
	v3 =	vld [tilespmem:s7+$0xE0]  }
0x1cd: {  	v6 =	vmax.f32 v0, $0.0e+00;
	v5 =	vld [tilespmem:s18+$0x50];
	v0 =	vadd.f32 v9, v8  }
0x1ce: {  	s18 =	sadd.s32 $0x200, s18;
	[tilespmem:s15+$0xFFFFFFD0] =	vst v6;
	v6 =	vld [tilespmem:s7+$0x50]  }
0x1cf: {  	v2 =	vadd.f32 v4, v2;
	_ =	sdelay $0x1  }
0x1d0: {  	v2 =	vmax.f32 v2, $0.0e+00  }
0x1d1: {  	[tilespmem:s15+$0xFFFFFF50] =	vst v2  }
0x1d2: {  	v2 =	vadd.f32 v6, v5;
	v4 =	vld [tilespmem:s16+$0xFFFFFF60]  }
0x1d3: {  	v5 =	vld [tilespmem:s8+$0xFFFFFF60]  }
0x1d4: {  	v6 =	vld [tilespmem:s16+$0xFFFFFFE0];
	v2 =	vmax.f32 v2, $0.0e+00  }
0x1d5: {  	[tilespmem:s15+$0x50] =	vst v2;
	v2 =	vld [tilespmem:s8+$0xFFFFFFE0]  }
0x1d6: {  	v1 =	vadd.f32 v3, v1;
	v3 =	vld [tilespmem:s16+$0x60]  }
0x1d7: {  	v7 =	vld [tilespmem:s8+$0x60]  }
0x1d8: {  	v1 =	vmax.f32 v1, $0.0e+00;
	v4 =	vadd.f32 v5, v4  }
0x1d9: {  	[tilespmem:s15+$0xE0] =	vst v1  }
0x1da: {  	v1 =	vld [tilespmem:s16+$0xF0];
	v4 =	vmax.f32 v4, $0.0e+00;
	v2 =	vadd.f32 v2, v6  }
0x1db: {  	v5 =	vld [tilespmem:s8+$0xF0];
	[tilespmem:s15+$0xFFFFFF60] =	vst v4  }
0x1dc: {  	v3 =	vadd.f32 v7, v3;
	v4 =	vld [tilespmem:s16+$0xFFFFFF70];
	v2 =	vmax.f32 v2, $0.0e+00  }
0x1dd: {  	[tilespmem:s15+$0xFFFFFFE0] =	vst v2;
	v2 =	vld [tilespmem:s8+$0xFFFFFF70]  }
0x1de: {  	v3 =	vmax.f32 v3, $0.0e+00;
	v6 =	vld [tilespmem:s16+$0xFFFFFFF0]  }
0x1df: {  	[tilespmem:s15+$0x60] =	vst v3;
	v3 =	vld [tilespmem:s8+$0xFFFFFFF0]  }
0x1e0: {  	v7 =	vld [tilespmem:s16+$0x70]  }
0x1e1: {  	v8 =	vld [tilespmem:s8+$0x70];
	_ =	sdelay $0x1  }
0x1e2: {  	v1 =	vadd.f32 v5, v1  }
0x1e3: {  	v0 =	vmax.f32 v0, $0.0e+00;
	v2 =	vadd.f32 v2, v4  }
0x1e4: {  	[tilespmem:s14+$0x70] =	vst v0;
	v0 =	vmax.f32 v1, $0.0e+00;
	v1 =	vadd.f32 v3, v6  }
0x1e5: {  	[tilespmem:s15+$0xF0] =	vst v0;
	v0 =	vmax.f32 v2, $0.0e+00;
	v2 =	vadd.f32 v8, v7  }
0x1e6: {  	s7 =	sadd.s32 s13, s9;
	[tilespmem:s15+$0xFFFFFF70] =	vst v0;
	v0 =	vmax.f32 v1, $0.0e+00  }
0x1e7: {  	s7 =	sshll.u32 s7, $0x4;
	[tilespmem:s15+$0xFFFFFFF0] =	vst v0;
	v0 =	vmax.f32 v2, $0.0e+00  }
0x1e8: {  	s7 =	sadd.s32 s2, s7;
	[tilespmem:s15+$0x70] =	vst v0  }
0x1e9: {  	[hbm4b:s7+s3] =	stream.linear.scatter [tilespmem:s0], [sflag:$0x6], $0x2C00, $0x38;
	[tilespmem:$0x1DB00] =	vst v63  }
0x1ea: {  	s15 =	sadd.s32 $0x160, s13  }
0x1eb: {  	[tilespmem:s20], [sflag:$0x4] =	stream.indirect.gather [hbm4b:s5+s17], $0x80, s15, s17, $0xb8;
	[tilespmem:$0x1DB00] =	vst v63  }
0x1ec: {  	s16 =	sadd.s32 $0x28E0, s13  }
0x1ed: {  	[tilespmem:s22], [sflag:$0x5] =	stream.indirect.gather [hbm4b:s6+s17], $0x80, s16, s17, $0xb8;
	[tilespmem:$0x1DB00] =	vst v63  }
0x1ee: {  	_ =	swait.ge [sflag:s21], $0x2C00  }
0x1ef: {  	[sflag:s21] =	ssyncset.done $0x0  }
0x1f0: {  	[sflag:s21] =	ssyncadd.s32 $0xFFFFD400  }
0x1f1: {  	_ =	swait.ge [sflag:s23], $0x2C00  }
0x1f2: {  	[sflag:s23] =	ssyncset.done $0x0  }
0x1f3: {  	s7 =	simm.s32 @!p0 $0x9;
	[sflag:s23] =	ssyncadd.s32 $0xFFFFD400  }
0x1f4: {  	_ =	swait.ge @!p0 [sflag:s7], $0x2C00  }
0x1f5: {  	[sflag:s7] =	ssyncset.done @!p0 $0x0  }
0x1f6: {  	s11 =	simm.s32 $0x15800;
	[sflag:s7] =	ssyncadd.s32 @!p0 $0xFFFFD400  }
0x1f7: {  	s18 =	simm.s32 $0x18400;
	v0 =	vld [tilespmem:s11+$0x80]  }
0x1f8: {  	v1 =	vld [tilespmem:s18+$0x80];
	_ =	sdelay $0x4  }
0x1f9: {  	v2 =	vld [tilespmem:s11+$0xFFFFFF80];
	v0 =	vadd.f32 v1, v0  }
0x1fa: {  	v1 =	vld [tilespmem:s18+$0xFFFFFF80]  }
0x1fb: {  	s14 =	simm.s32 $0x1B000;
	v3 =	vld [tilespmem:s18+$0xFFFFFF00];
	v0 =	vmax.f32 v0, $0.0e+00  }
0x1fc: {  	v4 =	vld [tilespmem:s11+$0xFFFFFF00];
	[tilespmem:s14+$0x80] =	vst v0  }
0x1fd: {  	v0 =	vld [tilespmem:s11+$0x90]  }
0x1fe: {  	v5 =	vld [tilespmem:s18+$0x90]  }
0x1ff: {  	v6 =	vld [tilespmem:s11+$0x0];
	v1 =	vadd.f32 v1, v2  }
0x200: {  	v2 =	vld [tilespmem:s18+$0x0]  }
0x201: {  	v3 =	vadd.f32 v3, v4;
	v1 =	vmax.f32 v1, $0.0e+00  }
0x202: {  	[tilespmem:s14+$0xFFFFFF80] =	vst v1  }
0x203: {  	v3 =	vmax.f32 v3, $0.0e+00;
	v1 =	vld [tilespmem:s11+$0xFFFFFF90];
	v0 =	vadd.f32 v5, v0  }
0x204: {  	[tilespmem:s14+$0xFFFFFF00] =	vst v3;
	v4 =	vld [tilespmem:s18+$0xFFFFFF90]  }
0x205: {  	v3 =	vld [tilespmem:s11+$0xFFFFFF10];
	v2 =	vadd.f32 v2, v6;
	v0 =	vmax.f32 v0, $0.0e+00  }
0x206: {  	v5 =	vld [tilespmem:s18+$0xFFFFFF10];
	[tilespmem:s14+$0x90] =	vst v0  }
0x207: {  	v0 =	vmax.f32 v2, $0.0e+00;
	v2 =	vld [tilespmem:s11+$0xA0]  }
0x208: {  	[tilespmem:s14+$0x0] =	vst v0;
	v0 =	vld [tilespmem:s18+$0xA0]  }
0x209: {  	v6 =	vld [tilespmem:s11+$0x10];
	v1 =	vadd.f32 v4, v1  }
0x20a: {  	v4 =	vld [tilespmem:s18+$0x10]  }
0x20b: {  	v1 =	vmax.f32 v1, $0.0e+00  }
0x20c: {  	v3 =	vadd.f32 v5, v3;
	[tilespmem:s14+$0xFFFFFF90] =	vst v1  }
0x20d: {  	v1 =	vld [tilespmem:s11+$0xFFFFFFA0];
	v0 =	vadd.f32 v0, v2  }
0x20e: {  	v3 =	vmax.f32 v3, $0.0e+00;
	v2 =	vld [tilespmem:s18+$0xFFFFFFA0]  }
0x20f: {  	[tilespmem:s14+$0xFFFFFF10] =	vst v3;
	v3 =	vadd.f32 v4, v6;
	v0 =	vmax.f32 v0, $0.0e+00  }
0x210: {  	[tilespmem:s14+$0xA0] =	vst v0  }
0x211: {  	v0 =	vmax.f32 v3, $0.0e+00;
	v3 =	vld [tilespmem:s11+$0xB0]  }
0x212: {  	[tilespmem:s14+$0x10] =	vst v0;
	v0 =	vld [tilespmem:s18+$0xB0]  }
0x213: {  	v1 =	vadd.f32 v2, v1;
	v2 =	vld [tilespmem:s11+$0x20]  }
0x214: {  	v6 =	vld [tilespmem:s18+$0x20]  }
0x215: {  	v5 =	vld [tilespmem:s18+$0xFFFFFF20];
	v1 =	vmax.f32 v1, $0.0e+00  }
0x216: {  	v4 =	vld [tilespmem:s11+$0xFFFFFF20];
	[tilespmem:s14+$0xFFFFFFA0] =	vst v1  }
0x217: {  	v1 =	vld [tilespmem:s11+$0xFFFFFFB0];
	v0 =	vadd.f32 v0, v3  }
0x218: {  	v3 =	vld [tilespmem:s18+$0xFFFFFFB0]  }
0x219: {  	v2 =	vadd.f32 v6, v2;
	v0 =	vmax.f32 v0, $0.0e+00  }
0x21a: {  	[tilespmem:s14+$0xB0] =	vst v0  }
0x21b: {  	v4 =	vadd.f32 v5, v4;
	v0 =	vmax.f32 v2, $0.0e+00;
	v2 =	vld [tilespmem:s11+$0xC0]  }
0x21c: {  	[tilespmem:s14+$0x20] =	vst v0;
	v0 =	vld [tilespmem:s18+$0xC0]  }
0x21d: {  	v4 =	vmax.f32 v4, $0.0e+00;
	v1 =	vadd.f32 v3, v1;
	v3 =	vld [tilespmem:s11+$0x30]  }
0x21e: {  	[tilespmem:s14+$0xFFFFFF20] =	vst v4;
	v6 =	vld [tilespmem:s18+$0x30]  }
0x21f: {  	v4 =	vld [tilespmem:s11+$0xFFFFFF30];
	v1 =	vmax.f32 v1, $0.0e+00  }
0x220: {  	v5 =	vld [tilespmem:s18+$0xFFFFFF30];
	[tilespmem:s14+$0xFFFFFFB0] =	vst v1  }
0x221: {  	v1 =	vld [tilespmem:s11+$0xFFFFFFC0];
	v0 =	vadd.f32 v0, v2  }
0x222: {  	v2 =	vld [tilespmem:s18+$0xFFFFFFC0]  }
0x223: {  	s7 =	simm.s32 $0x18600;
	v3 =	vadd.f32 v6, v3;
	v0 =	vmax.f32 v0, $0.0e+00  }
0x224: {  	v10 =	vld [tilespmem:s7+$0xFFFFFF00];
	[tilespmem:s14+$0xC0] =	vst v0  }
0x225: {  	v0 =	vmax.f32 v3, $0.0e+00;
	v3 =	vld [tilespmem:s11+$0xD0]  }
0x226: {  	v4 =	vadd.f32 v5, v4;
	[tilespmem:s14+$0x30] =	vst v0;
	v0 =	vld [tilespmem:s18+$0xD0]  }
0x227: {  	v1 =	vadd.f32 v2, v1;
	v2 =	vld [tilespmem:s11+$0x40]  }
0x228: {  	s16 =	simm.s32 $0x15A00;
	v4 =	vmax.f32 v4, $0.0e+00;
	v6 =	vld [tilespmem:s18+$0x40]  }
0x229: {  	v53 =	vld [tilespmem:s16+$0xFFFFFF00];
	[tilespmem:s14+$0xFFFFFF30] =	vst v4  }
0x22a: {  	v4 =	vld [tilespmem:s11+$0xFFFFFF40]  }
0x22b: {  	v5 =	vld [tilespmem:s18+$0xFFFFFF40];
	v0 =	vadd.f32 v0, v3  }
0x22c: {  	v8 =	vld [tilespmem:s16+$0x80]  }
0x22d: {  	v9 =	vld [tilespmem:s7+$0x80];
	v2 =	vadd.f32 v6, v2;
	v0 =	vmax.f32 v0, $0.0e+00  }
0x22e: {  	v11 =	vld [tilespmem:s7+$0xFFFFFF80];
	v10 =	vadd.f32 v10, v53;
	[tilespmem:s14+$0xD0] =	vst v0  }
0x22f: {  	v0 =	vmax.f32 v2, $0.0e+00;
	v2 =	vld [tilespmem:s11+$0xE0]  }
0x230: {  	s15 =	simm.s32 $0x1B200;
	v10 =	vmax.f32 v10, $0.0e+00;
	v4 =	vadd.f32 v5, v4;
	[tilespmem:s14+$0x40] =	vst v0;
	v0 =	vld [tilespmem:s18+$0xE0]  }
0x231: {  	v12 =	vld [tilespmem:s16+$0x0];
	[tilespmem:s15+$0xFFFFFF00] =	vst v10;
	v1 =	vmax.f32 v1, $0.0e+00  }
0x232: {  	v10 =	vld [tilespmem:s16+$0xFFFFFF10];
	[tilespmem:s14+$0xFFFFFFC0] =	vst v1;
	v4 =	vmax.f32 v4, $0.0e+00  }
0x233: {  	v1 =	vld [tilespmem:s11+$0xFFFFFFD0];
	[tilespmem:s14+$0xFFFFFF40] =	vst v4  }
0x234: {  	v4 =	vld [tilespmem:s11+$0xFFFFFF50]  }
0x235: {  	v5 =	vld [tilespmem:s18+$0xFFFFFF50];
	v0 =	vadd.f32 v0, v2  }
0x236: {  	v2 =	vld [tilespmem:s16+$0xFFFFFF80]  }
0x237: {  	v3 =	vld [tilespmem:s18+$0xFFFFFFD0];
	v0 =	vmax.f32 v0, $0.0e+00  }
0x238: {  	v6 =	vld [tilespmem:s11+$0x50];
	[tilespmem:s14+$0xE0] =	vst v0;
	v0 =	vadd.f32 v9, v8  }
0x239: {  	v7 =	vld [tilespmem:s18+$0x50]  }
0x23a: {  	v4 =	vadd.f32 v5, v4;
	v5 =	vld [tilespmem:s7+$0x0];
	v0 =	vmax.f32 v0, $0.0e+00  }
0x23b: {  	v55 =	vld [tilespmem:s7+$0xFFFFFF10];
	v2 =	vadd.f32 v11, v2;
	[tilespmem:s15+$0x80] =	vst v0  }
0x23c: {  	v0 =	vmax.f32 v4, $0.0e+00;
	v4 =	vld [tilespmem:s16+$0x90]  }
0x23d: {  	v1 =	vadd.f32 v3, v1;
	[tilespmem:s14+$0xFFFFFF50] =	vst v0;
	v0 =	vmax.f32 v2, $0.0e+00;
	v2 =	vld [tilespmem:s7+$0x90]  }
0x23e: {  	v6 =	vadd.f32 v7, v6;
	v8 =	vld [tilespmem:s11+$0xF0]  }
0x23f: {  	v1 =	vmax.f32 v1, $0.0e+00;
	v5 =	vadd.f32 v5, v12;
	v52 =	vld [tilespmem:s18+$0xF0];
	[tilespmem:s15+$0xFFFFFF80] =	vst v0  }
0x240: {  	[tilespmem:s14+$0xFFFFFFD0] =	vst v1;
	v6 =	vmax.f32 v6, $0.0e+00;
	v3 =	vld [tilespmem:s16+$0xFFFFFF90]  }
0x241: {  	v1 =	vmax.f32 v5, $0.0e+00;
	[tilespmem:s14+$0x50] =	vst v6;
	v54 =	vld [tilespmem:s7+$0xFFFFFF90]  }
0x242: {  	v6 =	vld [tilespmem:s18+$0xFFFFFFE0];
	[tilespmem:s15+$0x0] =	vst v1;
	v1 =	vadd.f32 v2, v4  }
0x243: {  	v58 =	vld [tilespmem:s11+$0x60]  }
0x244: {  	v59 =	vld [tilespmem:s18+$0x60];
	v1 =	vmax.f32 v1, $0.0e+00  }
0x245: {  	v0 =	vld [tilespmem:s11+$0xFFFFFF60];
	[tilespmem:s15+$0x90] =	vst v1  }
0x246: {  	v3 =	vadd.f32 v54, v3;
	v1 =	vld [tilespmem:s16+$0xA0]  }
0x247: {  	v56 =	vld [tilespmem:s7+$0xA0]  }
0x248: {  	v4 =	vld [tilespmem:s16+$0x10];
	v3 =	vmax.f32 v3, $0.0e+00  }
0x249: {  	[tilespmem:s15+$0xFFFFFF90] =	vst v3;
	v3 =	vld [tilespmem:s7+$0x10]  }
0x24a: {  	v10 =	vadd.f32 v55, v10;
	v7 =	vld [tilespmem:s16+$0xFFFFFFA0]  }
0x24b: {  	v57 =	vld [tilespmem:s7+$0xFFFFFFA0]  }
0x24c: {  	v10 =	vmax.f32 v10, $0.0e+00;
	v5 =	vld [tilespmem:s18+$0xFFFFFF60];
	v1 =	vadd.f32 v56, v1  }
0x24d: {  	[tilespmem:s15+$0xFFFFFF10] =	vst v10;
	v2 =	vld [tilespmem:s11+$0xFFFFFFE0]  }
0x24e: {  	v3 =	vadd.f32 v3, v4;
	v4 =	vld [tilespmem:s16+$0xFFFFFF20];
	v1 =	vmax.f32 v1, $0.0e+00  }
0x24f: {  	[tilespmem:s15+$0xA0] =	vst v1;
	v1 =	vld [tilespmem:s7+$0xFFFFFF20]  }
0x250: {  	v7 =	vadd.f32 v57, v7;
	v3 =	vmax.f32 v3, $0.0e+00;
	v60 =	vld [tilespmem:s16+$0xB0]  }
0x251: {  	v0 =	vadd.f32 v5, v0;
	[tilespmem:s15+$0x10] =	vst v3;
	v3 =	vld [tilespmem:s7+$0xB0]  }
0x252: {  	v5 =	vmax.f32 v7, $0.0e+00;
	v7 =	vld [tilespmem:s16+$0x20]  }
0x253: {  	v0 =	vmax.f32 v0, $0.0e+00;
	[tilespmem:s15+$0xFFFFFFA0] =	vst v5;
	v5 =	vld [tilespmem:s7+$0x20]  }
0x254: {  	[tilespmem:s14+$0xFFFFFF60] =	vst v0;
	v0 =	vld [tilespmem:s7+$0xFFFFFFB0];
	v1 =	vadd.f32 v1, v4  }
0x255: {  	v4 =	vld [tilespmem:s16+$0xFFFFFFB0]  }
0x256: {  	v61 =	vld [tilespmem:s11+$0xFFFFFF70];
	v3 =	vadd.f32 v3, v60;
	v1 =	vmax.f32 v1, $0.0e+00  }
0x257: {  	[tilespmem:s15+$0xFFFFFF20] =	vst v1;
	v1 =	vld [tilespmem:s18+$0xFFFFFF70]  }
0x258: {  	v5 =	vadd.f32 v5, v7;
	v3 =	vmax.f32 v3, $0.0e+00;
	v7 =	vld [tilespmem:s16+$0xFFFFFF30]  }
0x259: {  	[tilespmem:s15+$0xB0] =	vst v3;
	v3 =	vld [tilespmem:s7+$0xFFFFFF30]  }
0x25a: {  	v0 =	vadd.f32 v0, v4;
	v4 =	vmax.f32 v5, $0.0e+00;
	v5 =	vld [tilespmem:s16+$0xC0]  }
0x25b: {  	[tilespmem:s15+$0x20] =	vst v4;
	v4 =	vld [tilespmem:s7+$0xC0]  }
0x25c: {  	v2 =	vadd.f32 v6, v2;
	v0 =	vmax.f32 v0, $0.0e+00;
	v6 =	vld [tilespmem:s16+$0x30]  }
0x25d: {  	[tilespmem:s15+$0xFFFFFFB0] =	vst v0;
	v0 =	vld [tilespmem:s7+$0x30]  }
0x25e: {  	v2 =	vmax.f32 v2, $0.0e+00;
	v3 =	vadd.f32 v3, v7;
	v7 =	vld [tilespmem:s16+$0xFFFFFFC0]  }
0x25f: {  	[tilespmem:s14+$0xFFFFFFE0] =	vst v2;
	v2 =	vld [tilespmem:s7+$0xFFFFFFC0]  }
0x260: {  	v3 =	vmax.f32 v3, $0.0e+00;
	v4 =	vadd.f32 v4, v5;
	v5 =	vld [tilespmem:s11+$0xFFFFFFF0]  }
0x261: {  	[tilespmem:s15+$0xFFFFFF30] =	vst v3;
	v3 =	vld [tilespmem:s18+$0xFFFFFFF0]  }
0x262: {  	v0 =	vadd.f32 v0, v6;
	v6 =	vld [tilespmem:s16+$0xFFFFFF40];
	v4 =	vmax.f32 v4, $0.0e+00  }
0x263: {  	[tilespmem:s15+$0xC0] =	vst v4;
	v4 =	vld [tilespmem:s7+$0xFFFFFF40]  }
0x264: {  	v2 =	vadd.f32 v2, v7;
	v0 =	vmax.f32 v0, $0.0e+00;
	v7 =	vld [tilespmem:s16+$0xD0]  }
0x265: {  	[tilespmem:s15+$0x30] =	vst v0;
	v0 =	vld [tilespmem:s7+$0xD0]  }
0x266: {  	v10 =	vadd.f32 v59, v58;
	v2 =	vmax.f32 v2, $0.0e+00;
	v62 =	vld [tilespmem:s16+$0x40]  }
0x267: {  	[tilespmem:s15+$0xFFFFFFC0] =	vst v2;
	v2 =	vld [tilespmem:s7+$0x40]  }
0x268: {  	v10 =	vmax.f32 v10, $0.0e+00;
	v63 =	vld [tilespmem:s7+$0xFFFFFFD0];
	v4 =	vadd.f32 v4, v6  }
0x269: {  	v8 =	vadd.f32 v52, v8;
	[tilespmem:s14+$0x60] =	vst v10;
	v6 =	vld [tilespmem:s16+$0xFFFFFFD0]  }
0x26a: {  	v10 =	vld [tilespmem:s18+$0x70];
	v4 =	vmax.f32 v4, $0.0e+00;
	v0 =	vadd.f32 v0, v7  }
0x26b: {  	v8 =	vmax.f32 v8, $0.0e+00;
	v1 =	vadd.f32 v1, v61;
	v7 =	vld [tilespmem:s11+$0x70];
	[tilespmem:s15+$0xFFFFFF40] =	vst v4  }
0x26c: {  	[tilespmem:s14+$0xF0] =	vst v8;
	v8 =	vadd.f32 v2, v62;
	v2 =	vld [tilespmem:s16+$0xFFFFFF50];
	v0 =	vmax.f32 v0, $0.0e+00  }
0x26d: {  	v1 =	vmax.f32 v1, $0.0e+00;
	v3 =	vadd.f32 v3, v5;
	v4 =	vld [tilespmem:s7+$0xFFFFFF50];
	[tilespmem:s15+$0xD0] =	vst v0  }
0x26e: {  	[tilespmem:s14+$0xFFFFFF70] =	vst v1;
	v0 =	vadd.f32 v63, v6;
	v5 =	vmax.f32 v8, $0.0e+00;
	v1 =	vld [tilespmem:s16+$0xE0]  }
0x26f: {  	v6 =	vmax.f32 v3, $0.0e+00;
	[tilespmem:s15+$0x40] =	vst v5;
	v3 =	vld [tilespmem:s7+$0xE0]  }
0x270: {  	[tilespmem:s14+$0xFFFFFFF0] =	vst v6;
	v6 =	vmax.f32 v0, $0.0e+00;
	v5 =	vld [tilespmem:s16+$0x50];
	v0 =	vadd.f32 v10, v7  }
0x271: {  	s8 =	simm.s32 $0x18600;
	s18 =	simm.s32 $0x15C00;
	s11 =	simm.s32 $0x4;
	[tilespmem:s15+$0xFFFFFFD0] =	vst v6;
	v6 =	vld [tilespmem:s7+$0x50]  }
.LBB2_7:
0x272: {  	v7 =	vld [tilespmem:s18+$0x80];
	v2 =	vadd.f32 v4, v2;
	s7 =	sadd.s32 $0x200, s7;
	v0 =	vmax.f32 v0, $0.0e+00  }
0x273: {  	v4 =	vld [tilespmem:s7+$0x80];
	[tilespmem:s14+$0x70] =	vst v0;
	s14 =	smov.u32 s15  }
0x274: {  	v0 =	vld [tilespmem:s7+$0xFFFFFF00];
	v2 =	vmax.f32 v2, $0.0e+00;
	v1 =	vadd.f32 v3, v1  }
0x275: {  	v3 =	vld [tilespmem:s18+$0xFFFFFF80];
	[tilespmem:s15+$0xFFFFFF50] =	vst v2  }
0x276: {  	v2 =	vld [tilespmem:s7+$0xFFFFFF80];
	v5 =	vadd.f32 v6, v5;
	v1 =	vmax.f32 v1, $0.0e+00  }
0x277: {  	v6 =	vld [tilespmem:s18+$0x0];
	[tilespmem:s15+$0xE0] =	vst v1  }
0x278: {  	v1 =	vadd.f32 v4, v7;
	v4 =	vmax.f32 v5, $0.0e+00;
	v5 =	vld [tilespmem:s16+$0xF0]  }
0x279: {  	[tilespmem:s15+$0x50] =	vst v4;
	v4 =	vld [tilespmem:s8+$0xF0]  }
0x27a: {  	s11 =	sadd.s32 $0x4, s11;
	s15 =	sadd.s32 $0x200, s15;
	v7 =	vld [tilespmem:s7+$0x0];
	v1 =	vmax.f32 v1, $0.0e+00  }
0x27b: {  	p0 =	slt.u32 s11, $0x54;
	v8 =	vld [tilespmem:s18+$0xFFFFFF00];
	v2 =	vadd.f32 v2, v3;
	[tilespmem:s15+$0x80] =	vst v1  }
0x27c: {  	v1 =	vld [tilespmem:s18+$0x90]  }
0x27d: {  	v2 =	vmax.f32 v2, $0.0e+00;
	v3 =	vld [tilespmem:s7+$0x90]  }
0x27e: {  	[tilespmem:s15+$0xFFFFFF80] =	vst v2;
	v2 =	vld [tilespmem:s16+$0xFFFFFF60];
	v4 =	vadd.f32 v4, v5  }
0x27f: {  	v5 =	vld [tilespmem:s18+$0xFFFFFF90];
	v6 =	vadd.f32 v7, v6  }
0x280: {  	v0 =	vadd.f32 v0, v8;
	v7 =	vld [tilespmem:s7+$0xFFFFFF90];
	v4 =	vmax.f32 v4, $0.0e+00  }
0x281: {  	v6 =	vmax.f32 v6, $0.0e+00;
	v8 =	vld [tilespmem:s8+$0xFFFFFF60];
	[tilespmem:s14+$0xF0] =	vst v4  }
0x282: {  	v0 =	vmax.f32 v0, $0.0e+00;
	[tilespmem:s15+$0x0] =	vst v6;
	v1 =	vadd.f32 v3, v1;
	v3 =	vld [tilespmem:s16+$0xFFFFFFE0]  }
0x283: {  	[tilespmem:s15+$0xFFFFFF00] =	vst v0;
	v0 =	vld [tilespmem:s18+$0x10]  }
0x284: {  	v4 =	vld [tilespmem:s18+$0xFFFFFF10];
	v1 =	vmax.f32 v1, $0.0e+00  }
0x285: {  	v6 =	vld [tilespmem:s7+$0xFFFFFF10];
	v5 =	vadd.f32 v7, v5;
	[tilespmem:s15+$0x90] =	vst v1  }
0x286: {  	v1 =	vld [tilespmem:s18+$0xA0];
	v2 =	vadd.f32 v8, v2  }
0x287: {  	v5 =	vmax.f32 v5, $0.0e+00;
	v7 =	vld [tilespmem:s7+$0xA0]  }
0x288: {  	[tilespmem:s15+$0xFFFFFF90] =	vst v5;
	v5 =	vld [tilespmem:s7+$0x10];
	v2 =	vmax.f32 v2, $0.0e+00  }
0x289: {  	v8 =	vld [tilespmem:s18+$0xFFFFFFA0];
	[tilespmem:s14+$0xFFFFFF60] =	vst v2  }
0x28a: {  	v2 =	vadd.f32 v6, v4;
	v4 =	vld [tilespmem:s7+$0xFFFFFFA0]  }
0x28b: {  	v6 =	vld [tilespmem:s8+$0xFFFFFFE0]  }
0x28c: {  	v2 =	vmax.f32 v2, $0.0e+00;
	v1 =	vadd.f32 v7, v1;
	v7 =	vld [tilespmem:s16+$0x60]  }
0x28d: {  	[tilespmem:s15+$0xFFFFFF10] =	vst v2;
	v0 =	vadd.f32 v5, v0;
	v2 =	vld [tilespmem:s8+$0x60]  }
0x28e: {  	v5 =	vld [tilespmem:s18+$0xFFFFFF20];
	v1 =	vmax.f32 v1, $0.0e+00  }
0x28f: {  	v9 =	vld [tilespmem:s7+$0xFFFFFF20];
	v4 =	vadd.f32 v4, v8;
	v0 =	vmax.f32 v0, $0.0e+00;
	[tilespmem:s15+$0xA0] =	vst v1  }
0x290: {  	[tilespmem:s15+$0x10] =	vst v0;
	v0 =	vld [tilespmem:s18+$0xB0];
	v1 =	vadd.f32 v6, v3  }
0x291: {  	v3 =	vmax.f32 v4, $0.0e+00;
	v4 =	vld [tilespmem:s7+$0xB0]  }
0x292: {  	[tilespmem:s15+$0xFFFFFFA0] =	vst v3;
	v3 =	vld [tilespmem:s18+$0x20];
	v1 =	vmax.f32 v1, $0.0e+00;
	v2 =	vadd.f32 v2, v7  }
0x293: {  	v6 =	vld [tilespmem:s7+$0x20];
	[tilespmem:s14+$0xFFFFFFE0] =	vst v1  }
0x294: {  	v1 =	vadd.f32 v9, v5;
	v5 =	vld [tilespmem:s18+$0xFFFFFFB0];
	v2 =	vmax.f32 v2, $0.0e+00  }
0x295: {  	v7 =	vld [tilespmem:s7+$0xFFFFFFB0];
	[tilespmem:s14+$0x60] =	vst v2  }
0x296: {  	v1 =	vmax.f32 v1, $0.0e+00;
	v0 =	vadd.f32 v4, v0;
	v2 =	vld [tilespmem:s16+$0xFFFFFF70]  }
0x297: {  	[tilespmem:s15+$0xFFFFFF20] =	vst v1;
	v1 =	vld [tilespmem:s8+$0xFFFFFF70]  }
0x298: {  	v4 =	vld [tilespmem:s18+$0xFFFFFF30];
	v3 =	vadd.f32 v6, v3;
	v0 =	vmax.f32 v0, $0.0e+00  }
0x299: {  	v6 =	vld [tilespmem:s7+$0xFFFFFF30];
	[tilespmem:s15+$0xB0] =	vst v0  }
0x29a: {  	v0 =	vadd.f32 v7, v5;
	v3 =	vmax.f32 v3, $0.0e+00;
	v5 =	vld [tilespmem:s18+$0xC0]  }
0x29b: {  	[tilespmem:s15+$0x20] =	vst v3;
	v3 =	vld [tilespmem:s7+$0xC0]  }
0x29c: {  	v0 =	vmax.f32 v0, $0.0e+00;
	v7 =	vld [tilespmem:s18+$0x30];
	v1 =	vadd.f32 v1, v2  }
0x29d: {  	[tilespmem:s15+$0xFFFFFFB0] =	vst v0;
	v0 =	vld [tilespmem:s7+$0x30]  }
0x29e: {  	v2 =	vadd.f32 v6, v4;
	v4 =	vld [tilespmem:s18+$0xFFFFFFC0];
	v1 =	vmax.f32 v1, $0.0e+00  }
0x29f: {  	v6 =	vld [tilespmem:s7+$0xFFFFFFC0];
	[tilespmem:s14+$0xFFFFFF70] =	vst v1  }
0x2a0: {  	v1 =	vmax.f32 v2, $0.0e+00;
	v2 =	vadd.f32 v3, v5;
	v3 =	vld [tilespmem:s16+$0xFFFFFFF0]  }
0x2a1: {  	[tilespmem:s15+$0xFFFFFF30] =	vst v1;
	v1 =	vld [tilespmem:s8+$0xFFFFFFF0]  }
0x2a2: {  	v5 =	vld [tilespmem:s18+$0xFFFFFF40];
	v0 =	vadd.f32 v0, v7;
	v2 =	vmax.f32 v2, $0.0e+00  }
0x2a3: {  	v7 =	vld [tilespmem:s7+$0xFFFFFF40];
	[tilespmem:s15+$0xC0] =	vst v2  }
0x2a4: {  	v2 =	vadd.f32 v6, v4;
	v0 =	vmax.f32 v0, $0.0e+00;
	v4 =	vld [tilespmem:s18+$0xD0]  }
0x2a5: {  	[tilespmem:s15+$0x30] =	vst v0;
	v0 =	vld [tilespmem:s7+$0xD0]  }
0x2a6: {  	v2 =	vmax.f32 v2, $0.0e+00;
	v6 =	vld [tilespmem:s18+$0x40];
	v1 =	vadd.f32 v1, v3  }
0x2a7: {  	[tilespmem:s15+$0xFFFFFFC0] =	vst v2;
	v3 =	vld [tilespmem:s7+$0x40]  }
0x2a8: {  	v2 =	vadd.f32 v7, v5;
	v5 =	vld [tilespmem:s18+$0xFFFFFFD0];
	v1 =	vmax.f32 v1, $0.0e+00  }
0x2a9: {  	v7 =	vld [tilespmem:s7+$0xFFFFFFD0];
	[tilespmem:s14+$0xFFFFFFF0] =	vst v1  }
0x2aa: {  	v1 =	vmax.f32 v2, $0.0e+00;
	v0 =	vadd.f32 v0, v4;
	v8 =	vld [tilespmem:s16+$0x70];
	s16 =	smov.u32 s18  }
0x2ab: {  	[tilespmem:s15+$0xFFFFFF40] =	vst v1;
	v9 =	vld [tilespmem:s8+$0x70];
	s8 =	smov.u32 s7  }
0x2ac: {  	v2 =	vld [tilespmem:s18+$0xFFFFFF50];
	v1 =	vadd.f32 v3, v6;
	v0 =	vmax.f32 v0, $0.0e+00  }
.Ltmp2:
0x2ad: {  	v4 =	vld [tilespmem:s7+$0xFFFFFF50];
	[tilespmem:s15+$0xD0] =	vst v0;
	(pc) =	sbr.rel @p0 .LBB2_7-.Ltmp2, $4  }
0x2ae: {  	v0 =	vadd.f32 v7, v5;
	v3 =	vmax.f32 v1, $0.0e+00;
	v1 =	vld [tilespmem:s18+$0xE0]  }
0x2af: {  	[tilespmem:s15+$0x40] =	vst v3;
	v3 =	vld [tilespmem:s7+$0xE0]  }
0x2b0: {  	v6 =	vmax.f32 v0, $0.0e+00;
	v5 =	vld [tilespmem:s18+$0x50];
	v0 =	vadd.f32 v9, v8  }
0x2b1: {  	s18 =	sadd.s32 $0x200, s18;
	[tilespmem:s15+$0xFFFFFFD0] =	vst v6;
	v6 =	vld [tilespmem:s7+$0x50]  }
0x2b2: {  	_ =	sdelay $0x1  }
0x2b3: {  	v2 =	vadd.f32 v4, v2;
	_ =	sdelay $0x1  }
0x2b4: {  	v50 =	vld [tilespmem:s16+$0xFFFFFFE0];
	v2 =	vmax.f32 v2, $0.0e+00;
	v47 =	vadd.f32 v6, v5  }
0x2b5: {  	v51 =	vld [tilespmem:s8+$0xFFFFFFE0];
	[tilespmem:s15+$0xFFFFFF50] =	vst v2  }
0x2b6: {  	v48 =	vld [tilespmem:s16+$0xFFFFFF60];
	v2 =	vmax.f32 v47, $0.0e+00  }
0x2b7: {  	v49 =	vld [tilespmem:s8+$0xFFFFFF60];
	[tilespmem:s15+$0x50] =	vst v2  }
0x2b8: {  	v1 =	vadd.f32 v3, v1;
	v52 =	vld [tilespmem:s16+$0x60]  }
0x2b9: {  	v7 =	vld [tilespmem:s8+$0x60]  }
0x2ba: {  	v1 =	vmax.f32 v1, $0.0e+00;
	v2 =	vadd.f32 v51, v50  }
0x2bb: {  	[tilespmem:s15+$0xE0] =	vst v1  }
0x2bc: {  	v1 =	vld [tilespmem:s16+$0xF0];
	v4 =	vadd.f32 v49, v48;
	v2 =	vmax.f32 v2, $0.0e+00  }
0x2bd: {  	v53 =	vld [tilespmem:s8+$0xF0];
	[tilespmem:s15+$0xFFFFFFE0] =	vst v2  }
0x2be: {  	v4 =	vmax.f32 v4, $0.0e+00;
	v55 =	vld [tilespmem:s16+$0xFFFFFFF0];
	v3 =	vadd.f32 v7, v52  }
0x2bf: {  	v56 =	vld [tilespmem:s8+$0xFFFFFFF0];
	[tilespmem:s15+$0xFFFFFF60] =	vst v4  }
0x2c0: {  	v4 =	vld [tilespmem:s16+$0xFFFFFF70];
	v3 =	vmax.f32 v3, $0.0e+00  }
0x2c1: {  	v54 =	vld [tilespmem:s8+$0xFFFFFF70];
	[tilespmem:s15+$0x60] =	vst v3  }
0x2c2: {  	v57 =	vld [tilespmem:s16+$0x70]  }
0x2c3: {  	v8 =	vld [tilespmem:s8+$0x70];
	_ =	sdelay $0x1  }
0x2c4: {  	v1 =	vadd.f32 v53, v1  }
0x2c5: {  	v0 =	vmax.f32 v0, $0.0e+00;
	v59 =	vadd.f32 v56, v55  }
0x2c6: {  	p0 =	seq.s32 s12, $0x24;
	[tilespmem:s14+$0x70] =	vst v0;
	v58 =	vmax.f32 v1, $0.0e+00;
	v2 =	vadd.f32 v54, v4  }
.Ltmp3:
0x2c7: {  	[tilespmem:s15+$0xF0] =	vst v58;
	v62 =	vmax.f32 v59, $0.0e+00;
	v61 =	vadd.f32 v8, v57;
	(pc) =	sbr.rel @p0 .LBB2_10-.Ltmp3, $4  }
0x2c8: {  	s7 =	sadd.s32 s13, s10;
	[tilespmem:s15+$0xFFFFFFF0] =	vst v62;
	v60 =	vmax.f32 v2, $0.0e+00  }
0x2c9: {  	s7 =	sshll.u32 s7, $0x4;
	[tilespmem:s15+$0xFFFFFF70] =	vst v60;
	v63 =	vmax.f32 v61, $0.0e+00  }
0x2ca: {  	s7 =	sadd.s32 s2, s7;
	[tilespmem:s15+$0x70] =	vst v63  }
0x2cb: {  	[hbm4b:s7+s3] =	stream.linear.scatter [tilespmem:s25], [sflag:$0x9], $0x2C00, $0x38;
	[tilespmem:$0x1DB00] =	vst v63  }
.Ltmp4:
0x2cc: {  	(pc) =	sbr.rel .LBB2_2-.Ltmp4, $4  }
0x2cd: {  	s7 =	sadd.s32 $0x1B8, s13  }
0x2ce: {  	[tilespmem:s24], [sflag:$0x7] =	stream.indirect.gather [hbm4b:s5+s17], $0x80, s7, s17, $0xb8;
	[tilespmem:$0x1DB00] =	vst v63  }
0x2cf: {  	s18 =	sadd.s32 $0x2938, s13;
	s12 =	sadd.s32 $0x1, s12  }
0x2d0: {  	[tilespmem:s26], [sflag:$0x8] =	stream.indirect.gather [hbm4b:s6+s17], $0x80, s18, s17, $0xb8;
	[tilespmem:$0x1DB00] =	vst v63  }
.LBB2_10:
0x2d1: {  	s7 =	simm.s32 $0x38;
	s8 =	simm.s32 $0x26D8  }
0x2d2: {  	[tilespmem:s24], [sflag:$0x7] =	stream.indirect.gather [hbm4b:s5+s7], $0x80, s8, s7, $0xb8;
	[tilespmem:$0x1DB00] =	vst v63  }
0x2d3: {  	s16 =	simm.s32 $0x4E58  }
0x2d4: {  	[tilespmem:s26], [sflag:$0x8] =	stream.indirect.gather [hbm4b:s6+s7], $0x80, s16, s7, $0xb8;
	[tilespmem:$0x1DB00] =	vst v63  }
0x2d5: {  	_ =	swait.ge [sflag:s28], $0x2C00  }
0x2d6: {  	[sflag:s28] =	ssyncset.done $0x0  }
0x2d7: {  	[sflag:s28] =	ssyncadd.s32 $0xFFFFD400  }
0x2d8: {  	_ =	swait.ge [sflag:s29], $0x2C00  }
0x2d9: {  	[sflag:s29] =	ssyncset.done $0x0  }
0x2da: {  	s16 =	simm.s32 $0x3;
	[sflag:s29] =	ssyncadd.s32 $0xFFFFD400  }
0x2db: {  	_ =	swait.ge [sflag:s16], $0x2C00  }
0x2dc: {  	[sflag:s16] =	ssyncset.done $0x0  }
0x2dd: {  	s11 =	simm.s32 $0x5000;
	[sflag:s16] =	ssyncadd.s32 $0xFFFFD400  }
0x2de: {  	s18 =	simm.s32 $0x7C00;
	v0 =	vld [tilespmem:s11+$0x80]  }
0x2df: {  	v1 =	vld [tilespmem:s18+$0x80];
	_ =	sdelay $0x4  }
0x2e0: {  	v2 =	vld [tilespmem:s11+$0xFFFFFF80];
	v0 =	vadd.f32 v1, v0  }
0x2e1: {  	v1 =	vld [tilespmem:s18+$0xFFFFFF80]  }
0x2e2: {  	s12 =	simm.s32 $0xA800;
	v3 =	vld [tilespmem:s18+$0xFFFFFF00];
	v0 =	vmax.f32 v0, $0.0e+00  }
0x2e3: {  	v4 =	vld [tilespmem:s11+$0xFFFFFF00];
	[tilespmem:s12+$0x80] =	vst v0  }
0x2e4: {  	v0 =	vld [tilespmem:s11+$0x90]  }
0x2e5: {  	v5 =	vld [tilespmem:s18+$0x90]  }
0x2e6: {  	v6 =	vld [tilespmem:s11+$0x0];
	v1 =	vadd.f32 v1, v2  }
0x2e7: {  	v2 =	vld [tilespmem:s18+$0x0]  }
0x2e8: {  	v3 =	vadd.f32 v3, v4;
	v1 =	vmax.f32 v1, $0.0e+00  }
0x2e9: {  	[tilespmem:s12+$0xFFFFFF80] =	vst v1  }
0x2ea: {  	v3 =	vmax.f32 v3, $0.0e+00;
	v1 =	vld [tilespmem:s11+$0xFFFFFF90];
	v0 =	vadd.f32 v5, v0  }
0x2eb: {  	[tilespmem:s12+$0xFFFFFF00] =	vst v3;
	v4 =	vld [tilespmem:s18+$0xFFFFFF90]  }
0x2ec: {  	v3 =	vld [tilespmem:s11+$0xFFFFFF10];
	v2 =	vadd.f32 v2, v6;
	v0 =	vmax.f32 v0, $0.0e+00  }
0x2ed: {  	v5 =	vld [tilespmem:s18+$0xFFFFFF10];
	[tilespmem:s12+$0x90] =	vst v0  }
0x2ee: {  	v0 =	vmax.f32 v2, $0.0e+00;
	v2 =	vld [tilespmem:s11+$0xA0]  }
0x2ef: {  	[tilespmem:s12+$0x0] =	vst v0;
	v0 =	vld [tilespmem:s18+$0xA0]  }
0x2f0: {  	v6 =	vld [tilespmem:s11+$0x10];
	v1 =	vadd.f32 v4, v1  }
0x2f1: {  	v4 =	vld [tilespmem:s18+$0x10]  }
0x2f2: {  	v1 =	vmax.f32 v1, $0.0e+00  }
0x2f3: {  	v3 =	vadd.f32 v5, v3;
	[tilespmem:s12+$0xFFFFFF90] =	vst v1  }
0x2f4: {  	v1 =	vld [tilespmem:s11+$0xFFFFFFA0];
	v0 =	vadd.f32 v0, v2  }
0x2f5: {  	v3 =	vmax.f32 v3, $0.0e+00;
	v2 =	vld [tilespmem:s18+$0xFFFFFFA0]  }
0x2f6: {  	[tilespmem:s12+$0xFFFFFF10] =	vst v3;
	v3 =	vadd.f32 v4, v6;
	v0 =	vmax.f32 v0, $0.0e+00  }
0x2f7: {  	[tilespmem:s12+$0xA0] =	vst v0  }
0x2f8: {  	v0 =	vmax.f32 v3, $0.0e+00;
	v3 =	vld [tilespmem:s11+$0xB0]  }
0x2f9: {  	[tilespmem:s12+$0x10] =	vst v0;
	v0 =	vld [tilespmem:s18+$0xB0]  }
0x2fa: {  	v1 =	vadd.f32 v2, v1;
	v2 =	vld [tilespmem:s11+$0x20]  }
0x2fb: {  	v6 =	vld [tilespmem:s18+$0x20]  }
0x2fc: {  	v5 =	vld [tilespmem:s18+$0xFFFFFF20];
	v1 =	vmax.f32 v1, $0.0e+00  }
0x2fd: {  	v4 =	vld [tilespmem:s11+$0xFFFFFF20];
	[tilespmem:s12+$0xFFFFFFA0] =	vst v1  }
0x2fe: {  	v1 =	vld [tilespmem:s11+$0xFFFFFFB0];
	v0 =	vadd.f32 v0, v3  }
0x2ff: {  	v3 =	vld [tilespmem:s18+$0xFFFFFFB0]  }
0x300: {  	v2 =	vadd.f32 v6, v2;
	v0 =	vmax.f32 v0, $0.0e+00  }
0x301: {  	[tilespmem:s12+$0xB0] =	vst v0  }
0x302: {  	v4 =	vadd.f32 v5, v4;
	v0 =	vmax.f32 v2, $0.0e+00;
	v2 =	vld [tilespmem:s11+$0xC0]  }
0x303: {  	[tilespmem:s12+$0x20] =	vst v0;
	v0 =	vld [tilespmem:s18+$0xC0]  }
0x304: {  	v4 =	vmax.f32 v4, $0.0e+00;
	v1 =	vadd.f32 v3, v1;
	v3 =	vld [tilespmem:s11+$0x30]  }
0x305: {  	[tilespmem:s12+$0xFFFFFF20] =	vst v4;
	v6 =	vld [tilespmem:s18+$0x30]  }
0x306: {  	v4 =	vld [tilespmem:s11+$0xFFFFFF30];
	v1 =	vmax.f32 v1, $0.0e+00  }
0x307: {  	v5 =	vld [tilespmem:s18+$0xFFFFFF30];
	[tilespmem:s12+$0xFFFFFFB0] =	vst v1  }
0x308: {  	v1 =	vld [tilespmem:s11+$0xFFFFFFC0];
	v0 =	vadd.f32 v0, v2  }
0x309: {  	v2 =	vld [tilespmem:s18+$0xFFFFFFC0]  }
0x30a: {  	s7 =	simm.s32 $0x7E00;
	v3 =	vadd.f32 v6, v3;
	v0 =	vmax.f32 v0, $0.0e+00  }
0x30b: {  	v10 =	vld [tilespmem:s7+$0xFFFFFF00];
	[tilespmem:s12+$0xC0] =	vst v0  }
0x30c: {  	v0 =	vmax.f32 v3, $0.0e+00;
	v3 =	vld [tilespmem:s11+$0xD0]  }
0x30d: {  	v4 =	vadd.f32 v5, v4;
	[tilespmem:s12+$0x30] =	vst v0;
	v0 =	vld [tilespmem:s18+$0xD0]  }
0x30e: {  	v1 =	vadd.f32 v2, v1;
	v2 =	vld [tilespmem:s11+$0x40]  }
0x30f: {  	s13 =	simm.s32 $0x5200;
	v4 =	vmax.f32 v4, $0.0e+00;
	v6 =	vld [tilespmem:s18+$0x40]  }
0x310: {  	v53 =	vld [tilespmem:s13+$0xFFFFFF00];
	[tilespmem:s12+$0xFFFFFF30] =	vst v4  }
0x311: {  	v4 =	vld [tilespmem:s11+$0xFFFFFF40]  }
0x312: {  	v5 =	vld [tilespmem:s18+$0xFFFFFF40];
	v0 =	vadd.f32 v0, v3  }
0x313: {  	v8 =	vld [tilespmem:s13+$0x80]  }
0x314: {  	v9 =	vld [tilespmem:s7+$0x80];
	v2 =	vadd.f32 v6, v2;
	v0 =	vmax.f32 v0, $0.0e+00  }
0x315: {  	v11 =	vld [tilespmem:s7+$0xFFFFFF80];
	v10 =	vadd.f32 v10, v53;
	[tilespmem:s12+$0xD0] =	vst v0  }
0x316: {  	v0 =	vmax.f32 v2, $0.0e+00;
	v2 =	vld [tilespmem:s11+$0xE0]  }
0x317: {  	s14 =	simm.s32 $0xAA00;
	v10 =	vmax.f32 v10, $0.0e+00;
	v4 =	vadd.f32 v5, v4;
	[tilespmem:s12+$0x40] =	vst v0;
	v0 =	vld [tilespmem:s18+$0xE0]  }
0x318: {  	v12 =	vld [tilespmem:s13+$0x0];
	[tilespmem:s14+$0xFFFFFF00] =	vst v10;
	v1 =	vmax.f32 v1, $0.0e+00  }
0x319: {  	v10 =	vld [tilespmem:s13+$0xFFFFFF10];
	[tilespmem:s12+$0xFFFFFFC0] =	vst v1;
	v4 =	vmax.f32 v4, $0.0e+00  }
0x31a: {  	v1 =	vld [tilespmem:s11+$0xFFFFFFD0];
	[tilespmem:s12+$0xFFFFFF40] =	vst v4  }
0x31b: {  	v4 =	vld [tilespmem:s11+$0xFFFFFF50]  }
0x31c: {  	v5 =	vld [tilespmem:s18+$0xFFFFFF50];
	v0 =	vadd.f32 v0, v2  }
0x31d: {  	v2 =	vld [tilespmem:s13+$0xFFFFFF80]  }
0x31e: {  	v3 =	vld [tilespmem:s18+$0xFFFFFFD0];
	v0 =	vmax.f32 v0, $0.0e+00  }
0x31f: {  	v6 =	vld [tilespmem:s11+$0x50];
	[tilespmem:s12+$0xE0] =	vst v0;
	v0 =	vadd.f32 v9, v8  }
0x320: {  	v7 =	vld [tilespmem:s18+$0x50]  }
0x321: {  	v4 =	vadd.f32 v5, v4;
	v5 =	vld [tilespmem:s7+$0x0];
	v0 =	vmax.f32 v0, $0.0e+00  }
0x322: {  	v55 =	vld [tilespmem:s7+$0xFFFFFF10];
	v2 =	vadd.f32 v11, v2;
	[tilespmem:s14+$0x80] =	vst v0  }
0x323: {  	v0 =	vmax.f32 v4, $0.0e+00;
	v4 =	vld [tilespmem:s13+$0x90]  }
0x324: {  	v1 =	vadd.f32 v3, v1;
	[tilespmem:s12+$0xFFFFFF50] =	vst v0;
	v0 =	vmax.f32 v2, $0.0e+00;
	v2 =	vld [tilespmem:s7+$0x90]  }
0x325: {  	v6 =	vadd.f32 v7, v6;
	v8 =	vld [tilespmem:s11+$0xF0]  }
0x326: {  	v1 =	vmax.f32 v1, $0.0e+00;
	v5 =	vadd.f32 v5, v12;
	v52 =	vld [tilespmem:s18+$0xF0];
	[tilespmem:s14+$0xFFFFFF80] =	vst v0  }
0x327: {  	[tilespmem:s12+$0xFFFFFFD0] =	vst v1;
	v6 =	vmax.f32 v6, $0.0e+00;
	v3 =	vld [tilespmem:s13+$0xFFFFFF90]  }
0x328: {  	v1 =	vmax.f32 v5, $0.0e+00;
	[tilespmem:s12+$0x50] =	vst v6;
	v54 =	vld [tilespmem:s7+$0xFFFFFF90]  }
0x329: {  	v6 =	vld [tilespmem:s18+$0xFFFFFFE0];
	[tilespmem:s14+$0x0] =	vst v1;
	v1 =	vadd.f32 v2, v4  }
0x32a: {  	v58 =	vld [tilespmem:s11+$0x60]  }
0x32b: {  	v59 =	vld [tilespmem:s18+$0x60];
	v1 =	vmax.f32 v1, $0.0e+00  }
0x32c: {  	v0 =	vld [tilespmem:s11+$0xFFFFFF60];
	[tilespmem:s14+$0x90] =	vst v1  }
0x32d: {  	v3 =	vadd.f32 v54, v3;
	v1 =	vld [tilespmem:s13+$0xA0]  }
0x32e: {  	v56 =	vld [tilespmem:s7+$0xA0]  }
0x32f: {  	v4 =	vld [tilespmem:s13+$0x10];
	v3 =	vmax.f32 v3, $0.0e+00  }
0x330: {  	[tilespmem:s14+$0xFFFFFF90] =	vst v3;
	v3 =	vld [tilespmem:s7+$0x10]  }
0x331: {  	v10 =	vadd.f32 v55, v10;
	v7 =	vld [tilespmem:s13+$0xFFFFFFA0]  }
0x332: {  	v57 =	vld [tilespmem:s7+$0xFFFFFFA0]  }
0x333: {  	v10 =	vmax.f32 v10, $0.0e+00;
	v5 =	vld [tilespmem:s18+$0xFFFFFF60];
	v1 =	vadd.f32 v56, v1  }
0x334: {  	[tilespmem:s14+$0xFFFFFF10] =	vst v10;
	v2 =	vld [tilespmem:s11+$0xFFFFFFE0]  }
0x335: {  	v3 =	vadd.f32 v3, v4;
	v4 =	vld [tilespmem:s13+$0xFFFFFF20];
	v1 =	vmax.f32 v1, $0.0e+00  }
0x336: {  	[tilespmem:s14+$0xA0] =	vst v1;
	v1 =	vld [tilespmem:s7+$0xFFFFFF20]  }
0x337: {  	v7 =	vadd.f32 v57, v7;
	v3 =	vmax.f32 v3, $0.0e+00;
	v60 =	vld [tilespmem:s13+$0xB0]  }
0x338: {  	v0 =	vadd.f32 v5, v0;
	[tilespmem:s14+$0x10] =	vst v3;
	v3 =	vld [tilespmem:s7+$0xB0]  }
0x339: {  	v5 =	vmax.f32 v7, $0.0e+00;
	v7 =	vld [tilespmem:s13+$0x20]  }
0x33a: {  	v0 =	vmax.f32 v0, $0.0e+00;
	[tilespmem:s14+$0xFFFFFFA0] =	vst v5;
	v5 =	vld [tilespmem:s7+$0x20]  }
0x33b: {  	[tilespmem:s12+$0xFFFFFF60] =	vst v0;
	v0 =	vld [tilespmem:s7+$0xFFFFFFB0];
	v1 =	vadd.f32 v1, v4  }
0x33c: {  	v4 =	vld [tilespmem:s13+$0xFFFFFFB0]  }
0x33d: {  	v61 =	vld [tilespmem:s11+$0xFFFFFF70];
	v3 =	vadd.f32 v3, v60;
	v1 =	vmax.f32 v1, $0.0e+00  }
0x33e: {  	[tilespmem:s14+$0xFFFFFF20] =	vst v1;
	v1 =	vld [tilespmem:s18+$0xFFFFFF70]  }
0x33f: {  	v5 =	vadd.f32 v5, v7;
	v3 =	vmax.f32 v3, $0.0e+00;
	v7 =	vld [tilespmem:s13+$0xFFFFFF30]  }
0x340: {  	[tilespmem:s14+$0xB0] =	vst v3;
	v3 =	vld [tilespmem:s7+$0xFFFFFF30]  }
0x341: {  	v0 =	vadd.f32 v0, v4;
	v4 =	vmax.f32 v5, $0.0e+00;
	v5 =	vld [tilespmem:s13+$0xC0]  }
0x342: {  	[tilespmem:s14+$0x20] =	vst v4;
	v4 =	vld [tilespmem:s7+$0xC0]  }
0x343: {  	v2 =	vadd.f32 v6, v2;
	v0 =	vmax.f32 v0, $0.0e+00;
	v6 =	vld [tilespmem:s13+$0x30]  }
0x344: {  	[tilespmem:s14+$0xFFFFFFB0] =	vst v0;
	v0 =	vld [tilespmem:s7+$0x30]  }
0x345: {  	v2 =	vmax.f32 v2, $0.0e+00;
	v3 =	vadd.f32 v3, v7;
	v7 =	vld [tilespmem:s13+$0xFFFFFFC0]  }
0x346: {  	[tilespmem:s12+$0xFFFFFFE0] =	vst v2;
	v2 =	vld [tilespmem:s7+$0xFFFFFFC0]  }
0x347: {  	v3 =	vmax.f32 v3, $0.0e+00;
	v4 =	vadd.f32 v4, v5;
	v5 =	vld [tilespmem:s11+$0xFFFFFFF0]  }
0x348: {  	[tilespmem:s14+$0xFFFFFF30] =	vst v3;
	v3 =	vld [tilespmem:s18+$0xFFFFFFF0]  }
0x349: {  	v0 =	vadd.f32 v0, v6;
	v6 =	vld [tilespmem:s13+$0xFFFFFF40];
	v4 =	vmax.f32 v4, $0.0e+00  }
0x34a: {  	[tilespmem:s14+$0xC0] =	vst v4;
	v4 =	vld [tilespmem:s7+$0xFFFFFF40]  }
0x34b: {  	v2 =	vadd.f32 v2, v7;
	v0 =	vmax.f32 v0, $0.0e+00;
	v7 =	vld [tilespmem:s13+$0xD0]  }
0x34c: {  	[tilespmem:s14+$0x30] =	vst v0;
	v0 =	vld [tilespmem:s7+$0xD0]  }
0x34d: {  	v10 =	vadd.f32 v59, v58;
	v2 =	vmax.f32 v2, $0.0e+00;
	v62 =	vld [tilespmem:s13+$0x40]  }
0x34e: {  	[tilespmem:s14+$0xFFFFFFC0] =	vst v2;
	v2 =	vld [tilespmem:s7+$0x40]  }
0x34f: {  	v10 =	vmax.f32 v10, $0.0e+00;
	v63 =	vld [tilespmem:s7+$0xFFFFFFD0];
	v4 =	vadd.f32 v4, v6  }
0x350: {  	v8 =	vadd.f32 v52, v8;
	[tilespmem:s12+$0x60] =	vst v10;
	v6 =	vld [tilespmem:s13+$0xFFFFFFD0]  }
0x351: {  	v10 =	vld [tilespmem:s18+$0x70];
	v4 =	vmax.f32 v4, $0.0e+00;
	v0 =	vadd.f32 v0, v7  }
0x352: {  	v8 =	vmax.f32 v8, $0.0e+00;
	v1 =	vadd.f32 v1, v61;
	v7 =	vld [tilespmem:s11+$0x70];
	[tilespmem:s14+$0xFFFFFF40] =	vst v4  }
0x353: {  	[tilespmem:s12+$0xF0] =	vst v8;
	v8 =	vadd.f32 v2, v62;
	v2 =	vld [tilespmem:s13+$0xFFFFFF50];
	v0 =	vmax.f32 v0, $0.0e+00  }
0x354: {  	v1 =	vmax.f32 v1, $0.0e+00;
	v3 =	vadd.f32 v3, v5;
	v4 =	vld [tilespmem:s7+$0xFFFFFF50];
	[tilespmem:s14+$0xD0] =	vst v0  }
0x355: {  	[tilespmem:s12+$0xFFFFFF70] =	vst v1;
	v0 =	vadd.f32 v63, v6;
	v5 =	vmax.f32 v8, $0.0e+00;
	v1 =	vld [tilespmem:s13+$0xE0]  }
0x356: {  	v6 =	vmax.f32 v3, $0.0e+00;
	[tilespmem:s14+$0x40] =	vst v5;
	v3 =	vld [tilespmem:s7+$0xE0]  }
0x357: {  	[tilespmem:s12+$0xFFFFFFF0] =	vst v6;
	v6 =	vmax.f32 v0, $0.0e+00;
	v5 =	vld [tilespmem:s13+$0x50];
	v0 =	vadd.f32 v10, v7  }
0x358: {  	s15 =	simm.s32 $0x5400;
	s8 =	simm.s32 $0x7E00;
	s11 =	simm.s32 $0x4;
	[tilespmem:s14+$0xFFFFFFD0] =	vst v6;
	v6 =	vld [tilespmem:s7+$0x50]  }
.LBB2_11:
0x359: {  	v7 =	vld [tilespmem:s15+$0x80];
	v2 =	vadd.f32 v4, v2;
	s7 =	sadd.s32 $0x200, s7;
	v0 =	vmax.f32 v0, $0.0e+00  }
0x35a: {  	v4 =	vld [tilespmem:s7+$0x80];
	[tilespmem:s12+$0x70] =	vst v0;
	s12 =	smov.u32 s14  }
0x35b: {  	v0 =	vld [tilespmem:s7+$0xFFFFFF00];
	v2 =	vmax.f32 v2, $0.0e+00;
	v1 =	vadd.f32 v3, v1  }
0x35c: {  	v3 =	vld [tilespmem:s15+$0xFFFFFF80];
	[tilespmem:s14+$0xFFFFFF50] =	vst v2  }
0x35d: {  	v2 =	vld [tilespmem:s7+$0xFFFFFF80];
	v5 =	vadd.f32 v6, v5;
	v1 =	vmax.f32 v1, $0.0e+00  }
0x35e: {  	v6 =	vld [tilespmem:s15+$0x0];
	[tilespmem:s14+$0xE0] =	vst v1  }
0x35f: {  	v1 =	vadd.f32 v4, v7;
	v4 =	vmax.f32 v5, $0.0e+00;
	v5 =	vld [tilespmem:s13+$0xF0]  }
0x360: {  	[tilespmem:s14+$0x50] =	vst v4;
	v4 =	vld [tilespmem:s8+$0xF0]  }
0x361: {  	s11 =	sadd.s32 $0x4, s11;
	s14 =	sadd.s32 $0x200, s14;
	v7 =	vld [tilespmem:s7+$0x0];
	v1 =	vmax.f32 v1, $0.0e+00  }
0x362: {  	p0 =	slt.u32 s11, $0x54;
	v8 =	vld [tilespmem:s15+$0xFFFFFF00];
	v2 =	vadd.f32 v2, v3;
	[tilespmem:s14+$0x80] =	vst v1  }
0x363: {  	v1 =	vld [tilespmem:s15+$0x90]  }
0x364: {  	v2 =	vmax.f32 v2, $0.0e+00;
	v3 =	vld [tilespmem:s7+$0x90]  }
0x365: {  	[tilespmem:s14+$0xFFFFFF80] =	vst v2;
	v2 =	vld [tilespmem:s13+$0xFFFFFF60];
	v4 =	vadd.f32 v4, v5  }
0x366: {  	v5 =	vld [tilespmem:s15+$0xFFFFFF90];
	v6 =	vadd.f32 v7, v6  }
0x367: {  	v0 =	vadd.f32 v0, v8;
	v7 =	vld [tilespmem:s7+$0xFFFFFF90];
	v4 =	vmax.f32 v4, $0.0e+00  }
0x368: {  	v6 =	vmax.f32 v6, $0.0e+00;
	v8 =	vld [tilespmem:s8+$0xFFFFFF60];
	[tilespmem:s12+$0xF0] =	vst v4  }
0x369: {  	v0 =	vmax.f32 v0, $0.0e+00;
	[tilespmem:s14+$0x0] =	vst v6;
	v1 =	vadd.f32 v3, v1;
	v3 =	vld [tilespmem:s13+$0xFFFFFFE0]  }
0x36a: {  	[tilespmem:s14+$0xFFFFFF00] =	vst v0;
	v0 =	vld [tilespmem:s15+$0x10]  }
0x36b: {  	v4 =	vld [tilespmem:s15+$0xFFFFFF10];
	v1 =	vmax.f32 v1, $0.0e+00  }
0x36c: {  	v6 =	vld [tilespmem:s7+$0xFFFFFF10];
	v5 =	vadd.f32 v7, v5;
	[tilespmem:s14+$0x90] =	vst v1  }
0x36d: {  	v1 =	vld [tilespmem:s15+$0xA0];
	v2 =	vadd.f32 v8, v2  }
0x36e: {  	v5 =	vmax.f32 v5, $0.0e+00;
	v7 =	vld [tilespmem:s7+$0xA0]  }
0x36f: {  	[tilespmem:s14+$0xFFFFFF90] =	vst v5;
	v5 =	vld [tilespmem:s7+$0x10];
	v2 =	vmax.f32 v2, $0.0e+00  }
0x370: {  	v8 =	vld [tilespmem:s15+$0xFFFFFFA0];
	[tilespmem:s12+$0xFFFFFF60] =	vst v2  }
0x371: {  	v2 =	vadd.f32 v6, v4;
	v4 =	vld [tilespmem:s7+$0xFFFFFFA0]  }
0x372: {  	v6 =	vld [tilespmem:s8+$0xFFFFFFE0]  }
0x373: {  	v2 =	vmax.f32 v2, $0.0e+00;
	v1 =	vadd.f32 v7, v1;
	v7 =	vld [tilespmem:s13+$0x60]  }
0x374: {  	[tilespmem:s14+$0xFFFFFF10] =	vst v2;
	v0 =	vadd.f32 v5, v0;
	v2 =	vld [tilespmem:s8+$0x60]  }
0x375: {  	v5 =	vld [tilespmem:s15+$0xFFFFFF20];
	v1 =	vmax.f32 v1, $0.0e+00  }
0x376: {  	v9 =	vld [tilespmem:s7+$0xFFFFFF20];
	v4 =	vadd.f32 v4, v8;
	v0 =	vmax.f32 v0, $0.0e+00;
	[tilespmem:s14+$0xA0] =	vst v1  }
0x377: {  	[tilespmem:s14+$0x10] =	vst v0;
	v0 =	vld [tilespmem:s15+$0xB0];
	v1 =	vadd.f32 v6, v3  }
0x378: {  	v3 =	vmax.f32 v4, $0.0e+00;
	v4 =	vld [tilespmem:s7+$0xB0]  }
0x379: {  	[tilespmem:s14+$0xFFFFFFA0] =	vst v3;
	v3 =	vld [tilespmem:s15+$0x20];
	v1 =	vmax.f32 v1, $0.0e+00;
	v2 =	vadd.f32 v2, v7  }
0x37a: {  	v6 =	vld [tilespmem:s7+$0x20];
	[tilespmem:s12+$0xFFFFFFE0] =	vst v1  }
0x37b: {  	v1 =	vadd.f32 v9, v5;
	v5 =	vld [tilespmem:s15+$0xFFFFFFB0];
	v2 =	vmax.f32 v2, $0.0e+00  }
0x37c: {  	v7 =	vld [tilespmem:s7+$0xFFFFFFB0];
	[tilespmem:s12+$0x60] =	vst v2  }
0x37d: {  	v1 =	vmax.f32 v1, $0.0e+00;
	v0 =	vadd.f32 v4, v0;
	v2 =	vld [tilespmem:s13+$0xFFFFFF70]  }
0x37e: {  	[tilespmem:s14+$0xFFFFFF20] =	vst v1;
	v1 =	vld [tilespmem:s8+$0xFFFFFF70]  }
0x37f: {  	v4 =	vld [tilespmem:s15+$0xFFFFFF30];
	v3 =	vadd.f32 v6, v3;
	v0 =	vmax.f32 v0, $0.0e+00  }
0x380: {  	v6 =	vld [tilespmem:s7+$0xFFFFFF30];
	[tilespmem:s14+$0xB0] =	vst v0  }
0x381: {  	v0 =	vadd.f32 v7, v5;
	v3 =	vmax.f32 v3, $0.0e+00;
	v5 =	vld [tilespmem:s15+$0xC0]  }
0x382: {  	[tilespmem:s14+$0x20] =	vst v3;
	v3 =	vld [tilespmem:s7+$0xC0]  }
0x383: {  	v0 =	vmax.f32 v0, $0.0e+00;
	v7 =	vld [tilespmem:s15+$0x30];
	v1 =	vadd.f32 v1, v2  }
0x384: {  	[tilespmem:s14+$0xFFFFFFB0] =	vst v0;
	v0 =	vld [tilespmem:s7+$0x30]  }
0x385: {  	v2 =	vadd.f32 v6, v4;
	v4 =	vld [tilespmem:s15+$0xFFFFFFC0];
	v1 =	vmax.f32 v1, $0.0e+00  }
0x386: {  	v6 =	vld [tilespmem:s7+$0xFFFFFFC0];
	[tilespmem:s12+$0xFFFFFF70] =	vst v1  }
0x387: {  	v1 =	vmax.f32 v2, $0.0e+00;
	v2 =	vadd.f32 v3, v5;
	v3 =	vld [tilespmem:s13+$0xFFFFFFF0]  }
0x388: {  	[tilespmem:s14+$0xFFFFFF30] =	vst v1;
	v1 =	vld [tilespmem:s8+$0xFFFFFFF0]  }
0x389: {  	v5 =	vld [tilespmem:s15+$0xFFFFFF40];
	v0 =	vadd.f32 v0, v7;
	v2 =	vmax.f32 v2, $0.0e+00  }
0x38a: {  	v7 =	vld [tilespmem:s7+$0xFFFFFF40];
	[tilespmem:s14+$0xC0] =	vst v2  }
0x38b: {  	v2 =	vadd.f32 v6, v4;
	v0 =	vmax.f32 v0, $0.0e+00;
	v4 =	vld [tilespmem:s15+$0xD0]  }
0x38c: {  	[tilespmem:s14+$0x30] =	vst v0;
	v0 =	vld [tilespmem:s7+$0xD0]  }
0x38d: {  	v2 =	vmax.f32 v2, $0.0e+00;
	v6 =	vld [tilespmem:s15+$0x40];
	v1 =	vadd.f32 v1, v3  }
0x38e: {  	[tilespmem:s14+$0xFFFFFFC0] =	vst v2;
	v3 =	vld [tilespmem:s7+$0x40]  }
0x38f: {  	v2 =	vadd.f32 v7, v5;
	v5 =	vld [tilespmem:s15+$0xFFFFFFD0];
	v1 =	vmax.f32 v1, $0.0e+00  }
0x390: {  	v7 =	vld [tilespmem:s7+$0xFFFFFFD0];
	[tilespmem:s12+$0xFFFFFFF0] =	vst v1  }
0x391: {  	v1 =	vmax.f32 v2, $0.0e+00;
	v0 =	vadd.f32 v0, v4;
	v8 =	vld [tilespmem:s13+$0x70];
	s13 =	smov.u32 s15  }
0x392: {  	[tilespmem:s14+$0xFFFFFF40] =	vst v1;
	v9 =	vld [tilespmem:s8+$0x70];
	s8 =	smov.u32 s7  }
0x393: {  	v2 =	vld [tilespmem:s15+$0xFFFFFF50];
	v1 =	vadd.f32 v3, v6;
	v0 =	vmax.f32 v0, $0.0e+00  }
.Ltmp5:
0x394: {  	v4 =	vld [tilespmem:s7+$0xFFFFFF50];
	[tilespmem:s14+$0xD0] =	vst v0;
	(pc) =	sbr.rel @p0 .LBB2_11-.Ltmp5, $4  }
0x395: {  	v0 =	vadd.f32 v7, v5;
	v3 =	vmax.f32 v1, $0.0e+00;
	v1 =	vld [tilespmem:s15+$0xE0]  }
0x396: {  	[tilespmem:s14+$0x40] =	vst v3;
	v3 =	vld [tilespmem:s7+$0xE0]  }
0x397: {  	v6 =	vmax.f32 v0, $0.0e+00;
	v5 =	vld [tilespmem:s15+$0x50];
	v0 =	vadd.f32 v9, v8  }
0x398: {  	s15 =	sadd.s32 $0x200, s15;
	[tilespmem:s14+$0xFFFFFFD0] =	vst v6;
	v6 =	vld [tilespmem:s7+$0x50]  }
0x399: {  	v2 =	vadd.f32 v4, v2;
	_ =	sdelay $0x1  }
0x39a: {  	v2 =	vmax.f32 v2, $0.0e+00  }
0x39b: {  	[tilespmem:s14+$0xFFFFFF50] =	vst v2  }
0x39c: {  	v2 =	vadd.f32 v6, v5;
	v4 =	vld [tilespmem:s13+$0xFFFFFF60]  }
0x39d: {  	v5 =	vld [tilespmem:s8+$0xFFFFFF60]  }
0x39e: {  	v6 =	vld [tilespmem:s13+$0xFFFFFFE0];
	v2 =	vmax.f32 v2, $0.0e+00  }
0x39f: {  	[tilespmem:s14+$0x50] =	vst v2;
	v2 =	vld [tilespmem:s8+$0xFFFFFFE0]  }
0x3a0: {  	v1 =	vadd.f32 v3, v1;
	v3 =	vld [tilespmem:s13+$0x60]  }
0x3a1: {  	v7 =	vld [tilespmem:s8+$0x60]  }
0x3a2: {  	v1 =	vmax.f32 v1, $0.0e+00;
	v4 =	vadd.f32 v5, v4  }
0x3a3: {  	[tilespmem:s14+$0xE0] =	vst v1  }
0x3a4: {  	v1 =	vld [tilespmem:s13+$0xF0];
	v4 =	vmax.f32 v4, $0.0e+00;
	v2 =	vadd.f32 v2, v6  }
0x3a5: {  	v5 =	vld [tilespmem:s8+$0xF0];
	[tilespmem:s14+$0xFFFFFF60] =	vst v4  }
0x3a6: {  	v3 =	vadd.f32 v7, v3;
	v4 =	vld [tilespmem:s13+$0xFFFFFF70];
	v2 =	vmax.f32 v2, $0.0e+00  }
0x3a7: {  	[tilespmem:s14+$0xFFFFFFE0] =	vst v2;
	v2 =	vld [tilespmem:s8+$0xFFFFFF70]  }
0x3a8: {  	v3 =	vmax.f32 v3, $0.0e+00;
	v6 =	vld [tilespmem:s13+$0xFFFFFFF0]  }
0x3a9: {  	[tilespmem:s14+$0x60] =	vst v3;
	v3 =	vld [tilespmem:s8+$0xFFFFFFF0]  }
0x3aa: {  	v7 =	vld [tilespmem:s13+$0x70]  }
0x3ab: {  	v8 =	vld [tilespmem:s8+$0x70];
	_ =	sdelay $0x1  }
0x3ac: {  	v1 =	vadd.f32 v5, v1  }
0x3ad: {  	v0 =	vmax.f32 v0, $0.0e+00;
	v2 =	vadd.f32 v2, v4  }
0x3ae: {  	[tilespmem:s12+$0x70] =	vst v0;
	v0 =	vmax.f32 v1, $0.0e+00;
	v1 =	vadd.f32 v3, v6  }
0x3af: {  	[tilespmem:s14+$0xF0] =	vst v0;
	v0 =	vmax.f32 v2, $0.0e+00;
	v2 =	vadd.f32 v8, v7  }
0x3b0: {  	[tilespmem:s14+$0xFFFFFF70] =	vst v0;
	v0 =	vmax.f32 v1, $0.0e+00  }
0x3b1: {  	[tilespmem:s14+$0xFFFFFFF0] =	vst v0;
	v0 =	vmax.f32 v2, $0.0e+00  }
0x3b2: {  	[tilespmem:s14+$0x70] =	vst v0  }
0x3b3: {  	s7 =	rddreg [dreg:$0x5]  }
0x3b4: {  	[hbm4b:s7+s3] =	stream.linear.scatter [tilespmem:s30], [sflag:$0x3], $0x2C00, $0x38;
	[tilespmem:$0x1DB00] =	vst v63  }
0x3b5: {  	_ =	swait.ge [sflag:s31], $0x2C00  }
0x3b6: {  	[sflag:s31] =	ssyncset.done $0x0  }
0x3b7: {  	[sflag:s31] =	ssyncadd.s32 $0xFFFFD400  }
0x3b8: {  	_ =	swait.ge [sflag:s1], $0x2C00  }
0x3b9: {  	[sflag:s1] =	ssyncset.done $0x0  }
0x3ba: {  	s15 =	simm.s32 $0x6;
	[sflag:s1] =	ssyncadd.s32 $0xFFFFD400  }
0x3bb: {  	_ =	swait.ge [sflag:s15], $0x2C00  }
0x3bc: {  	[sflag:s15] =	ssyncset.done $0x0  }
0x3bd: {  	s11 =	simm.s32 $0xD400;
	[sflag:s15] =	ssyncadd.s32 $0xFFFFD400  }
0x3be: {  	s18 =	simm.s32 $0x10000;
	v0 =	vld [tilespmem:s11+$0x80]  }
0x3bf: {  	v1 =	vld [tilespmem:s18+$0x80];
	_ =	sdelay $0x4  }
0x3c0: {  	v2 =	vld [tilespmem:s11+$0xFFFFFF80];
	v0 =	vadd.f32 v1, v0  }
0x3c1: {  	v1 =	vld [tilespmem:s18+$0xFFFFFF80]  }
0x3c2: {  	s12 =	simm.s32 $0x12C00;
	v3 =	vld [tilespmem:s18+$0xFFFFFF00];
	v0 =	vmax.f32 v0, $0.0e+00  }
0x3c3: {  	v4 =	vld [tilespmem:s11+$0xFFFFFF00];
	[tilespmem:s12+$0x80] =	vst v0  }
0x3c4: {  	v0 =	vld [tilespmem:s11+$0x90]  }
0x3c5: {  	v5 =	vld [tilespmem:s18+$0x90]  }
0x3c6: {  	v6 =	vld [tilespmem:s11+$0x0];
	v1 =	vadd.f32 v1, v2  }
0x3c7: {  	v2 =	vld [tilespmem:s18+$0x0]  }
0x3c8: {  	v3 =	vadd.f32 v3, v4;
	v1 =	vmax.f32 v1, $0.0e+00  }
0x3c9: {  	[tilespmem:s12+$0xFFFFFF80] =	vst v1  }
0x3ca: {  	v3 =	vmax.f32 v3, $0.0e+00;
	v1 =	vld [tilespmem:s11+$0xFFFFFF90];
	v0 =	vadd.f32 v5, v0  }
0x3cb: {  	[tilespmem:s12+$0xFFFFFF00] =	vst v3;
	v4 =	vld [tilespmem:s18+$0xFFFFFF90]  }
0x3cc: {  	v3 =	vld [tilespmem:s11+$0xFFFFFF10];
	v2 =	vadd.f32 v2, v6;
	v0 =	vmax.f32 v0, $0.0e+00  }
0x3cd: {  	v5 =	vld [tilespmem:s18+$0xFFFFFF10];
	[tilespmem:s12+$0x90] =	vst v0  }
0x3ce: {  	v0 =	vmax.f32 v2, $0.0e+00;
	v2 =	vld [tilespmem:s11+$0xA0]  }
0x3cf: {  	[tilespmem:s12+$0x0] =	vst v0;
	v0 =	vld [tilespmem:s18+$0xA0]  }
0x3d0: {  	v6 =	vld [tilespmem:s11+$0x10];
	v1 =	vadd.f32 v4, v1  }
0x3d1: {  	v4 =	vld [tilespmem:s18+$0x10]  }
0x3d2: {  	v1 =	vmax.f32 v1, $0.0e+00  }
0x3d3: {  	v3 =	vadd.f32 v5, v3;
	[tilespmem:s12+$0xFFFFFF90] =	vst v1  }
0x3d4: {  	v1 =	vld [tilespmem:s11+$0xFFFFFFA0];
	v0 =	vadd.f32 v0, v2  }
0x3d5: {  	v3 =	vmax.f32 v3, $0.0e+00;
	v2 =	vld [tilespmem:s18+$0xFFFFFFA0]  }
0x3d6: {  	[tilespmem:s12+$0xFFFFFF10] =	vst v3;
	v3 =	vadd.f32 v4, v6;
	v0 =	vmax.f32 v0, $0.0e+00  }
0x3d7: {  	[tilespmem:s12+$0xA0] =	vst v0  }
0x3d8: {  	v0 =	vmax.f32 v3, $0.0e+00;
	v3 =	vld [tilespmem:s11+$0xB0]  }
0x3d9: {  	[tilespmem:s12+$0x10] =	vst v0;
	v0 =	vld [tilespmem:s18+$0xB0]  }
0x3da: {  	v1 =	vadd.f32 v2, v1;
	v2 =	vld [tilespmem:s11+$0x20]  }
0x3db: {  	v6 =	vld [tilespmem:s18+$0x20]  }
0x3dc: {  	v5 =	vld [tilespmem:s18+$0xFFFFFF20];
	v1 =	vmax.f32 v1, $0.0e+00  }
0x3dd: {  	v4 =	vld [tilespmem:s11+$0xFFFFFF20];
	[tilespmem:s12+$0xFFFFFFA0] =	vst v1  }
0x3de: {  	v1 =	vld [tilespmem:s11+$0xFFFFFFB0];
	v0 =	vadd.f32 v0, v3  }
0x3df: {  	v3 =	vld [tilespmem:s18+$0xFFFFFFB0]  }
0x3e0: {  	v2 =	vadd.f32 v6, v2;
	v0 =	vmax.f32 v0, $0.0e+00  }
0x3e1: {  	[tilespmem:s12+$0xB0] =	vst v0  }
0x3e2: {  	v4 =	vadd.f32 v5, v4;
	v0 =	vmax.f32 v2, $0.0e+00;
	v2 =	vld [tilespmem:s11+$0xC0]  }
0x3e3: {  	[tilespmem:s12+$0x20] =	vst v0;
	v0 =	vld [tilespmem:s18+$0xC0]  }
0x3e4: {  	v4 =	vmax.f32 v4, $0.0e+00;
	v1 =	vadd.f32 v3, v1;
	v3 =	vld [tilespmem:s11+$0x30]  }
0x3e5: {  	[tilespmem:s12+$0xFFFFFF20] =	vst v4;
	v6 =	vld [tilespmem:s18+$0x30]  }
0x3e6: {  	v4 =	vld [tilespmem:s11+$0xFFFFFF30];
	v1 =	vmax.f32 v1, $0.0e+00  }
0x3e7: {  	v5 =	vld [tilespmem:s18+$0xFFFFFF30];
	[tilespmem:s12+$0xFFFFFFB0] =	vst v1  }
0x3e8: {  	v1 =	vld [tilespmem:s11+$0xFFFFFFC0];
	v0 =	vadd.f32 v0, v2  }
0x3e9: {  	v2 =	vld [tilespmem:s18+$0xFFFFFFC0]  }
0x3ea: {  	s7 =	simm.s32 $0x10200;
	v3 =	vadd.f32 v6, v3;
	v0 =	vmax.f32 v0, $0.0e+00  }
0x3eb: {  	v10 =	vld [tilespmem:s7+$0xFFFFFF00];
	[tilespmem:s12+$0xC0] =	vst v0  }
0x3ec: {  	v0 =	vmax.f32 v3, $0.0e+00;
	v3 =	vld [tilespmem:s11+$0xD0]  }
0x3ed: {  	v4 =	vadd.f32 v5, v4;
	[tilespmem:s12+$0x30] =	vst v0;
	v0 =	vld [tilespmem:s18+$0xD0]  }
0x3ee: {  	v1 =	vadd.f32 v2, v1;
	v2 =	vld [tilespmem:s11+$0x40]  }
0x3ef: {  	s13 =	simm.s32 $0xD600;
	v4 =	vmax.f32 v4, $0.0e+00;
	v6 =	vld [tilespmem:s18+$0x40]  }
0x3f0: {  	v53 =	vld [tilespmem:s13+$0xFFFFFF00];
	[tilespmem:s12+$0xFFFFFF30] =	vst v4  }
0x3f1: {  	v4 =	vld [tilespmem:s11+$0xFFFFFF40]  }
0x3f2: {  	v5 =	vld [tilespmem:s18+$0xFFFFFF40];
	v0 =	vadd.f32 v0, v3  }
0x3f3: {  	v8 =	vld [tilespmem:s13+$0x80]  }
0x3f4: {  	v9 =	vld [tilespmem:s7+$0x80];
	v2 =	vadd.f32 v6, v2;
	v0 =	vmax.f32 v0, $0.0e+00  }
0x3f5: {  	v11 =	vld [tilespmem:s7+$0xFFFFFF80];
	v10 =	vadd.f32 v10, v53;
	[tilespmem:s12+$0xD0] =	vst v0  }
0x3f6: {  	v0 =	vmax.f32 v2, $0.0e+00;
	v2 =	vld [tilespmem:s11+$0xE0]  }
0x3f7: {  	s14 =	simm.s32 $0x12E00;
	v10 =	vmax.f32 v10, $0.0e+00;
	v4 =	vadd.f32 v5, v4;
	[tilespmem:s12+$0x40] =	vst v0;
	v0 =	vld [tilespmem:s18+$0xE0]  }
0x3f8: {  	v12 =	vld [tilespmem:s13+$0x0];
	[tilespmem:s14+$0xFFFFFF00] =	vst v10;
	v1 =	vmax.f32 v1, $0.0e+00  }
0x3f9: {  	v10 =	vld [tilespmem:s13+$0xFFFFFF10];
	[tilespmem:s12+$0xFFFFFFC0] =	vst v1;
	v4 =	vmax.f32 v4, $0.0e+00  }
0x3fa: {  	v1 =	vld [tilespmem:s11+$0xFFFFFFD0];
	[tilespmem:s12+$0xFFFFFF40] =	vst v4  }
0x3fb: {  	v4 =	vld [tilespmem:s11+$0xFFFFFF50]  }
0x3fc: {  	v5 =	vld [tilespmem:s18+$0xFFFFFF50];
	v0 =	vadd.f32 v0, v2  }
0x3fd: {  	v2 =	vld [tilespmem:s13+$0xFFFFFF80]  }
0x3fe: {  	v3 =	vld [tilespmem:s18+$0xFFFFFFD0];
	v0 =	vmax.f32 v0, $0.0e+00  }
0x3ff: {  	v6 =	vld [tilespmem:s11+$0x50];
	[tilespmem:s12+$0xE0] =	vst v0;
	v0 =	vadd.f32 v9, v8  }
0x400: {  	v7 =	vld [tilespmem:s18+$0x50]  }
0x401: {  	v4 =	vadd.f32 v5, v4;
	v5 =	vld [tilespmem:s7+$0x0];
	v0 =	vmax.f32 v0, $0.0e+00  }
0x402: {  	v55 =	vld [tilespmem:s7+$0xFFFFFF10];
	v2 =	vadd.f32 v11, v2;
	[tilespmem:s14+$0x80] =	vst v0  }
0x403: {  	v0 =	vmax.f32 v4, $0.0e+00;
	v4 =	vld [tilespmem:s13+$0x90]  }
0x404: {  	v1 =	vadd.f32 v3, v1;
	[tilespmem:s12+$0xFFFFFF50] =	vst v0;
	v0 =	vmax.f32 v2, $0.0e+00;
	v2 =	vld [tilespmem:s7+$0x90]  }
0x405: {  	v6 =	vadd.f32 v7, v6;
	v8 =	vld [tilespmem:s11+$0xF0]  }
0x406: {  	v1 =	vmax.f32 v1, $0.0e+00;
	v5 =	vadd.f32 v5, v12;
	v52 =	vld [tilespmem:s18+$0xF0];
	[tilespmem:s14+$0xFFFFFF80] =	vst v0  }
0x407: {  	[tilespmem:s12+$0xFFFFFFD0] =	vst v1;
	v6 =	vmax.f32 v6, $0.0e+00;
	v3 =	vld [tilespmem:s13+$0xFFFFFF90]  }
0x408: {  	v1 =	vmax.f32 v5, $0.0e+00;
	[tilespmem:s12+$0x50] =	vst v6;
	v54 =	vld [tilespmem:s7+$0xFFFFFF90]  }
0x409: {  	v6 =	vld [tilespmem:s18+$0xFFFFFFE0];
	[tilespmem:s14+$0x0] =	vst v1;
	v1 =	vadd.f32 v2, v4  }
0x40a: {  	v58 =	vld [tilespmem:s11+$0x60]  }
0x40b: {  	v59 =	vld [tilespmem:s18+$0x60];
	v1 =	vmax.f32 v1, $0.0e+00  }
0x40c: {  	v0 =	vld [tilespmem:s11+$0xFFFFFF60];
	[tilespmem:s14+$0x90] =	vst v1  }
0x40d: {  	v3 =	vadd.f32 v54, v3;
	v1 =	vld [tilespmem:s13+$0xA0]  }
0x40e: {  	v56 =	vld [tilespmem:s7+$0xA0]  }
0x40f: {  	v4 =	vld [tilespmem:s13+$0x10];
	v3 =	vmax.f32 v3, $0.0e+00  }
0x410: {  	[tilespmem:s14+$0xFFFFFF90] =	vst v3;
	v3 =	vld [tilespmem:s7+$0x10]  }
0x411: {  	v10 =	vadd.f32 v55, v10;
	v7 =	vld [tilespmem:s13+$0xFFFFFFA0]  }
0x412: {  	v57 =	vld [tilespmem:s7+$0xFFFFFFA0]  }
0x413: {  	v10 =	vmax.f32 v10, $0.0e+00;
	v5 =	vld [tilespmem:s18+$0xFFFFFF60];
	v1 =	vadd.f32 v56, v1  }
0x414: {  	[tilespmem:s14+$0xFFFFFF10] =	vst v10;
	v2 =	vld [tilespmem:s11+$0xFFFFFFE0]  }
0x415: {  	v3 =	vadd.f32 v3, v4;
	v4 =	vld [tilespmem:s13+$0xFFFFFF20];
	v1 =	vmax.f32 v1, $0.0e+00  }
0x416: {  	[tilespmem:s14+$0xA0] =	vst v1;
	v1 =	vld [tilespmem:s7+$0xFFFFFF20]  }
0x417: {  	v7 =	vadd.f32 v57, v7;
	v3 =	vmax.f32 v3, $0.0e+00;
	v60 =	vld [tilespmem:s13+$0xB0]  }
0x418: {  	v0 =	vadd.f32 v5, v0;
	[tilespmem:s14+$0x10] =	vst v3;
	v3 =	vld [tilespmem:s7+$0xB0]  }
0x419: {  	v5 =	vmax.f32 v7, $0.0e+00;
	v7 =	vld [tilespmem:s13+$0x20]  }
0x41a: {  	v0 =	vmax.f32 v0, $0.0e+00;
	[tilespmem:s14+$0xFFFFFFA0] =	vst v5;
	v5 =	vld [tilespmem:s7+$0x20]  }
0x41b: {  	[tilespmem:s12+$0xFFFFFF60] =	vst v0;
	v0 =	vld [tilespmem:s7+$0xFFFFFFB0];
	v1 =	vadd.f32 v1, v4  }
0x41c: {  	v4 =	vld [tilespmem:s13+$0xFFFFFFB0]  }
0x41d: {  	v61 =	vld [tilespmem:s11+$0xFFFFFF70];
	v3 =	vadd.f32 v3, v60;
	v1 =	vmax.f32 v1, $0.0e+00  }
0x41e: {  	[tilespmem:s14+$0xFFFFFF20] =	vst v1;
	v1 =	vld [tilespmem:s18+$0xFFFFFF70]  }
0x41f: {  	v5 =	vadd.f32 v5, v7;
	v3 =	vmax.f32 v3, $0.0e+00;
	v7 =	vld [tilespmem:s13+$0xFFFFFF30]  }
0x420: {  	[tilespmem:s14+$0xB0] =	vst v3;
	v3 =	vld [tilespmem:s7+$0xFFFFFF30]  }
0x421: {  	v0 =	vadd.f32 v0, v4;
	v4 =	vmax.f32 v5, $0.0e+00;
	v5 =	vld [tilespmem:s13+$0xC0]  }
0x422: {  	[tilespmem:s14+$0x20] =	vst v4;
	v4 =	vld [tilespmem:s7+$0xC0]  }
0x423: {  	v2 =	vadd.f32 v6, v2;
	v0 =	vmax.f32 v0, $0.0e+00;
	v6 =	vld [tilespmem:s13+$0x30]  }
0x424: {  	[tilespmem:s14+$0xFFFFFFB0] =	vst v0;
	v0 =	vld [tilespmem:s7+$0x30]  }
0x425: {  	v2 =	vmax.f32 v2, $0.0e+00;
	v3 =	vadd.f32 v3, v7;
	v7 =	vld [tilespmem:s13+$0xFFFFFFC0]  }
0x426: {  	[tilespmem:s12+$0xFFFFFFE0] =	vst v2;
	v2 =	vld [tilespmem:s7+$0xFFFFFFC0]  }
0x427: {  	v3 =	vmax.f32 v3, $0.0e+00;
	v4 =	vadd.f32 v4, v5;
	v5 =	vld [tilespmem:s11+$0xFFFFFFF0]  }
0x428: {  	[tilespmem:s14+$0xFFFFFF30] =	vst v3;
	v3 =	vld [tilespmem:s18+$0xFFFFFFF0]  }
0x429: {  	v0 =	vadd.f32 v0, v6;
	v6 =	vld [tilespmem:s13+$0xFFFFFF40];
	v4 =	vmax.f32 v4, $0.0e+00  }
0x42a: {  	[tilespmem:s14+$0xC0] =	vst v4;
	v4 =	vld [tilespmem:s7+$0xFFFFFF40]  }
0x42b: {  	v2 =	vadd.f32 v2, v7;
	v0 =	vmax.f32 v0, $0.0e+00;
	v7 =	vld [tilespmem:s13+$0xD0]  }
0x42c: {  	[tilespmem:s14+$0x30] =	vst v0;
	v0 =	vld [tilespmem:s7+$0xD0]  }
0x42d: {  	v10 =	vadd.f32 v59, v58;
	v2 =	vmax.f32 v2, $0.0e+00;
	v62 =	vld [tilespmem:s13+$0x40]  }
0x42e: {  	[tilespmem:s14+$0xFFFFFFC0] =	vst v2;
	v2 =	vld [tilespmem:s7+$0x40]  }
0x42f: {  	v10 =	vmax.f32 v10, $0.0e+00;
	v63 =	vld [tilespmem:s7+$0xFFFFFFD0];
	v4 =	vadd.f32 v4, v6  }
0x430: {  	v8 =	vadd.f32 v52, v8;
	[tilespmem:s12+$0x60] =	vst v10;
	v6 =	vld [tilespmem:s13+$0xFFFFFFD0]  }
0x431: {  	v10 =	vld [tilespmem:s18+$0x70];
	v4 =	vmax.f32 v4, $0.0e+00;
	v0 =	vadd.f32 v0, v7  }
0x432: {  	v8 =	vmax.f32 v8, $0.0e+00;
	v1 =	vadd.f32 v1, v61;
	v7 =	vld [tilespmem:s11+$0x70];
	[tilespmem:s14+$0xFFFFFF40] =	vst v4  }
0x433: {  	[tilespmem:s12+$0xF0] =	vst v8;
	v8 =	vadd.f32 v2, v62;
	v2 =	vld [tilespmem:s13+$0xFFFFFF50];
	v0 =	vmax.f32 v0, $0.0e+00  }
0x434: {  	v1 =	vmax.f32 v1, $0.0e+00;
	v3 =	vadd.f32 v3, v5;
	v4 =	vld [tilespmem:s7+$0xFFFFFF50];
	[tilespmem:s14+$0xD0] =	vst v0  }
0x435: {  	[tilespmem:s12+$0xFFFFFF70] =	vst v1;
	v0 =	vadd.f32 v63, v6;
	v5 =	vmax.f32 v8, $0.0e+00;
	v1 =	vld [tilespmem:s13+$0xE0]  }
0x436: {  	v6 =	vmax.f32 v3, $0.0e+00;
	[tilespmem:s14+$0x40] =	vst v5;
	v3 =	vld [tilespmem:s7+$0xE0]  }
0x437: {  	[tilespmem:s12+$0xFFFFFFF0] =	vst v6;
	v6 =	vmax.f32 v0, $0.0e+00;
	v5 =	vld [tilespmem:s13+$0x50];
	v0 =	vadd.f32 v10, v7  }
0x438: {  	s8 =	simm.s32 $0x10200;
	s15 =	simm.s32 $0xD800;
	s11 =	simm.s32 $0x4;
	[tilespmem:s14+$0xFFFFFFD0] =	vst v6;
	v6 =	vld [tilespmem:s7+$0x50]  }
.LBB2_13:
0x439: {  	v7 =	vld [tilespmem:s15+$0x80];
	v2 =	vadd.f32 v4, v2;
	s7 =	sadd.s32 $0x200, s7;
	v0 =	vmax.f32 v0, $0.0e+00  }
0x43a: {  	v4 =	vld [tilespmem:s7+$0x80];
	[tilespmem:s12+$0x70] =	vst v0;
	s12 =	smov.u32 s14  }
0x43b: {  	v0 =	vld [tilespmem:s7+$0xFFFFFF00];
	v2 =	vmax.f32 v2, $0.0e+00;
	v1 =	vadd.f32 v3, v1  }
0x43c: {  	v3 =	vld [tilespmem:s15+$0xFFFFFF80];
	[tilespmem:s14+$0xFFFFFF50] =	vst v2  }
0x43d: {  	v2 =	vld [tilespmem:s7+$0xFFFFFF80];
	v5 =	vadd.f32 v6, v5;
	v1 =	vmax.f32 v1, $0.0e+00  }
0x43e: {  	v6 =	vld [tilespmem:s15+$0x0];
	[tilespmem:s14+$0xE0] =	vst v1  }
0x43f: {  	v1 =	vadd.f32 v4, v7;
	v4 =	vmax.f32 v5, $0.0e+00;
	v5 =	vld [tilespmem:s13+$0xF0]  }
0x440: {  	[tilespmem:s14+$0x50] =	vst v4;
	v4 =	vld [tilespmem:s8+$0xF0]  }
0x441: {  	s11 =	sadd.s32 $0x4, s11;
	s14 =	sadd.s32 $0x200, s14;
	v7 =	vld [tilespmem:s7+$0x0];
	v1 =	vmax.f32 v1, $0.0e+00  }
0x442: {  	p0 =	slt.u32 s11, $0x54;
	v8 =	vld [tilespmem:s15+$0xFFFFFF00];
	v2 =	vadd.f32 v2, v3;
	[tilespmem:s14+$0x80] =	vst v1  }
0x443: {  	v1 =	vld [tilespmem:s15+$0x90]  }
0x444: {  	v2 =	vmax.f32 v2, $0.0e+00;
	v3 =	vld [tilespmem:s7+$0x90]  }
0x445: {  	[tilespmem:s14+$0xFFFFFF80] =	vst v2;
	v2 =	vld [tilespmem:s13+$0xFFFFFF60];
	v4 =	vadd.f32 v4, v5  }
0x446: {  	v5 =	vld [tilespmem:s15+$0xFFFFFF90];
	v6 =	vadd.f32 v7, v6  }
0x447: {  	v0 =	vadd.f32 v0, v8;
	v7 =	vld [tilespmem:s7+$0xFFFFFF90];
	v4 =	vmax.f32 v4, $0.0e+00  }
0x448: {  	v6 =	vmax.f32 v6, $0.0e+00;
	v8 =	vld [tilespmem:s8+$0xFFFFFF60];
	[tilespmem:s12+$0xF0] =	vst v4  }
0x449: {  	v0 =	vmax.f32 v0, $0.0e+00;
	[tilespmem:s14+$0x0] =	vst v6;
	v1 =	vadd.f32 v3, v1;
	v3 =	vld [tilespmem:s13+$0xFFFFFFE0]  }
0x44a: {  	[tilespmem:s14+$0xFFFFFF00] =	vst v0;
	v0 =	vld [tilespmem:s15+$0x10]  }
0x44b: {  	v4 =	vld [tilespmem:s15+$0xFFFFFF10];
	v1 =	vmax.f32 v1, $0.0e+00  }
0x44c: {  	v6 =	vld [tilespmem:s7+$0xFFFFFF10];
	v5 =	vadd.f32 v7, v5;
	[tilespmem:s14+$0x90] =	vst v1  }
0x44d: {  	v1 =	vld [tilespmem:s15+$0xA0];
	v2 =	vadd.f32 v8, v2  }
0x44e: {  	v5 =	vmax.f32 v5, $0.0e+00;
	v7 =	vld [tilespmem:s7+$0xA0]  }
0x44f: {  	[tilespmem:s14+$0xFFFFFF90] =	vst v5;
	v5 =	vld [tilespmem:s7+$0x10];
	v2 =	vmax.f32 v2, $0.0e+00  }
0x450: {  	v8 =	vld [tilespmem:s15+$0xFFFFFFA0];
	[tilespmem:s12+$0xFFFFFF60] =	vst v2  }
0x451: {  	v2 =	vadd.f32 v6, v4;
	v4 =	vld [tilespmem:s7+$0xFFFFFFA0]  }
0x452: {  	v6 =	vld [tilespmem:s8+$0xFFFFFFE0]  }
0x453: {  	v2 =	vmax.f32 v2, $0.0e+00;
	v1 =	vadd.f32 v7, v1;
	v7 =	vld [tilespmem:s13+$0x60]  }
0x454: {  	[tilespmem:s14+$0xFFFFFF10] =	vst v2;
	v0 =	vadd.f32 v5, v0;
	v2 =	vld [tilespmem:s8+$0x60]  }
0x455: {  	v5 =	vld [tilespmem:s15+$0xFFFFFF20];
	v1 =	vmax.f32 v1, $0.0e+00  }
0x456: {  	v9 =	vld [tilespmem:s7+$0xFFFFFF20];
	v4 =	vadd.f32 v4, v8;
	v0 =	vmax.f32 v0, $0.0e+00;
	[tilespmem:s14+$0xA0] =	vst v1  }
0x457: {  	[tilespmem:s14+$0x10] =	vst v0;
	v0 =	vld [tilespmem:s15+$0xB0];
	v1 =	vadd.f32 v6, v3  }
0x458: {  	v3 =	vmax.f32 v4, $0.0e+00;
	v4 =	vld [tilespmem:s7+$0xB0]  }
0x459: {  	[tilespmem:s14+$0xFFFFFFA0] =	vst v3;
	v3 =	vld [tilespmem:s15+$0x20];
	v1 =	vmax.f32 v1, $0.0e+00;
	v2 =	vadd.f32 v2, v7  }
0x45a: {  	v6 =	vld [tilespmem:s7+$0x20];
	[tilespmem:s12+$0xFFFFFFE0] =	vst v1  }
0x45b: {  	v1 =	vadd.f32 v9, v5;
	v5 =	vld [tilespmem:s15+$0xFFFFFFB0];
	v2 =	vmax.f32 v2, $0.0e+00  }
0x45c: {  	v7 =	vld [tilespmem:s7+$0xFFFFFFB0];
	[tilespmem:s12+$0x60] =	vst v2  }
0x45d: {  	v1 =	vmax.f32 v1, $0.0e+00;
	v0 =	vadd.f32 v4, v0;
	v2 =	vld [tilespmem:s13+$0xFFFFFF70]  }
0x45e: {  	[tilespmem:s14+$0xFFFFFF20] =	vst v1;
	v1 =	vld [tilespmem:s8+$0xFFFFFF70]  }
0x45f: {  	v4 =	vld [tilespmem:s15+$0xFFFFFF30];
	v3 =	vadd.f32 v6, v3;
	v0 =	vmax.f32 v0, $0.0e+00  }
0x460: {  	v6 =	vld [tilespmem:s7+$0xFFFFFF30];
	[tilespmem:s14+$0xB0] =	vst v0  }
0x461: {  	v0 =	vadd.f32 v7, v5;
	v3 =	vmax.f32 v3, $0.0e+00;
	v5 =	vld [tilespmem:s15+$0xC0]  }
0x462: {  	[tilespmem:s14+$0x20] =	vst v3;
	v3 =	vld [tilespmem:s7+$0xC0]  }
0x463: {  	v0 =	vmax.f32 v0, $0.0e+00;
	v7 =	vld [tilespmem:s15+$0x30];
	v1 =	vadd.f32 v1, v2  }
0x464: {  	[tilespmem:s14+$0xFFFFFFB0] =	vst v0;
	v0 =	vld [tilespmem:s7+$0x30]  }
0x465: {  	v2 =	vadd.f32 v6, v4;
	v4 =	vld [tilespmem:s15+$0xFFFFFFC0];
	v1 =	vmax.f32 v1, $0.0e+00  }
0x466: {  	v6 =	vld [tilespmem:s7+$0xFFFFFFC0];
	[tilespmem:s12+$0xFFFFFF70] =	vst v1  }
0x467: {  	v1 =	vmax.f32 v2, $0.0e+00;
	v2 =	vadd.f32 v3, v5;
	v3 =	vld [tilespmem:s13+$0xFFFFFFF0]  }
0x468: {  	[tilespmem:s14+$0xFFFFFF30] =	vst v1;
	v1 =	vld [tilespmem:s8+$0xFFFFFFF0]  }
0x469: {  	v5 =	vld [tilespmem:s15+$0xFFFFFF40];
	v0 =	vadd.f32 v0, v7;
	v2 =	vmax.f32 v2, $0.0e+00  }
0x46a: {  	v7 =	vld [tilespmem:s7+$0xFFFFFF40];
	[tilespmem:s14+$0xC0] =	vst v2  }
0x46b: {  	v2 =	vadd.f32 v6, v4;
	v0 =	vmax.f32 v0, $0.0e+00;
	v4 =	vld [tilespmem:s15+$0xD0]  }
0x46c: {  	[tilespmem:s14+$0x30] =	vst v0;
	v0 =	vld [tilespmem:s7+$0xD0]  }
0x46d: {  	v2 =	vmax.f32 v2, $0.0e+00;
	v6 =	vld [tilespmem:s15+$0x40];
	v1 =	vadd.f32 v1, v3  }
0x46e: {  	[tilespmem:s14+$0xFFFFFFC0] =	vst v2;
	v3 =	vld [tilespmem:s7+$0x40]  }
0x46f: {  	v2 =	vadd.f32 v7, v5;
	v5 =	vld [tilespmem:s15+$0xFFFFFFD0];
	v1 =	vmax.f32 v1, $0.0e+00  }
0x470: {  	v7 =	vld [tilespmem:s7+$0xFFFFFFD0];
	[tilespmem:s12+$0xFFFFFFF0] =	vst v1  }
0x471: {  	v1 =	vmax.f32 v2, $0.0e+00;
	v0 =	vadd.f32 v0, v4;
	v8 =	vld [tilespmem:s13+$0x70];
	s13 =	smov.u32 s15  }
0x472: {  	[tilespmem:s14+$0xFFFFFF40] =	vst v1;
	v9 =	vld [tilespmem:s8+$0x70];
	s8 =	smov.u32 s7  }
0x473: {  	v2 =	vld [tilespmem:s15+$0xFFFFFF50];
	v1 =	vadd.f32 v3, v6;
	v0 =	vmax.f32 v0, $0.0e+00  }
.Ltmp6:
0x474: {  	v4 =	vld [tilespmem:s7+$0xFFFFFF50];
	[tilespmem:s14+$0xD0] =	vst v0;
	(pc) =	sbr.rel @p0 .LBB2_13-.Ltmp6, $4  }
0x475: {  	v0 =	vadd.f32 v7, v5;
	v3 =	vmax.f32 v1, $0.0e+00;
	v1 =	vld [tilespmem:s15+$0xE0]  }
0x476: {  	[tilespmem:s14+$0x40] =	vst v3;
	v3 =	vld [tilespmem:s7+$0xE0]  }
0x477: {  	v6 =	vmax.f32 v0, $0.0e+00;
	v5 =	vld [tilespmem:s15+$0x50];
	v0 =	vadd.f32 v9, v8  }
0x478: {  	s15 =	sadd.s32 $0x200, s15;
	[tilespmem:s14+$0xFFFFFFD0] =	vst v6;
	v6 =	vld [tilespmem:s7+$0x50]  }
0x479: {  	v2 =	vadd.f32 v4, v2;
	_ =	sdelay $0x1  }
0x47a: {  	v2 =	vmax.f32 v2, $0.0e+00  }
0x47b: {  	[tilespmem:s14+$0xFFFFFF50] =	vst v2  }
0x47c: {  	v2 =	vadd.f32 v6, v5;
	v4 =	vld [tilespmem:s13+$0xFFFFFF60]  }
0x47d: {  	v5 =	vld [tilespmem:s8+$0xFFFFFF60]  }
0x47e: {  	v6 =	vld [tilespmem:s13+$0xFFFFFFE0];
	v2 =	vmax.f32 v2, $0.0e+00  }
0x47f: {  	[tilespmem:s14+$0x50] =	vst v2;
	v2 =	vld [tilespmem:s8+$0xFFFFFFE0]  }
0x480: {  	v1 =	vadd.f32 v3, v1;
	v3 =	vld [tilespmem:s13+$0x60]  }
0x481: {  	v7 =	vld [tilespmem:s8+$0x60]  }
0x482: {  	v1 =	vmax.f32 v1, $0.0e+00;
	v4 =	vadd.f32 v5, v4  }
0x483: {  	[tilespmem:s14+$0xE0] =	vst v1  }
0x484: {  	v1 =	vld [tilespmem:s13+$0xF0];
	v4 =	vmax.f32 v4, $0.0e+00;
	v2 =	vadd.f32 v2, v6  }
0x485: {  	v5 =	vld [tilespmem:s8+$0xF0];
	[tilespmem:s14+$0xFFFFFF60] =	vst v4  }
0x486: {  	v3 =	vadd.f32 v7, v3;
	v4 =	vld [tilespmem:s13+$0xFFFFFF70];
	v2 =	vmax.f32 v2, $0.0e+00  }
0x487: {  	[tilespmem:s14+$0xFFFFFFE0] =	vst v2;
	v2 =	vld [tilespmem:s8+$0xFFFFFF70]  }
0x488: {  	v3 =	vmax.f32 v3, $0.0e+00;
	v6 =	vld [tilespmem:s13+$0xFFFFFFF0]  }
0x489: {  	[tilespmem:s14+$0x60] =	vst v3;
	v3 =	vld [tilespmem:s8+$0xFFFFFFF0]  }
0x48a: {  	v7 =	vld [tilespmem:s13+$0x70]  }
0x48b: {  	v8 =	vld [tilespmem:s8+$0x70];
	_ =	sdelay $0x1  }
0x48c: {  	v1 =	vadd.f32 v5, v1  }
0x48d: {  	v0 =	vmax.f32 v0, $0.0e+00;
	v2 =	vadd.f32 v2, v4  }
0x48e: {  	[tilespmem:s12+$0x70] =	vst v0;
	v0 =	vmax.f32 v1, $0.0e+00;
	v1 =	vadd.f32 v3, v6  }
0x48f: {  	[tilespmem:s14+$0xF0] =	vst v0;
	v0 =	vmax.f32 v2, $0.0e+00;
	v2 =	vadd.f32 v8, v7  }
0x490: {  	[tilespmem:s14+$0xFFFFFF70] =	vst v0;
	v0 =	vmax.f32 v1, $0.0e+00  }
0x491: {  	[tilespmem:s14+$0xFFFFFFF0] =	vst v0;
	v0 =	vmax.f32 v2, $0.0e+00  }
0x492: {  	[tilespmem:s14+$0x70] =	vst v0  }
0x493: {  	s7 =	rddreg [dreg:$0x6]  }
0x494: {  	[hbm4b:s7+s3] =	stream.linear.scatter [tilespmem:s0], [sflag:$0x6], $0x2C00, $0x38;
	[tilespmem:$0x1DB00] =	vst v63  }
0x495: {  	_ =	swait.ge [sflag:s21], $0x1C00  }
0x496: {  	[sflag:s21] =	ssyncset.done $0x0  }
0x497: {  	[sflag:s21] =	ssyncadd.s32 $0xFFFFE400  }
0x498: {  	_ =	swait.ge [sflag:s23], $0x1C00  }
0x499: {  	[sflag:s23] =	ssyncset.done $0x0  }
0x49a: {  	s15 =	simm.s32 $0x9;
	[sflag:s23] =	ssyncadd.s32 $0xFFFFE400  }
0x49b: {  	_ =	swait.ge [sflag:s15], $0x2C00  }
0x49c: {  	[sflag:s15] =	ssyncset.done $0x0  }
0x49d: {  	s11 =	simm.s32 $0x15800;
	[sflag:s15] =	ssyncadd.s32 $0xFFFFD400  }
0x49e: {  	s18 =	simm.s32 $0x18400;
	v0 =	vld [tilespmem:s11+$0x80]  }
0x49f: {  	v1 =	vld [tilespmem:s18+$0x80];
	_ =	sdelay $0x4  }
0x4a0: {  	v2 =	vld [tilespmem:s11+$0xFFFFFF80];
	v0 =	vadd.f32 v1, v0  }
0x4a1: {  	v1 =	vld [tilespmem:s18+$0xFFFFFF80]  }
0x4a2: {  	s12 =	simm.s32 $0x1B000;
	v3 =	vld [tilespmem:s18+$0xFFFFFF00];
	v0 =	vmax.f32 v0, $0.0e+00  }
0x4a3: {  	v4 =	vld [tilespmem:s11+$0xFFFFFF00];
	[tilespmem:s12+$0x80] =	vst v0  }
0x4a4: {  	v0 =	vld [tilespmem:s11+$0x90]  }
0x4a5: {  	v5 =	vld [tilespmem:s18+$0x90]  }
0x4a6: {  	v6 =	vld [tilespmem:s11+$0x0];
	v1 =	vadd.f32 v1, v2  }
0x4a7: {  	v2 =	vld [tilespmem:s18+$0x0]  }
0x4a8: {  	v3 =	vadd.f32 v3, v4;
	v1 =	vmax.f32 v1, $0.0e+00  }
0x4a9: {  	[tilespmem:s12+$0xFFFFFF80] =	vst v1  }
0x4aa: {  	v3 =	vmax.f32 v3, $0.0e+00;
	v1 =	vld [tilespmem:s11+$0xFFFFFF90];
	v0 =	vadd.f32 v5, v0  }
0x4ab: {  	[tilespmem:s12+$0xFFFFFF00] =	vst v3;
	v4 =	vld [tilespmem:s18+$0xFFFFFF90]  }
0x4ac: {  	v3 =	vld [tilespmem:s11+$0xFFFFFF10];
	v2 =	vadd.f32 v2, v6;
	v0 =	vmax.f32 v0, $0.0e+00  }
0x4ad: {  	v5 =	vld [tilespmem:s18+$0xFFFFFF10];
	[tilespmem:s12+$0x90] =	vst v0  }
0x4ae: {  	v0 =	vmax.f32 v2, $0.0e+00;
	v2 =	vld [tilespmem:s11+$0xA0]  }
0x4af: {  	[tilespmem:s12+$0x0] =	vst v0;
	v0 =	vld [tilespmem:s18+$0xA0]  }
0x4b0: {  	v6 =	vld [tilespmem:s11+$0x10];
	v1 =	vadd.f32 v4, v1  }
0x4b1: {  	v4 =	vld [tilespmem:s18+$0x10]  }
0x4b2: {  	v1 =	vmax.f32 v1, $0.0e+00  }
0x4b3: {  	v3 =	vadd.f32 v5, v3;
	[tilespmem:s12+$0xFFFFFF90] =	vst v1  }
0x4b4: {  	v1 =	vld [tilespmem:s11+$0xFFFFFFA0];
	v0 =	vadd.f32 v0, v2  }
0x4b5: {  	v3 =	vmax.f32 v3, $0.0e+00;
	v2 =	vld [tilespmem:s18+$0xFFFFFFA0]  }
0x4b6: {  	[tilespmem:s12+$0xFFFFFF10] =	vst v3;
	v3 =	vadd.f32 v4, v6;
	v0 =	vmax.f32 v0, $0.0e+00  }
0x4b7: {  	[tilespmem:s12+$0xA0] =	vst v0  }
0x4b8: {  	v0 =	vmax.f32 v3, $0.0e+00;
	v3 =	vld [tilespmem:s11+$0xB0]  }
0x4b9: {  	[tilespmem:s12+$0x10] =	vst v0;
	v0 =	vld [tilespmem:s18+$0xB0]  }
0x4ba: {  	v1 =	vadd.f32 v2, v1;
	v2 =	vld [tilespmem:s11+$0x20]  }
0x4bb: {  	v6 =	vld [tilespmem:s18+$0x20]  }
0x4bc: {  	v5 =	vld [tilespmem:s18+$0xFFFFFF20];
	v1 =	vmax.f32 v1, $0.0e+00  }
0x4bd: {  	v4 =	vld [tilespmem:s11+$0xFFFFFF20];
	[tilespmem:s12+$0xFFFFFFA0] =	vst v1  }
0x4be: {  	v1 =	vld [tilespmem:s11+$0xFFFFFFB0];
	v0 =	vadd.f32 v0, v3  }
0x4bf: {  	v3 =	vld [tilespmem:s18+$0xFFFFFFB0]  }
0x4c0: {  	v2 =	vadd.f32 v6, v2;
	v0 =	vmax.f32 v0, $0.0e+00  }
0x4c1: {  	[tilespmem:s12+$0xB0] =	vst v0  }
0x4c2: {  	v4 =	vadd.f32 v5, v4;
	v0 =	vmax.f32 v2, $0.0e+00;
	v2 =	vld [tilespmem:s11+$0xC0]  }
0x4c3: {  	[tilespmem:s12+$0x20] =	vst v0;
	v0 =	vld [tilespmem:s18+$0xC0]  }
0x4c4: {  	v4 =	vmax.f32 v4, $0.0e+00;
	v1 =	vadd.f32 v3, v1;
	v3 =	vld [tilespmem:s11+$0x30]  }
0x4c5: {  	[tilespmem:s12+$0xFFFFFF20] =	vst v4;
	v6 =	vld [tilespmem:s18+$0x30]  }
0x4c6: {  	v4 =	vld [tilespmem:s11+$0xFFFFFF30];
	v1 =	vmax.f32 v1, $0.0e+00  }
0x4c7: {  	v5 =	vld [tilespmem:s18+$0xFFFFFF30];
	[tilespmem:s12+$0xFFFFFFB0] =	vst v1  }
0x4c8: {  	v1 =	vld [tilespmem:s11+$0xFFFFFFC0];
	v0 =	vadd.f32 v0, v2  }
0x4c9: {  	v2 =	vld [tilespmem:s18+$0xFFFFFFC0]  }
0x4ca: {  	s7 =	simm.s32 $0x18600;
	v3 =	vadd.f32 v6, v3;
	v0 =	vmax.f32 v0, $0.0e+00  }
0x4cb: {  	v10 =	vld [tilespmem:s7+$0xFFFFFF00];
	[tilespmem:s12+$0xC0] =	vst v0  }
0x4cc: {  	v0 =	vmax.f32 v3, $0.0e+00;
	v3 =	vld [tilespmem:s11+$0xD0]  }
0x4cd: {  	v4 =	vadd.f32 v5, v4;
	[tilespmem:s12+$0x30] =	vst v0;
	v0 =	vld [tilespmem:s18+$0xD0]  }
0x4ce: {  	v1 =	vadd.f32 v2, v1;
	v2 =	vld [tilespmem:s11+$0x40]  }
0x4cf: {  	s13 =	simm.s32 $0x15A00;
	v4 =	vmax.f32 v4, $0.0e+00;
	v6 =	vld [tilespmem:s18+$0x40]  }
0x4d0: {  	v53 =	vld [tilespmem:s13+$0xFFFFFF00];
	[tilespmem:s12+$0xFFFFFF30] =	vst v4  }
0x4d1: {  	v4 =	vld [tilespmem:s11+$0xFFFFFF40]  }
0x4d2: {  	v5 =	vld [tilespmem:s18+$0xFFFFFF40];
	v0 =	vadd.f32 v0, v3  }
0x4d3: {  	v8 =	vld [tilespmem:s13+$0x80]  }
0x4d4: {  	v9 =	vld [tilespmem:s7+$0x80];
	v2 =	vadd.f32 v6, v2;
	v0 =	vmax.f32 v0, $0.0e+00  }
0x4d5: {  	v11 =	vld [tilespmem:s7+$0xFFFFFF80];
	v10 =	vadd.f32 v10, v53;
	[tilespmem:s12+$0xD0] =	vst v0  }
0x4d6: {  	v0 =	vmax.f32 v2, $0.0e+00;
	v2 =	vld [tilespmem:s11+$0xE0]  }
0x4d7: {  	s14 =	simm.s32 $0x1B200;
	v10 =	vmax.f32 v10, $0.0e+00;
	v4 =	vadd.f32 v5, v4;
	[tilespmem:s12+$0x40] =	vst v0;
	v0 =	vld [tilespmem:s18+$0xE0]  }
0x4d8: {  	v12 =	vld [tilespmem:s13+$0x0];
	[tilespmem:s14+$0xFFFFFF00] =	vst v10;
	v1 =	vmax.f32 v1, $0.0e+00  }
0x4d9: {  	v10 =	vld [tilespmem:s13+$0xFFFFFF10];
	[tilespmem:s12+$0xFFFFFFC0] =	vst v1;
	v4 =	vmax.f32 v4, $0.0e+00  }
0x4da: {  	v1 =	vld [tilespmem:s11+$0xFFFFFFD0];
	[tilespmem:s12+$0xFFFFFF40] =	vst v4  }
0x4db: {  	v4 =	vld [tilespmem:s11+$0xFFFFFF50]  }
0x4dc: {  	v5 =	vld [tilespmem:s18+$0xFFFFFF50];
	v0 =	vadd.f32 v0, v2  }
0x4dd: {  	v2 =	vld [tilespmem:s13+$0xFFFFFF80]  }
0x4de: {  	v3 =	vld [tilespmem:s18+$0xFFFFFFD0];
	v0 =	vmax.f32 v0, $0.0e+00  }
0x4df: {  	v6 =	vld [tilespmem:s11+$0x50];
	[tilespmem:s12+$0xE0] =	vst v0;
	v0 =	vadd.f32 v9, v8  }
0x4e0: {  	v7 =	vld [tilespmem:s18+$0x50]  }
0x4e1: {  	v4 =	vadd.f32 v5, v4;
	v5 =	vld [tilespmem:s7+$0x0];
	v0 =	vmax.f32 v0, $0.0e+00  }
0x4e2: {  	v55 =	vld [tilespmem:s7+$0xFFFFFF10];
	v2 =	vadd.f32 v11, v2;
	[tilespmem:s14+$0x80] =	vst v0  }
0x4e3: {  	v0 =	vmax.f32 v4, $0.0e+00;
	v4 =	vld [tilespmem:s13+$0x90]  }
0x4e4: {  	v1 =	vadd.f32 v3, v1;
	[tilespmem:s12+$0xFFFFFF50] =	vst v0;
	v0 =	vmax.f32 v2, $0.0e+00;
	v2 =	vld [tilespmem:s7+$0x90]  }
0x4e5: {  	v6 =	vadd.f32 v7, v6;
	v8 =	vld [tilespmem:s11+$0xF0]  }
0x4e6: {  	v1 =	vmax.f32 v1, $0.0e+00;
	v5 =	vadd.f32 v5, v12;
	v52 =	vld [tilespmem:s18+$0xF0];
	[tilespmem:s14+$0xFFFFFF80] =	vst v0  }
0x4e7: {  	[tilespmem:s12+$0xFFFFFFD0] =	vst v1;
	v6 =	vmax.f32 v6, $0.0e+00;
	v3 =	vld [tilespmem:s13+$0xFFFFFF90]  }
0x4e8: {  	v1 =	vmax.f32 v5, $0.0e+00;
	[tilespmem:s12+$0x50] =	vst v6;
	v54 =	vld [tilespmem:s7+$0xFFFFFF90]  }
0x4e9: {  	v6 =	vld [tilespmem:s18+$0xFFFFFFE0];
	[tilespmem:s14+$0x0] =	vst v1;
	v1 =	vadd.f32 v2, v4  }
0x4ea: {  	v58 =	vld [tilespmem:s11+$0x60]  }
0x4eb: {  	v59 =	vld [tilespmem:s18+$0x60];
	v1 =	vmax.f32 v1, $0.0e+00  }
0x4ec: {  	v0 =	vld [tilespmem:s11+$0xFFFFFF60];
	[tilespmem:s14+$0x90] =	vst v1  }
0x4ed: {  	v3 =	vadd.f32 v54, v3;
	v1 =	vld [tilespmem:s13+$0xA0]  }
0x4ee: {  	v56 =	vld [tilespmem:s7+$0xA0]  }
0x4ef: {  	v4 =	vld [tilespmem:s13+$0x10];
	v3 =	vmax.f32 v3, $0.0e+00  }
0x4f0: {  	[tilespmem:s14+$0xFFFFFF90] =	vst v3;
	v3 =	vld [tilespmem:s7+$0x10]  }
0x4f1: {  	v10 =	vadd.f32 v55, v10;
	v7 =	vld [tilespmem:s13+$0xFFFFFFA0]  }
0x4f2: {  	v57 =	vld [tilespmem:s7+$0xFFFFFFA0]  }
0x4f3: {  	v10 =	vmax.f32 v10, $0.0e+00;
	v5 =	vld [tilespmem:s18+$0xFFFFFF60];
	v1 =	vadd.f32 v56, v1  }
0x4f4: {  	[tilespmem:s14+$0xFFFFFF10] =	vst v10;
	v2 =	vld [tilespmem:s11+$0xFFFFFFE0]  }
0x4f5: {  	v3 =	vadd.f32 v3, v4;
	v4 =	vld [tilespmem:s13+$0xFFFFFF20];
	v1 =	vmax.f32 v1, $0.0e+00  }
0x4f6: {  	[tilespmem:s14+$0xA0] =	vst v1;
	v1 =	vld [tilespmem:s7+$0xFFFFFF20]  }
0x4f7: {  	v7 =	vadd.f32 v57, v7;
	v3 =	vmax.f32 v3, $0.0e+00;
	v60 =	vld [tilespmem:s13+$0xB0]  }
0x4f8: {  	v0 =	vadd.f32 v5, v0;
	[tilespmem:s14+$0x10] =	vst v3;
	v3 =	vld [tilespmem:s7+$0xB0]  }
0x4f9: {  	v5 =	vmax.f32 v7, $0.0e+00;
	v7 =	vld [tilespmem:s13+$0x20]  }
0x4fa: {  	v0 =	vmax.f32 v0, $0.0e+00;
	[tilespmem:s14+$0xFFFFFFA0] =	vst v5;
	v5 =	vld [tilespmem:s7+$0x20]  }
0x4fb: {  	[tilespmem:s12+$0xFFFFFF60] =	vst v0;
	v0 =	vld [tilespmem:s7+$0xFFFFFFB0];
	v1 =	vadd.f32 v1, v4  }
0x4fc: {  	v4 =	vld [tilespmem:s13+$0xFFFFFFB0]  }
0x4fd: {  	v61 =	vld [tilespmem:s11+$0xFFFFFF70];
	v3 =	vadd.f32 v3, v60;
	v1 =	vmax.f32 v1, $0.0e+00  }
0x4fe: {  	[tilespmem:s14+$0xFFFFFF20] =	vst v1;
	v1 =	vld [tilespmem:s18+$0xFFFFFF70]  }
0x4ff: {  	v5 =	vadd.f32 v5, v7;
	v3 =	vmax.f32 v3, $0.0e+00;
	v7 =	vld [tilespmem:s13+$0xFFFFFF30]  }
0x500: {  	[tilespmem:s14+$0xB0] =	vst v3;
	v3 =	vld [tilespmem:s7+$0xFFFFFF30]  }
0x501: {  	v0 =	vadd.f32 v0, v4;
	v4 =	vmax.f32 v5, $0.0e+00;
	v5 =	vld [tilespmem:s13+$0xC0]  }
0x502: {  	[tilespmem:s14+$0x20] =	vst v4;
	v4 =	vld [tilespmem:s7+$0xC0]  }
0x503: {  	v2 =	vadd.f32 v6, v2;
	v0 =	vmax.f32 v0, $0.0e+00;
	v6 =	vld [tilespmem:s13+$0x30]  }
0x504: {  	[tilespmem:s14+$0xFFFFFFB0] =	vst v0;
	v0 =	vld [tilespmem:s7+$0x30]  }
0x505: {  	v2 =	vmax.f32 v2, $0.0e+00;
	v3 =	vadd.f32 v3, v7;
	v7 =	vld [tilespmem:s13+$0xFFFFFFC0]  }
0x506: {  	[tilespmem:s12+$0xFFFFFFE0] =	vst v2;
	v2 =	vld [tilespmem:s7+$0xFFFFFFC0]  }
0x507: {  	v3 =	vmax.f32 v3, $0.0e+00;
	v4 =	vadd.f32 v4, v5;
	v5 =	vld [tilespmem:s11+$0xFFFFFFF0]  }
0x508: {  	[tilespmem:s14+$0xFFFFFF30] =	vst v3;
	v3 =	vld [tilespmem:s18+$0xFFFFFFF0]  }
0x509: {  	v0 =	vadd.f32 v0, v6;
	v6 =	vld [tilespmem:s13+$0xFFFFFF40];
	v4 =	vmax.f32 v4, $0.0e+00  }
0x50a: {  	[tilespmem:s14+$0xC0] =	vst v4;
	v4 =	vld [tilespmem:s7+$0xFFFFFF40]  }
0x50b: {  	v2 =	vadd.f32 v2, v7;
	v0 =	vmax.f32 v0, $0.0e+00;
	v7 =	vld [tilespmem:s13+$0xD0]  }
0x50c: {  	[tilespmem:s14+$0x30] =	vst v0;
	v0 =	vld [tilespmem:s7+$0xD0]  }
0x50d: {  	v10 =	vadd.f32 v59, v58;
	v2 =	vmax.f32 v2, $0.0e+00;
	v62 =	vld [tilespmem:s13+$0x40]  }
0x50e: {  	[tilespmem:s14+$0xFFFFFFC0] =	vst v2;
	v2 =	vld [tilespmem:s7+$0x40]  }
0x50f: {  	v10 =	vmax.f32 v10, $0.0e+00;
	v63 =	vld [tilespmem:s7+$0xFFFFFFD0];
	v4 =	vadd.f32 v4, v6  }
0x510: {  	v8 =	vadd.f32 v52, v8;
	[tilespmem:s12+$0x60] =	vst v10;
	v6 =	vld [tilespmem:s13+$0xFFFFFFD0]  }
0x511: {  	v10 =	vld [tilespmem:s18+$0x70];
	v4 =	vmax.f32 v4, $0.0e+00;
	v0 =	vadd.f32 v0, v7  }
0x512: {  	v8 =	vmax.f32 v8, $0.0e+00;
	v1 =	vadd.f32 v1, v61;
	v7 =	vld [tilespmem:s11+$0x70];
	[tilespmem:s14+$0xFFFFFF40] =	vst v4  }
0x513: {  	[tilespmem:s12+$0xF0] =	vst v8;
	v8 =	vadd.f32 v2, v62;
	v2 =	vld [tilespmem:s13+$0xFFFFFF50];
	v0 =	vmax.f32 v0, $0.0e+00  }
0x514: {  	v1 =	vmax.f32 v1, $0.0e+00;
	v3 =	vadd.f32 v3, v5;
	v4 =	vld [tilespmem:s7+$0xFFFFFF50];
	[tilespmem:s14+$0xD0] =	vst v0  }
0x515: {  	[tilespmem:s12+$0xFFFFFF70] =	vst v1;
	v0 =	vadd.f32 v63, v6;
	v5 =	vmax.f32 v8, $0.0e+00;
	v1 =	vld [tilespmem:s13+$0xE0]  }
0x516: {  	v6 =	vmax.f32 v3, $0.0e+00;
	[tilespmem:s14+$0x40] =	vst v5;
	v3 =	vld [tilespmem:s7+$0xE0]  }
0x517: {  	[tilespmem:s12+$0xFFFFFFF0] =	vst v6;
	v6 =	vmax.f32 v0, $0.0e+00;
	v5 =	vld [tilespmem:s13+$0x50];
	v0 =	vadd.f32 v10, v7  }
0x518: {  	s8 =	simm.s32 $0x18600;
	s15 =	simm.s32 $0x15C00;
	s11 =	simm.s32 $0x4;
	[tilespmem:s14+$0xFFFFFFD0] =	vst v6;
	v6 =	vld [tilespmem:s7+$0x50]  }
.LBB2_15:
0x519: {  	v7 =	vld [tilespmem:s15+$0x80];
	v2 =	vadd.f32 v4, v2;
	s7 =	sadd.s32 $0x200, s7;
	v0 =	vmax.f32 v0, $0.0e+00  }
0x51a: {  	v4 =	vld [tilespmem:s7+$0x80];
	[tilespmem:s12+$0x70] =	vst v0;
	s12 =	smov.u32 s14  }
0x51b: {  	v0 =	vld [tilespmem:s7+$0xFFFFFF00];
	v2 =	vmax.f32 v2, $0.0e+00;
	v1 =	vadd.f32 v3, v1  }
0x51c: {  	v3 =	vld [tilespmem:s15+$0xFFFFFF80];
	[tilespmem:s14+$0xFFFFFF50] =	vst v2  }
0x51d: {  	v2 =	vld [tilespmem:s7+$0xFFFFFF80];
	v5 =	vadd.f32 v6, v5;
	v1 =	vmax.f32 v1, $0.0e+00  }
0x51e: {  	v6 =	vld [tilespmem:s15+$0x0];
	[tilespmem:s14+$0xE0] =	vst v1  }
0x51f: {  	v1 =	vadd.f32 v4, v7;
	v4 =	vmax.f32 v5, $0.0e+00;
	v5 =	vld [tilespmem:s13+$0xF0]  }
0x520: {  	[tilespmem:s14+$0x50] =	vst v4;
	v4 =	vld [tilespmem:s8+$0xF0]  }
0x521: {  	s11 =	sadd.s32 $0x4, s11;
	s14 =	sadd.s32 $0x200, s14;
	v7 =	vld [tilespmem:s7+$0x0];
	v1 =	vmax.f32 v1, $0.0e+00  }
0x522: {  	p0 =	slt.u32 s11, $0x34;
	v8 =	vld [tilespmem:s15+$0xFFFFFF00];
	v2 =	vadd.f32 v2, v3;
	[tilespmem:s14+$0x80] =	vst v1  }
0x523: {  	v1 =	vld [tilespmem:s15+$0x90]  }
0x524: {  	v2 =	vmax.f32 v2, $0.0e+00;
	v3 =	vld [tilespmem:s7+$0x90]  }
0x525: {  	[tilespmem:s14+$0xFFFFFF80] =	vst v2;
	v2 =	vld [tilespmem:s13+$0xFFFFFF60];
	v4 =	vadd.f32 v4, v5  }
0x526: {  	v5 =	vld [tilespmem:s15+$0xFFFFFF90];
	v6 =	vadd.f32 v7, v6  }
0x527: {  	v0 =	vadd.f32 v0, v8;
	v7 =	vld [tilespmem:s7+$0xFFFFFF90];
	v4 =	vmax.f32 v4, $0.0e+00  }
0x528: {  	v6 =	vmax.f32 v6, $0.0e+00;
	v8 =	vld [tilespmem:s8+$0xFFFFFF60];
	[tilespmem:s12+$0xF0] =	vst v4  }
0x529: {  	v0 =	vmax.f32 v0, $0.0e+00;
	[tilespmem:s14+$0x0] =	vst v6;
	v1 =	vadd.f32 v3, v1;
	v3 =	vld [tilespmem:s13+$0xFFFFFFE0]  }
0x52a: {  	[tilespmem:s14+$0xFFFFFF00] =	vst v0;
	v0 =	vld [tilespmem:s15+$0x10]  }
0x52b: {  	v4 =	vld [tilespmem:s15+$0xFFFFFF10];
	v1 =	vmax.f32 v1, $0.0e+00  }
0x52c: {  	v6 =	vld [tilespmem:s7+$0xFFFFFF10];
	v5 =	vadd.f32 v7, v5;
	[tilespmem:s14+$0x90] =	vst v1  }
0x52d: {  	v1 =	vld [tilespmem:s15+$0xA0];
	v2 =	vadd.f32 v8, v2  }
0x52e: {  	v5 =	vmax.f32 v5, $0.0e+00;
	v7 =	vld [tilespmem:s7+$0xA0]  }
0x52f: {  	[tilespmem:s14+$0xFFFFFF90] =	vst v5;
	v5 =	vld [tilespmem:s7+$0x10];
	v2 =	vmax.f32 v2, $0.0e+00  }
0x530: {  	v8 =	vld [tilespmem:s15+$0xFFFFFFA0];
	[tilespmem:s12+$0xFFFFFF60] =	vst v2  }
0x531: {  	v2 =	vadd.f32 v6, v4;
	v4 =	vld [tilespmem:s7+$0xFFFFFFA0]  }
0x532: {  	v6 =	vld [tilespmem:s8+$0xFFFFFFE0]  }
0x533: {  	v2 =	vmax.f32 v2, $0.0e+00;
	v1 =	vadd.f32 v7, v1;
	v7 =	vld [tilespmem:s13+$0x60]  }
0x534: {  	[tilespmem:s14+$0xFFFFFF10] =	vst v2;
	v0 =	vadd.f32 v5, v0;
	v2 =	vld [tilespmem:s8+$0x60]  }
0x535: {  	v5 =	vld [tilespmem:s15+$0xFFFFFF20];
	v1 =	vmax.f32 v1, $0.0e+00  }
0x536: {  	v9 =	vld [tilespmem:s7+$0xFFFFFF20];
	v4 =	vadd.f32 v4, v8;
	v0 =	vmax.f32 v0, $0.0e+00;
	[tilespmem:s14+$0xA0] =	vst v1  }
0x537: {  	[tilespmem:s14+$0x10] =	vst v0;
	v0 =	vld [tilespmem:s15+$0xB0];
	v1 =	vadd.f32 v6, v3  }
0x538: {  	v3 =	vmax.f32 v4, $0.0e+00;
	v4 =	vld [tilespmem:s7+$0xB0]  }
0x539: {  	[tilespmem:s14+$0xFFFFFFA0] =	vst v3;
	v3 =	vld [tilespmem:s15+$0x20];
	v1 =	vmax.f32 v1, $0.0e+00;
	v2 =	vadd.f32 v2, v7  }
0x53a: {  	v6 =	vld [tilespmem:s7+$0x20];
	[tilespmem:s12+$0xFFFFFFE0] =	vst v1  }
0x53b: {  	v1 =	vadd.f32 v9, v5;
	v5 =	vld [tilespmem:s15+$0xFFFFFFB0];
	v2 =	vmax.f32 v2, $0.0e+00  }
0x53c: {  	v7 =	vld [tilespmem:s7+$0xFFFFFFB0];
	[tilespmem:s12+$0x60] =	vst v2  }
0x53d: {  	v1 =	vmax.f32 v1, $0.0e+00;
	v0 =	vadd.f32 v4, v0;
	v2 =	vld [tilespmem:s13+$0xFFFFFF70]  }
0x53e: {  	[tilespmem:s14+$0xFFFFFF20] =	vst v1;
	v1 =	vld [tilespmem:s8+$0xFFFFFF70]  }
0x53f: {  	v4 =	vld [tilespmem:s15+$0xFFFFFF30];
	v3 =	vadd.f32 v6, v3;
	v0 =	vmax.f32 v0, $0.0e+00  }
0x540: {  	v6 =	vld [tilespmem:s7+$0xFFFFFF30];
	[tilespmem:s14+$0xB0] =	vst v0  }
0x541: {  	v0 =	vadd.f32 v7, v5;
	v3 =	vmax.f32 v3, $0.0e+00;
	v5 =	vld [tilespmem:s15+$0xC0]  }
0x542: {  	[tilespmem:s14+$0x20] =	vst v3;
	v3 =	vld [tilespmem:s7+$0xC0]  }
0x543: {  	v0 =	vmax.f32 v0, $0.0e+00;
	v7 =	vld [tilespmem:s15+$0x30];
	v1 =	vadd.f32 v1, v2  }
0x544: {  	[tilespmem:s14+$0xFFFFFFB0] =	vst v0;
	v0 =	vld [tilespmem:s7+$0x30]  }
0x545: {  	v2 =	vadd.f32 v6, v4;
	v4 =	vld [tilespmem:s15+$0xFFFFFFC0];
	v1 =	vmax.f32 v1, $0.0e+00  }
0x546: {  	v6 =	vld [tilespmem:s7+$0xFFFFFFC0];
	[tilespmem:s12+$0xFFFFFF70] =	vst v1  }
0x547: {  	v1 =	vmax.f32 v2, $0.0e+00;
	v2 =	vadd.f32 v3, v5;
	v3 =	vld [tilespmem:s13+$0xFFFFFFF0]  }
0x548: {  	[tilespmem:s14+$0xFFFFFF30] =	vst v1;
	v1 =	vld [tilespmem:s8+$0xFFFFFFF0]  }
0x549: {  	v5 =	vld [tilespmem:s15+$0xFFFFFF40];
	v0 =	vadd.f32 v0, v7;
	v2 =	vmax.f32 v2, $0.0e+00  }
0x54a: {  	v7 =	vld [tilespmem:s7+$0xFFFFFF40];
	[tilespmem:s14+$0xC0] =	vst v2  }
0x54b: {  	v2 =	vadd.f32 v6, v4;
	v0 =	vmax.f32 v0, $0.0e+00;
	v4 =	vld [tilespmem:s15+$0xD0]  }
0x54c: {  	[tilespmem:s14+$0x30] =	vst v0;
	v0 =	vld [tilespmem:s7+$0xD0]  }
0x54d: {  	v2 =	vmax.f32 v2, $0.0e+00;
	v6 =	vld [tilespmem:s15+$0x40];
	v1 =	vadd.f32 v1, v3  }
0x54e: {  	[tilespmem:s14+$0xFFFFFFC0] =	vst v2;
	v3 =	vld [tilespmem:s7+$0x40]  }
0x54f: {  	v2 =	vadd.f32 v7, v5;
	v5 =	vld [tilespmem:s15+$0xFFFFFFD0];
	v1 =	vmax.f32 v1, $0.0e+00  }
0x550: {  	v7 =	vld [tilespmem:s7+$0xFFFFFFD0];
	[tilespmem:s12+$0xFFFFFFF0] =	vst v1  }
0x551: {  	v1 =	vmax.f32 v2, $0.0e+00;
	v0 =	vadd.f32 v0, v4;
	v8 =	vld [tilespmem:s13+$0x70];
	s13 =	smov.u32 s15  }
0x552: {  	[tilespmem:s14+$0xFFFFFF40] =	vst v1;
	v9 =	vld [tilespmem:s8+$0x70];
	s8 =	smov.u32 s7  }
0x553: {  	v2 =	vld [tilespmem:s15+$0xFFFFFF50];
	v1 =	vadd.f32 v3, v6;
	v0 =	vmax.f32 v0, $0.0e+00  }
.Ltmp7:
0x554: {  	v4 =	vld [tilespmem:s7+$0xFFFFFF50];
	[tilespmem:s14+$0xD0] =	vst v0;
	(pc) =	sbr.rel @p0 .LBB2_15-.Ltmp7, $4  }
0x555: {  	v0 =	vadd.f32 v7, v5;
	v3 =	vmax.f32 v1, $0.0e+00;
	v1 =	vld [tilespmem:s15+$0xE0]  }
0x556: {  	[tilespmem:s14+$0x40] =	vst v3;
	v3 =	vld [tilespmem:s7+$0xE0]  }
0x557: {  	v6 =	vmax.f32 v0, $0.0e+00;
	v5 =	vld [tilespmem:s15+$0x50];
	v0 =	vadd.f32 v9, v8  }
0x558: {  	s15 =	sadd.s32 $0x200, s15;
	[tilespmem:s14+$0xFFFFFFD0] =	vst v6;
	v6 =	vld [tilespmem:s7+$0x50]  }
0x559: {  	_ =	sdelay $0x1  }
0x55a: {  	v2 =	vadd.f32 v4, v2;
	_ =	sdelay $0x1  }
0x55b: {  	v50 =	vld [tilespmem:s13+$0xFFFFFFE0];
	v2 =	vmax.f32 v2, $0.0e+00;
	v47 =	vadd.f32 v6, v5  }
0x55c: {  	v51 =	vld [tilespmem:s8+$0xFFFFFFE0];
	[tilespmem:s14+$0xFFFFFF50] =	vst v2  }
0x55d: {  	v48 =	vld [tilespmem:s13+$0xFFFFFF60];
	v2 =	vmax.f32 v47, $0.0e+00  }
0x55e: {  	v49 =	vld [tilespmem:s8+$0xFFFFFF60];
	[tilespmem:s14+$0x50] =	vst v2  }
0x55f: {  	v1 =	vadd.f32 v3, v1;
	v52 =	vld [tilespmem:s13+$0x60]  }
0x560: {  	v7 =	vld [tilespmem:s8+$0x60]  }
0x561: {  	v1 =	vmax.f32 v1, $0.0e+00;
	v2 =	vadd.f32 v51, v50  }
0x562: {  	[tilespmem:s14+$0xE0] =	vst v1  }
0x563: {  	v1 =	vld [tilespmem:s13+$0xF0];
	v4 =	vadd.f32 v49, v48;
	v2 =	vmax.f32 v2, $0.0e+00  }
0x564: {  	v53 =	vld [tilespmem:s8+$0xF0];
	[tilespmem:s14+$0xFFFFFFE0] =	vst v2  }
0x565: {  	v4 =	vmax.f32 v4, $0.0e+00;
	v55 =	vld [tilespmem:s13+$0xFFFFFFF0];
	v3 =	vadd.f32 v7, v52  }
0x566: {  	v56 =	vld [tilespmem:s8+$0xFFFFFFF0];
	[tilespmem:s14+$0xFFFFFF60] =	vst v4  }
0x567: {  	v4 =	vld [tilespmem:s13+$0xFFFFFF70];
	v3 =	vmax.f32 v3, $0.0e+00  }
0x568: {  	v54 =	vld [tilespmem:s8+$0xFFFFFF70];
	[tilespmem:s14+$0x60] =	vst v3  }
0x569: {  	v57 =	vld [tilespmem:s13+$0x70]  }
0x56a: {  	v8 =	vld [tilespmem:s8+$0x70];
	_ =	sdelay $0x1  }
0x56b: {  	v1 =	vadd.f32 v53, v1  }
0x56c: {  	v0 =	vmax.f32 v0, $0.0e+00;
	v59 =	vadd.f32 v56, v55  }
0x56d: {  	[tilespmem:s12+$0x70] =	vst v0;
	v58 =	vmax.f32 v1, $0.0e+00;
	v2 =	vadd.f32 v54, v4  }
0x56e: {  	[tilespmem:s14+$0xF0] =	vst v58;
	v62 =	vmax.f32 v59, $0.0e+00;
	v61 =	vadd.f32 v8, v57  }
0x56f: {  	[tilespmem:s14+$0xFFFFFFF0] =	vst v62;
	v60 =	vmax.f32 v2, $0.0e+00  }
0x570: {  	[tilespmem:s14+$0xFFFFFF70] =	vst v60;
	v63 =	vmax.f32 v61, $0.0e+00  }
0x571: {  	[tilespmem:s14+$0x70] =	vst v63  }
0x572: {  	s7 =	rddreg [dreg:$0x7]  }
0x573: {  	[hbm4b:s7+s3] =	stream.linear.scatter [tilespmem:s25], [sflag:$0x9], $0x1C00, $0x38;
	[tilespmem:$0x1DB00] =	vst v63  }
0x574: {  	_ =	swait.ge [sflag:s16], $0x2C00  }
0x575: {  	[sflag:s16] =	ssyncset.done $0x0  }
0x576: {  	s15 =	simm.s32 $0x6;
	[sflag:s16] =	ssyncadd.s32 $0xFFFFD400  }
0x577: {  	_ =	swait.ge [sflag:s15], $0x2C00  }
0x578: {  	[sflag:s15] =	ssyncset.done $0x0  }
0x579: {  	s16 =	simm.s32 $0x9;
	[sflag:s15] =	ssyncadd.s32 $0xFFFFD400  }
0x57a: {  	_ =	swait.ge [sflag:s16], $0x1C00  }
0x57b: {  	s11 =	rddreg [dreg:$0x9]  }
0x57c: {  	s18 =	rddreg [dreg:$0x8];
	s11 =	sadd.s32 $0x1, s11  }
0x57d: {  	p0 =	sne.s32 s11, s18  }
.Ltmp8:
0x57e: {  	_ = 	snop;
	(pc) =	sbr.rel @p0 .LBB2_1-.Ltmp8, $3  }
0x57f: {  	_ =	sdelay $0x1  }
0x580: {  	[sflag:s16] =	ssyncset.done $0x0  }
0x581: {  	[sflag:s16] =	ssyncadd.s32 $0xFFFFE400  }
0x582: {  	_ =	sfence.sel $0x180000  }
0x583: {  	[bflag:$0x0] =	sbarrier.arrive $0xFFFF  }
0x584: {  	_ =	strace $0x90000047  }
0x585: {  	s0 =	stileid.u32;
	[bflag:$0x2] =	sbarrier.arrive $0xFFFF  }
0x586: {  	p0 =	sne.s32 s0, $0x0;
	s0 =	rddreg [dreg:$0x2]  }
0x587: {  	s0 =	sadd.s32 @!p0 $0x100000, s0  }
0x588: {  	[sflag:s0] =	ssyncadd.tile.s32 @!p0 $0x1;
	_ =	shalt  }
.Lfunc_end2:
_tile_overlayer_lowered:
.L_overlay_start_2:
0x589: {  	(tag) =	ssettag $0x2  }
0x58a: {  	s0 =	rddreg [dreg:$0x0];
	s2 =	stileid.u32  }
0x58b: {  	s1 =	rddreg [dreg:$0x1];
	p0 =	sne.s32 s2, $0x0  }
0x58c: {  	s3 =	rddreg [dreg:$0x2];
	[bflag:$0x3] =	sbarrier.arrive $0xFFFF;
	s2 =	simm.s32 @!p0 $0x1C0A  }
0x58d: {  	[timem:s3], [sflag:s2] =	dma.local @!p0 [hbm:s0], s1  }
0x58e: {  	s0 =	simm.s32 @!p0 $0xA  }
0x58f: {  	_ =	swait.ge @!p0 [sflag:s0], s1  }
0x590: {  	s1 =	ssub.s32 @!p0 $0x0, s1;
	[sflag:s0] =	ssyncset.done @!p0 $0x0  }
0x591: {  	[sflag:s0] =	ssyncadd.s32 @!p0 s1  }
0x592: {  	[bflag:$0x3] =	sbarrier.arrive $0xFFFF  }
0x593: {  	_ =	shalt  }

</sc_bundles>
